<compile_context>
chip_gen: v7x
topology: tpu7x:2x2x1
jax: 0.10.2.dev20260603
libtpu: 0.0.44.dev20260713+nightly
codegen_flags: <defaults>
</compile_context>

<pallas_src>
import functools

import jax
import jax.numpy as jnp
from jax import lax
from jax.experimental import pallas as pl
from jax.experimental.pallas import tpu as pltpu
from jax.experimental.pallas import tpu_sc as plsc

TC = 64
LANES = 16


def _silu(v):
    return v * jax.nn.sigmoid(v)



def _meta_body(x_ref, g_ref, Ws1_ref, bs1_ref, Ws2_ref, bs2_ref, Wr_ref,
               xn_ref, base_ref, scale16_ref, dest_ref, te_ref, nt_ref):
    N, D = x_ref.shape
    E = Wr_ref.shape[0]
    NT = te_ref.shape[0]
    NWORK, CH = dest_ref.shape

    xv = x_ref[...]
    rs = jax.lax.rsqrt(jnp.mean(xv * xv, axis=1, keepdims=True) + 1e-6)
    xn = xv * rs * g_ref[...]
    xn_ref[...] = xn

    acc = xv
    for n in range(Ws1_ref.shape[0]):
        h = _silu(jnp.dot(xn, Ws1_ref[n], preferred_element_type=jnp.float32)
                  + bs1_ref[n])
        acc = acc + jnp.dot(h, Ws2_ref[n], preferred_element_type=jnp.float32) \
            + bs2_ref[n]
    base_ref[...] = acc

    aff = jax.lax.dot_general(xn, Wr_ref[...], (((1,), (1,)), ((), ())),
                              preferred_element_type=jnp.float32)
    idx = jnp.argmax(aff, axis=1)[:, None].astype(jnp.int32)
    scale16_ref[...] = jnp.broadcast_to(jnp.max(aff, axis=1)[:, None],
                                        scale16_ref.shape)

    eids = jax.lax.broadcasted_iota(jnp.int32, (N, E), 1)
    oh = (eids == idx).astype(jnp.float32)
    counts = jnp.sum(oh, axis=0, keepdims=True)
    tcount = jnp.floor((counts + (TC - 1)) / TC)

    er = jax.lax.broadcasted_iota(jnp.int32, (E, E), 0)
    ec = jax.lax.broadcasted_iota(jnp.int32, (E, E), 1)
    strict_lower = (er < ec).astype(jnp.float32)
    tile_start = jnp.dot(tcount, strict_lower,
                         preferred_element_type=jnp.float32)
    pof = tile_start * TC

    TB = 256
    tr = jax.lax.broadcasted_iota(jnp.int32, (TB, TB), 0)
    tcol = jax.lax.broadcasted_iota(jnp.int32, (TB, TB), 1)
    lower_inc = (tr >= tcol).astype(jnp.float32)
    carry = jnp.zeros((1, E), jnp.float32)
    for b in range(N // TB):
        blk = oh[b * TB:(b + 1) * TB]
        csum = jnp.dot(lower_inc, blk, preferred_element_type=jnp.float32) + carry
        rank = jnp.sum(blk * csum, axis=1, keepdims=True) - 1.0
        pofg = jnp.sum(blk * pof, axis=1, keepdims=True)
        dblk = (pofg + rank).astype(jnp.int32).reshape(TB // CH, CH)
        dest_ref[b * (TB // CH):(b + 1) * (TB // CH), :] = dblk
        carry = carry + jnp.sum(blk, axis=0, keepdims=True)

    tt = jax.lax.broadcasted_iota(jnp.int32, (NT, E), 0).astype(jnp.float32)
    ge = (tt >= tile_start).astype(jnp.float32)
    te_ref[...] = (jnp.sum(ge, axis=1, keepdims=True) - 1.0).astype(jnp.int32)
    nt_ref[...] = jnp.sum(tcount, axis=1, keepdims=True).astype(jnp.int32)



def _gmm_body(te_ref, nt_ref, xs_ref, W1_ref, b1_ref, W2_ref, b2_ref, y_ref):
    t = pl.program_id(0)

    @pl.when(t < nt_ref[0, 0])
    def _():
        e = te_ref[t, 0]
        h = _silu(jnp.dot(xs_ref[...], W1_ref[0],
                          preferred_element_type=jnp.float32) + b1_ref[e])
        y_ref[...] = jnp.dot(h, W2_ref[0],
                             preferred_element_type=jnp.float32) + b2_ref[e]



def _sc_info():
    info = plsc.get_sparse_core_info()
    return info.num_cores, info.num_subcores


def _make_sc_kernels(N, D, P):
    NC, NSUB = _sc_info()
    NW = NC * NSUB
    CH = N // NW
    mesh = plsc.VectorSubcoreMesh(core_axis_name="c", subcore_axis_name="s")

    @functools.partial(
        pl.kernel, mesh=mesh,
        out_type=jax.ShapeDtypeStruct((P, D), jnp.float32),
        scratch_types=[
            pltpu.VMEM((CH,), jnp.int32),
            pltpu.VMEM((CH, D), jnp.float32),
            pltpu.SemaphoreType.DMA,
        ],
    )
    def scatter_sorted(xn_hbm, dest_hbm, xs_hbm, destv, rows, sem):
        wid = lax.axis_index("s") * NC + lax.axis_index("c")
        start = wid * CH
        pltpu.sync_copy(dest_hbm.at[wid], destv)
        pltpu.sync_copy(xn_hbm.at[pl.ds(start, CH)], rows)
        pltpu.async_copy(rows, xs_hbm.at[destv], sem).wait()

    @functools.partial(
        pl.kernel, mesh=mesh,
        out_type=jax.ShapeDtypeStruct((N, D), jnp.float32),
        scratch_types=[
            pltpu.VMEM((CH,), jnp.int32),
            pltpu.VMEM((CH, LANES), jnp.float32),
            pltpu.VMEM((CH, D), jnp.float32),
            pltpu.VMEM((CH, D), jnp.float32),
            pltpu.SemaphoreType.DMA,
        ],
    )
    def gather_combine(y_hbm, dest_hbm, scale16_hbm, base_hbm, out_hbm,
                       destv, srows, yrows, brows, sem):
        wid = lax.axis_index("s") * NC + lax.axis_index("c")
        start = wid * CH
        pltpu.sync_copy(dest_hbm.at[wid], destv)
        gath = pltpu.async_copy(y_hbm.at[destv], yrows, sem)
        pltpu.sync_copy(scale16_hbm.at[pl.ds(start, CH)], srows)
        pltpu.sync_copy(base_hbm.at[pl.ds(start, CH)], brows)
        gath.wait()

        def row_body(r, carry):
            srow = srows[r, :]
            for c in range(D // LANES):
                seg = pl.ds(c * LANES, LANES)
                brows[r, seg] = brows[r, seg] + srow * yrows[r, seg]
            return carry

        lax.fori_loop(0, CH, row_body, 0)
        pltpu.sync_copy(brows, out_hbm.at[pl.ds(start, CH)])

    return scatter_sorted, gather_combine



def kernel(x, g, Ws1, bs1, Ws2, bs2, Wr, W1, b1, W2, b2):
    B, S, D = x.shape
    NS, _, DH = Ws1.shape
    E = W1.shape[0]
    N = B * S
    NT = N // TC + E
    P = NT * TC

    xf = x.reshape(N, D)
    g2 = g.reshape(1, D)
    NC, NSUB = _sc_info()
    NW = NC * NSUB
    CH = N // NW

    xn, base, scale16, dest, te, nt = pl.pallas_call(
        _meta_body,
        grid=(1,),
        in_specs=[
            pl.BlockSpec((N, D), lambda i: (0, 0)),
            pl.BlockSpec((1, D), lambda i: (0, 0)),
            pl.BlockSpec((NS, D, DH), lambda i: (0, 0, 0)),
            pl.BlockSpec((NS, 1, DH), lambda i: (0, 0, 0)),
            pl.BlockSpec((NS, DH, D), lambda i: (0, 0, 0)),
            pl.BlockSpec((NS, 1, D), lambda i: (0, 0, 0)),
            pl.BlockSpec((E, D), lambda i: (0, 0)),
        ],
        out_specs=[
            pl.BlockSpec((N, D), lambda i: (0, 0)),
            pl.BlockSpec((N, D), lambda i: (0, 0)),
            pl.BlockSpec((N, LANES), lambda i: (0, 0)),
            pl.BlockSpec((NW, CH), lambda i: (0, 0)),
            pl.BlockSpec((NT, 1), lambda i: (0, 0)),
            pl.BlockSpec((1, 1), lambda i: (0, 0)),
        ],
        out_shape=[
            jax.ShapeDtypeStruct((N, D), jnp.float32),
            jax.ShapeDtypeStruct((N, D), jnp.float32),
            jax.ShapeDtypeStruct((N, LANES), jnp.float32),
            jax.ShapeDtypeStruct((NW, CH), jnp.int32),
            jax.ShapeDtypeStruct((NT, 1), jnp.int32),
            jax.ShapeDtypeStruct((1, 1), jnp.int32),
        ],
    )(xf, g2, Ws1, bs1, Ws2, bs2, Wr)

    scatter_sorted, gather_combine = _make_sc_kernels(N, D, P)
    xs = scatter_sorted(xn, dest)

    grid_spec = pltpu.PrefetchScalarGridSpec(
        num_scalar_prefetch=2,
        grid=(NT,),
        in_specs=[
            pl.BlockSpec((TC, D),
                         lambda t, te_, nt_: (jnp.minimum(t, nt_[0, 0] - 1), 0)),
            pl.BlockSpec((1, D, DH), lambda t, te_, nt_: (te_[t, 0], 0, 0)),
            pl.BlockSpec((E, 1, DH), lambda t, te_, nt_: (0, 0, 0)),
            pl.BlockSpec((1, DH, D), lambda t, te_, nt_: (te_[t, 0], 0, 0)),
            pl.BlockSpec((E, 1, D), lambda t, te_, nt_: (0, 0, 0)),
        ],
        out_specs=pl.BlockSpec(
            (TC, D), lambda t, te_, nt_: (jnp.minimum(t, nt_[0, 0] - 1), 0)),
    )
    y = pl.pallas_call(
        _gmm_body,
        grid_spec=grid_spec,
        out_shape=jax.ShapeDtypeStruct((P, D), jnp.float32),
    )(te, nt, xs, W1, b1, W2, b2)

    out = gather_combine(y, dest, scale16, base)
    return out.reshape(B, S, D)

# --- scband reference (transcript-rebuilt; emitter-appended) ---
"""Pipeline reference for scband-deep-seek-mo-e-22239340659168 (READ-ONLY COPY).

The authoritative reference and input builder live on the scoring server;
editing this copy changes nothing except your own understanding.
"""

import jax, jax.numpy as jnp
import numpy as np

B, S, D = 1, 2048, 768
DH = 128
E = 64
K = 1
NS = 2

def _rmsnorm(x, g, eps=1e-6):
    return x * jax.lax.rsqrt(jnp.mean(x * x, axis=-1, keepdims=True) + eps) * g

def _silu(x):
    return x * jax.nn.sigmoid(x)

def setup_inputs(seed: int = 0):
    key = jax.random.key(seed)
    ks = jax.random.split(key, 8)
    b_in = 1.0 / np.sqrt(D)
    b_out = 1.0 / np.sqrt(D)
    x = jax.random.normal(ks[0], (B, S, D), dtype=jnp.float32)
    g = jnp.ones((D,), dtype=jnp.float32)
    Ws1 = jax.random.uniform(ks[1], (NS, D, DH), jnp.float32, -b_in, b_in)
    bs1 = jnp.zeros((NS, 1, DH), jnp.float32)
    Ws2 = jax.random.uniform(ks[2], (NS, DH, D), jnp.float32, -b_out, b_out)
    bs2 = jnp.zeros((NS, 1, D), jnp.float32)
    Wr = jax.random.uniform(ks[3], (E, D), jnp.float32, -b_in, b_in)
    W1 = jax.random.uniform(ks[4], (E, D, DH), jnp.float32, -b_in, b_in)
    b1 = jnp.zeros((E, 1, DH), jnp.float32)
    W2 = jax.random.uniform(ks[5], (E, DH, D), jnp.float32, -b_out, b_out)
    b2 = jnp.zeros((E, 1, D), jnp.float32)
    return {"x": x, "g": g, "Ws1": Ws1, "bs1": bs1, "Ws2": Ws2, "bs2": bs2,
            "Wr": Wr, "W1": W1, "b1": b1, "W2": W2, "b2": b2}

def reference(x, g, Ws1, bs1, Ws2, bs2, Wr, W1, b1, W2, b2):
    b, s, d = x.shape
    inputs = _rmsnorm(x, g)
    xf = inputs.reshape(-1, d)
    # SharedExperts: batched FFN over NS experts, summed
    hs = _silu(jnp.einsum('nd,edh->enh', xf, Ws1) + bs1)
    shared = jnp.einsum('enh,ehd->end', hs, Ws2) + bs2
    shared_out = shared.reshape(NS, b, s, d).sum(axis=0)
    # Router
    raw_aff = jnp.einsum('bsd,ed->bse', inputs, Wr)  # (B,S,E)
    # RoutedExperts: per-token top-k expert weight gather (memory-heavy)
    _, idx = jax.lax.top_k(raw_aff, K)  # (B,S,K)
    W1g = W1[idx]                # (B,S,K,D,DH) gather
    b1g = b1[idx][..., 0, :]     # (B,S,K,DH)
    W2g = W2[idx]                # (B,S,K,DH,D)
    b2g = b2[idx][..., 0, :]     # (B,S,K,D)
    h = _silu(jnp.einsum('bsd,bskdh->bskh', inputs, W1g) + b1g)
    routed = jnp.einsum('bskh,bskhd->bskd', h, W2g) + b2g  # (B,S,K,D)
    act_aff = jnp.take_along_axis(raw_aff, idx, axis=-1)   # (B,S,K)
    routed_out = jnp.einsum('bsk,bskd->bsd', act_aff, routed)
    return x + shared_out + routed_out

if __name__ == "__main__":
    import jax
    _d = setup_inputs()
    print(jax.jit(kernel)(*tuple(_d.values())))

</pallas_src>

<mosaic_0001>
#map = affine_map<(d0, d1) -> (0, 0)>
module attributes {stable_mosaic.version = 14 : i64} {
  func.func @gather_combine(%arg0: i32, %arg1: i32, %arg2: memref<6144x768xf32, #tpu.memory_space<hbm>>, %arg3: memref<32x64xi32, #tpu.memory_space<hbm>>, %arg4: memref<2048x16xf32, #tpu.memory_space<hbm>>, %arg5: memref<2048x768xf32, #tpu.memory_space<hbm>>, %arg6: memref<2048x768xf32, #tpu.memory_space<hbm>>, %arg7: memref<64xi32, #tpu.memory_space<vmem>>, %arg8: memref<64x16xf32, #tpu.memory_space<vmem>>, %arg9: memref<64x768xf32, #tpu.memory_space<vmem>>, %arg10: memref<64x768xf32, #tpu.memory_space<vmem>>, %arg11: memref<!tpu.dma_semaphore, #tpu.memory_space<semaphore_mem>>) attributes {dimension_semantics = [#tpu.dimension_semantics<core_parallel>, #tpu.dimension_semantics<subcore_parallel>], iteration_bounds = array<i64: 2, 16>, scalar_prefetch = 0 : i64, scratch_operands = 5 : i64, tpu.core_type = #tpu.core_type<sc_vector_subcore>, window_params = [{transform_indices = #map}, {transform_indices = #map}, {transform_indices = #map}, {transform_indices = #map}, {transform_indices = #map}]} {
    %mul3A = arith.constant 2 : i32
    %mul3A_0 = arith.muli %arg1, %mul3A : i32
    %add3A = arith.addi %mul3A_0, %arg0 : i32
    %mul3A_1 = arith.constant 64 : i32
    %mul3A_2 = arith.muli %add3A, %mul3A_1 : i32
    "tpu.region"() ({
      %run_scoped3A = tpu.sem_alloc : memref<!tpu.dma_semaphore, #tpu.memory_space<semaphore_mem>>
      %dma_start3A_12 = arith.constant 0 : i32
      %dma_start3A_13 = tpu.memref_slice %arg3[%add3A, %dma_start3A_12] : memref<32x64xi32, #tpu.memory_space<hbm>> -> memref<1x64xi32, #tpu.memory_space<hbm>>
      %dma_start3A_14 = tpu.memref_squeeze %dma_start3A_13 : memref<1x64xi32, #tpu.memory_space<hbm>> -> memref<64xi32, #tpu.memory_space<hbm>>
      %dma_start3A_15 = arith.constant 0 : i32
      %dma_start3A_16 = tpu.memref_slice %arg3[%add3A, %dma_start3A_15] : memref<32x64xi32, #tpu.memory_space<hbm>> -> memref<1x64xi32, #tpu.memory_space<hbm>>
      %dma_start3A_17 = tpu.memref_squeeze %dma_start3A_16 : memref<1x64xi32, #tpu.memory_space<hbm>> -> memref<64xi32, #tpu.memory_space<hbm>>
      tpu.enqueue_dma source(%dma_start3A_17 : memref<64xi32, #tpu.memory_space<hbm>>) target(%arg7 : memref<64xi32, #tpu.memory_space<vmem>>) target_semaphore(%run_scoped3A : memref<!tpu.dma_semaphore, #tpu.memory_space<semaphore_mem>>)
      %dma_wait3A_18 = arith.constant 0 : i32
      %dma_wait3A_19 = tpu.memref_slice %arg3[%add3A, %dma_wait3A_18] : memref<32x64xi32, #tpu.memory_space<hbm>> -> memref<1x64xi32, #tpu.memory_space<hbm>>
      %dma_wait3A_20 = tpu.memref_squeeze %dma_wait3A_19 : memref<1x64xi32, #tpu.memory_space<hbm>> -> memref<64xi32, #tpu.memory_space<hbm>>
      %dma_wait3A_21 = arith.constant 0 : i32
      %dma_wait3A_22 = tpu.memref_slice %arg3[%add3A, %dma_wait3A_21] : memref<32x64xi32, #tpu.memory_space<hbm>> -> memref<1x64xi32, #tpu.memory_space<hbm>>
      %dma_wait3A_23 = tpu.memref_squeeze %dma_wait3A_22 : memref<1x64xi32, #tpu.memory_space<hbm>> -> memref<64xi32, #tpu.memory_space<hbm>>
      tpu.wait_dma2 semaphore(%run_scoped3A : memref<!tpu.dma_semaphore, #tpu.memory_space<semaphore_mem>>) src(%dma_wait3A_23 : memref<64xi32, #tpu.memory_space<hbm>>) dst(%arg7 : memref<64xi32, #tpu.memory_space<vmem>>)
      tpu.yield
    }) : () -> ()
    %dma_start3A = arith.constant 0 : i32
    %dma_start3A_3 = arith.constant 0 : i32
    %dma_start3A_4 = tpu.memref_slice %arg2[%dma_start3A, %dma_start3A_3] : memref<6144x768xf32, #tpu.memory_space<hbm>> -> memref<6144x768xf32, #tpu.memory_space<hbm>>
    tpu.enqueue_indirect_dma source(%dma_start3A_4 : memref<6144x768xf32, #tpu.memory_space<hbm>>) target(%arg9 : memref<64x768xf32, #tpu.memory_space<vmem>>) offsets(%arg7 : memref<64xi32, #tpu.memory_space<vmem>>) semaphore(%arg11 : memref<!tpu.dma_semaphore, #tpu.memory_space<semaphore_mem>>)
    "tpu.region"() ({
      %run_scoped3A = tpu.sem_alloc : memref<!tpu.dma_semaphore, #tpu.memory_space<semaphore_mem>>
      %dma_start3A_12 = arith.constant 0 : i32
      %dma_start3A_13 = tpu.memref_slice %arg4[%mul3A_2, %dma_start3A_12] : memref<2048x16xf32, #tpu.memory_space<hbm>> -> memref<64x16xf32, #tpu.memory_space<hbm>>
      %dma_start3A_14 = arith.constant 0 : i32
      %dma_start3A_15 = tpu.memref_slice %arg4[%mul3A_2, %dma_start3A_14] : memref<2048x16xf32, #tpu.memory_space<hbm>> -> memref<64x16xf32, #tpu.memory_space<hbm>>
      tpu.enqueue_dma source(%dma_start3A_15 : memref<64x16xf32, #tpu.memory_space<hbm>>) target(%arg8 : memref<64x16xf32, #tpu.memory_space<vmem>>) target_semaphore(%run_scoped3A : memref<!tpu.dma_semaphore, #tpu.memory_space<semaphore_mem>>)
      %dma_wait3A_16 = arith.constant 0 : i32
      %dma_wait3A_17 = tpu.memref_slice %arg4[%mul3A_2, %dma_wait3A_16] : memref<2048x16xf32, #tpu.memory_space<hbm>> -> memref<64x16xf32, #tpu.memory_space<hbm>>
      %dma_wait3A_18 = arith.constant 0 : i32
      %dma_wait3A_19 = tpu.memref_slice %arg4[%mul3A_2, %dma_wait3A_18] : memref<2048x16xf32, #tpu.memory_space<hbm>> -> memref<64x16xf32, #tpu.memory_space<hbm>>
      tpu.wait_dma2 semaphore(%run_scoped3A : memref<!tpu.dma_semaphore, #tpu.memory_space<semaphore_mem>>) src(%dma_wait3A_19 : memref<64x16xf32, #tpu.memory_space<hbm>>) dst(%arg8 : memref<64x16xf32, #tpu.memory_space<vmem>>)
      tpu.yield
    }) : () -> ()
    "tpu.region"() ({
      %run_scoped3A = tpu.sem_alloc : memref<!tpu.dma_semaphore, #tpu.memory_space<semaphore_mem>>
      %dma_start3A_12 = arith.constant 0 : i32
      %dma_start3A_13 = tpu.memref_slice %arg5[%mul3A_2, %dma_start3A_12] : memref<2048x768xf32, #tpu.memory_space<hbm>> -> memref<64x768xf32, #tpu.memory_space<hbm>>
      %dma_start3A_14 = arith.constant 0 : i32
      %dma_start3A_15 = tpu.memref_slice %arg5[%mul3A_2, %dma_start3A_14] : memref<2048x768xf32, #tpu.memory_space<hbm>> -> memref<64x768xf32, #tpu.memory_space<hbm>>
      tpu.enqueue_dma source(%dma_start3A_15 : memref<64x768xf32, #tpu.memory_space<hbm>>) target(%arg10 : memref<64x768xf32, #tpu.memory_space<vmem>>) target_semaphore(%run_scoped3A : memref<!tpu.dma_semaphore, #tpu.memory_space<semaphore_mem>>)
      %dma_wait3A_16 = arith.constant 0 : i32
      %dma_wait3A_17 = tpu.memref_slice %arg5[%mul3A_2, %dma_wait3A_16] : memref<2048x768xf32, #tpu.memory_space<hbm>> -> memref<64x768xf32, #tpu.memory_space<hbm>>
      %dma_wait3A_18 = arith.constant 0 : i32
      %dma_wait3A_19 = tpu.memref_slice %arg5[%mul3A_2, %dma_wait3A_18] : memref<2048x768xf32, #tpu.memory_space<hbm>> -> memref<64x768xf32, #tpu.memory_space<hbm>>
      tpu.wait_dma2 semaphore(%run_scoped3A : memref<!tpu.dma_semaphore, #tpu.memory_space<semaphore_mem>>) src(%dma_wait3A_19 : memref<64x768xf32, #tpu.memory_space<hbm>>) dst(%arg10 : memref<64x768xf32, #tpu.memory_space<vmem>>)
      tpu.yield
    }) : () -> ()
    %dma_wait3A = arith.constant 0 : i32
    %dma_wait3A_5 = arith.constant 0 : i32
    %dma_wait3A_6 = tpu.memref_slice %arg2[%dma_wait3A, %dma_wait3A_5] : memref<6144x768xf32, #tpu.memory_space<hbm>> -> memref<6144x768xf32, #tpu.memory_space<hbm>>
    tpu.wait_indirect_dma semaphore(%arg11 : memref<!tpu.dma_semaphore, #tpu.memory_space<semaphore_mem>>) src(%dma_wait3A_6 : memref<6144x768xf32, #tpu.memory_space<hbm>>) dst(%arg9 : memref<64x768xf32, #tpu.memory_space<vmem>>)
    %scan3A = arith.constant 0 : i32
    %scan3A_7 = arith.constant 0 : i32
    %scan3A_8 = arith.constant 64 : i32
    %scan3A_9 = arith.addi %scan3A_7, %scan3A_8 : i32
    %scan3A_10 = arith.constant 1 : i32
    scf.for %scan3A_12 = %scan3A_7 to %scan3A_9 step %scan3A_10  : i32 {
      %get3A = arith.index_cast %scan3A_12 : i32 to index
      %get3A_13 = arith.constant 0 : index
      %get3A_14 = tpu.vector_load %arg8[%get3A, %get3A_13] {strides = array<i32>} : memref<64x16xf32, #tpu.memory_space<vmem>>, vector<1x16xf32>,
      %get3A_15 = vector.shape_cast %get3A_14 : vector<1x16xf32> to vector<16xf32>
      %get3A_16 = arith.index_cast %scan3A_12 : i32 to index
      %get3A_17 = arith.constant 0 : index
      %get3A_18 = tpu.vector_load %arg10[%get3A_16, %get3A_17] {strides = array<i32>} : memref<64x768xf32, #tpu.memory_space<vmem>>, vector<1x16xf32>,
      %get3A_19 = vector.shape_cast %get3A_18 : vector<1x16xf32> to vector<16xf32>
      %get3A_20 = arith.index_cast %scan3A_12 : i32 to index
      %get3A_21 = arith.constant 0 : index
      %get3A_22 = tpu.vector_load %arg9[%get3A_20, %get3A_21] {strides = array<i32>} : memref<64x768xf32, #tpu.memory_space<vmem>>, vector<1x16xf32>,
      %get3A_23 = vector.shape_cast %get3A_22 : vector<1x16xf32> to vector<16xf32>
      %mul3A_24 = arith.mulf %get3A_15, %get3A_23 : vector<16xf32>
      %add3A_25 = arith.addf %get3A_19, %mul3A_24 : vector<16xf32>
      %swap3A = arith.index_cast %scan3A_12 : i32 to index
      %swap3A_26 = arith.constant 0 : index
      %swap3A_27 = tpu.vector_load %arg10[%swap3A, %swap3A_26] {strides = array<i32>} : memref<64x768xf32, #tpu.memory_space<vmem>>, vector<1x16xf32>,
      %swap3A_28 = vector.shape_cast %swap3A_27 : vector<1x16xf32> to vector<16xf32>
      %swap3A_29 = vector.shape_cast %add3A_25 : vector<16xf32> to vector<1x16xf32>
      tpu.vector_store %arg10[%swap3A, %swap3A_26], %swap3A_29 {strides = array<i32>} : memref<64x768xf32, #tpu.memory_space<vmem>>, vector<1x16xf32>,
      %get3A_30 = arith.index_cast %scan3A_12 : i32 to index
      %get3A_31 = arith.constant 16 : index
      %get3A_32 = tpu.vector_load %arg10[%get3A_30, %get3A_31] {strides = array<i32>} : memref<64x768xf32, #tpu.memory_space<vmem>>, vector<1x16xf32>,
      %get3A_33 = vector.shape_cast %get3A_32 : vector<1x16xf32> to vector<16xf32>
      %get3A_34 = arith.index_cast %scan3A_12 : i32 to index
      %get3A_35 = arith.constant 16 : index
      %get3A_36 = tpu.vector_load %arg9[%get3A_34, %get3A_35] {strides = array<i32>} : memref<64x768xf32, #tpu.memory_space<vmem>>, vector<1x16xf32>,
      %get3A_37 = vector.shape_cast %get3A_36 : vector<1x16xf32> to vector<16xf32>
      %mul3A_38 = arith.mulf %get3A_15, %get3A_37 : vector<16xf32>
      %add3A_39 = arith.addf %get3A_33, %mul3A_38 : vector<16xf32>
      %swap3A_40 = arith.index_cast %scan3A_12 : i32 to index
      %swap3A_41 = arith.constant 16 : index
      %swap3A_42 = tpu.vector_load %arg10[%swap3A_40, %swap3A_41] {strides = array<i32>} : memref<64x768xf32, #tpu.memory_space<vmem>>, vector<1x16xf32>,
      %swap3A_43 = vector.shape_cast %swap3A_42 : vector<1x16xf32> to vector<16xf32>
      %swap3A_44 = vector.shape_cast %add3A_39 : vector<16xf32> to vector<1x16xf32>
      tpu.vector_store %arg10[%swap3A_40, %swap3A_41], %swap3A_44 {strides = array<i32>} : memref<64x768xf32, #tpu.memory_space<vmem>>, vector<1x16xf32>,
      %get3A_45 = arith.index_cast %scan3A_12 : i32 to index
      %get3A_46 = arith.constant 32 : index
      %get3A_47 = tpu.vector_load %arg10[%get3A_45, %get3A_46] {strides = array<i32>} : memref<64x768xf32, #tpu.memory_space<vmem>>, vector<1x16xf32>,
      %get3A_48 = vector.shape_cast %get3A_47 : vector<1x16xf32> to vector<16xf32>
      %get3A_49 = arith.index_cast %scan3A_12 : i32 to index
      %get3A_50 = arith.constant 32 : index
      %get3A_51 = tpu.vector_load %arg9[%get3A_49, %get3A_50] {strides = array<i32>} : memref<64x768xf32, #tpu.memory_space<vmem>>, vector<1x16xf32>,
      %get3A_52 = vector.shape_cast %get3A_51 : vector<1x16xf32> to vector<16xf32>
      %mul3A_53 = arith.mulf %get3A_15, %get3A_52 : vector<16xf32>
      %add3A_54 = arith.addf %get3A_48, %mul3A_53 : vector<16xf32>
      %swap3A_55 = arith.index_cast %scan3A_12 : i32 to index
      %swap3A_56 = arith.constant 32 : index
      %swap3A_57 = tpu.vector_load %arg10[%swap3A_55, %swap3A_56] {strides = array<i32>} : memref<64x768xf32, #tpu.memory_space<vmem>>, vector<1x16xf32>,
      %swap3A_58 = vector.shape_cast %swap3A_57 : vector<1x16xf32> to vector<16xf32>
      %swap3A_59 = vector.shape_cast %add3A_54 : vector<16xf32> to vector<1x16xf32>
      tpu.vector_store %arg10[%swap3A_55, %swap3A_56], %swap3A_59 {strides = array<i32>} : memref<64x768xf32, #tpu.memory_space<vmem>>, vector<1x16xf32>,
      %get3A_60 = arith.index_cast %scan3A_12 : i32 to index
      %get3A_61 = arith.constant 48 : index
      %get3A_62 = tpu.vector_load %arg10[%get3A_60, %get3A_61] {strides = array<i32>} : memref<64x768xf32, #tpu.memory_space<vmem>>, vector<1x16xf32>,
      %get3A_63 = vector.shape_cast %get3A_62 : vector<1x16xf32> to vector<16xf32>
      %get3A_64 = arith.index_cast %scan3A_12 : i32 to index
      %get3A_65 = arith.constant 48 : index
      %get3A_66 = tpu.vector_load %arg9[%get3A_64, %get3A_65] {strides = array<i32>} : memref<64x768xf32, #tpu.memory_space<vmem>>, vector<1x16xf32>,
      %get3A_67 = vector.shape_cast %get3A_66 : vector<1x16xf32> to vector<16xf32>
      %mul3A_68 = arith.mulf %get3A_15, %get3A_67 : vector<16xf32>
      %add3A_69 = arith.addf %get3A_63, %mul3A_68 : vector<16xf32>
      %swap3A_70 = arith.index_cast %scan3A_12 : i32 to index
      %swap3A_71 = arith.constant 48 : index
      %swap3A_72 = tpu.vector_load %arg10[%swap3A_70, %swap3A_71] {strides = array<i32>} : memref<64x768xf32, #tpu.memory_space<vmem>>, vector<1x16xf32>,
      %swap3A_73 = vector.shape_cast %swap3A_72 : vector<1x16xf32> to vector<16xf32>
      %swap3A_74 = vector.shape_cast %add3A_69 : vector<16xf32> to vector<1x16xf32>
      tpu.vector_store %arg10[%swap3A_70, %swap3A_71], %swap3A_74 {strides = array<i32>} : memref<64x768xf32, #tpu.memory_space<vmem>>, vector<1x16xf32>,
      %get3A_75 = arith.index_cast %scan3A_12 : i32 to index
      %get3A_76 = arith.constant 64 : index
      %get3A_77 = tpu.vector_load %arg10[%get3A_75, %get3A_76] {strides = array<i32>} : memref<64x768xf32, #tpu.memory_space<vmem>>, vector<1x16xf32>,
      %get3A_78 = vector.shape_cast %get3A_77 : vector<1x16xf32> to vector<16xf32>
      %get3A_79 = arith.index_cast %scan3A_12 : i32 to index
      %get3A_80 = arith.constant 64 : index
      %get3A_81 = tpu.vector_load %arg9[%get3A_79, %get3A_80] {strides = array<i32>} : memref<64x768xf32, #tpu.memory_space<vmem>>, vector<1x16xf32>,
      %get3A_82 = vector.shape_cast %get3A_81 : vector<1x16xf32> to vector<16xf32>
      %mul3A_83 = arith.mulf %get3A_15, %get3A_82 : vector<16xf32>
      %add3A_84 = arith.addf %get3A_78, %mul3A_83 : vector<16xf32>
      %swap3A_85 = arith.index_cast %scan3A_12 : i32 to index
      %swap3A_86 = arith.constant 64 : index
      %swap3A_87 = tpu.vector_load %arg10[%swap3A_85, %swap3A_86] {strides = array<i32>} : memref<64x768xf32, #tpu.memory_space<vmem>>, vector<1x16xf32>,
      %swap3A_88 = vector.shape_cast %swap3A_87 : vector<1x16xf32> to vector<16xf32>
      %swap3A_89 = vector.shape_cast %add3A_84 : vector<16xf32> to vector<1x16xf32>
      tpu.vector_store %arg10[%swap3A_85, %swap3A_86], %swap3A_89 {strides = array<i32>} : memref<64x768xf32, #tpu.memory_space<vmem>>, vector<1x16xf32>,
      %get3A_90 = arith.index_cast %scan3A_12 : i32 to index
      %get3A_91 = arith.constant 80 : index
      %get3A_92 = tpu.vector_load %arg10[%get3A_90, %get3A_91] {strides = array<i32>} : memref<64x768xf32, #tpu.memory_space<vmem>>, vector<1x16xf32>,
      %get3A_93 = vector.shape_cast %get3A_92 : vector<1x16xf32> to vector<16xf32>
      %get3A_94 = arith.index_cast %scan3A_12 : i32 to index
      %get3A_95 = arith.constant 80 : index
      %get3A_96 = tpu.vector_load %arg9[%get3A_94, %get3A_95] {strides = array<i32>} : memref<64x768xf32, #tpu.memory_space<vmem>>, vector<1x16xf32>,
      %get3A_97 = vector.shape_cast %get3A_96 : vector<1x16xf32> to vector<16xf32>
      %mul3A_98 = arith.mulf %get3A_15, %get3A_97 : vector<16xf32>
      %add3A_99 = arith.addf %get3A_93, %mul3A_98 : vector<16xf32>
      %swap3A_100 = arith.index_cast %scan3A_12 : i32 to index
      %swap3A_101 = arith.constant 80 : index
      %swap3A_102 = tpu.vector_load %arg10[%swap3A_100, %swap3A_101] {strides = array<i32>} : memref<64x768xf32, #tpu.memory_space<vmem>>, vector<1x16xf32>,
      %swap3A_103 = vector.shape_cast %swap3A_102 : vector<1x16xf32> to vector<16xf32>
      %swap3A_104 = vector.shape_cast %add3A_99 : vector<16xf32> to vector<1x16xf32>
      tpu.vector_store %arg10[%swap3A_100, %swap3A_101], %swap3A_104 {strides = array<i32>} : memref<64x768xf32, #tpu.memory_space<vmem>>, vector<1x16xf32>,
      %get3A_105 = arith.index_cast %scan3A_12 : i32 to index
      %get3A_106 = arith.constant 96 : index
      %get3A_107 = tpu.vector_load %arg10[%get3A_105, %get3A_106] {strides = array<i32>} : memref<64x768xf32, #tpu.memory_space<vmem>>, vector<1x16xf32>,
      %get3A_108 = vector.shape_cast %get3A_107 : vector<1x16xf32> to vector<16xf32>
      %get3A_109 = arith.index_cast %scan3A_12 : i32 to index
      %get3A_110 = arith.constant 96 : index
      %get3A_111 = tpu.vector_load %arg9[%get3A_109, %get3A_110] {strides = array<i32>} : memref<64x768xf32, #tpu.memory_space<vmem>>, vector<1x16xf32>,
      %get3A_112 = vector.shape_cast %get3A_111 : vector<1x16xf32> to vector<16xf32>
      %mul3A_113 = arith.mulf %get3A_15, %get3A_112 : vector<16xf32>
      %add3A_114 = arith.addf %get3A_108, %mul3A_113 : vector<16xf32>
      %swap3A_115 = arith.index_cast %scan3A_12 : i32 to index
      %swap3A_116 = arith.constant 96 : index
      %swap3A_117 = tpu.vector_load %arg10[%swap3A_115, %swap3A_116] {strides = array<i32>} : memref<64x768xf32, #tpu.memory_space<vmem>>, vector<1x16xf32>,
      %swap3A_118 = vector.shape_cast %swap3A_117 : vector<1x16xf32> to vector<16xf32>
      %swap3A_119 = vector.shape_cast %add3A_114 : vector<16xf32> to vector<1x16xf32>
      tpu.vector_store %arg10[%swap3A_115, %swap3A_116], %swap3A_119 {strides = array<i32>} : memref<64x768xf32, #tpu.memory_space<vmem>>, vector<1x16xf32>,
      %get3A_120 = arith.index_cast %scan3A_12 : i32 to index
      %get3A_121 = arith.constant 112 : index
      %get3A_122 = tpu.vector_load %arg10[%get3A_120, %get3A_121] {strides = array<i32>} : memref<64x768xf32, #tpu.memory_space<vmem>>, vector<1x16xf32>,
      %get3A_123 = vector.shape_cast %get3A_122 : vector<1x16xf32> to vector<16xf32>
      %get3A_124 = arith.index_cast %scan3A_12 : i32 to index
      %get3A_125 = arith.constant 112 : index
      %get3A_126 = tpu.vector_load %arg9[%get3A_124, %get3A_125] {strides = array<i32>} : memref<64x768xf32, #tpu.memory_space<vmem>>, vector<1x16xf32>,
      %get3A_127 = vector.shape_cast %get3A_126 : vector<1x16xf32> to vector<16xf32>
      %mul3A_128 = arith.mulf %get3A_15, %get3A_127 : vector<16xf32>
      %add3A_129 = arith.addf %get3A_123, %mul3A_128 : vector<16xf32>
      %swap3A_130 = arith.index_cast %scan3A_12 : i32 to index
      %swap3A_131 = arith.constant 112 : index
      %swap3A_132 = tpu.vector_load %arg10[%swap3A_130, %swap3A_131] {strides = array<i32>} : memref<64x768xf32, #tpu.memory_space<vmem>>, vector<1x16xf32>,
      %swap3A_133 = vector.shape_cast %swap3A_132 : vector<1x16xf32> to vector<16xf32>
      %swap3A_134 = vector.shape_cast %add3A_129 : vector<16xf32> to vector<1x16xf32>
      tpu.vector_store %arg10[%swap3A_130, %swap3A_131], %swap3A_134 {strides = array<i32>} : memref<64x768xf32, #tpu.memory_space<vmem>>, vector<1x16xf32>,
      %get3A_135 = arith.index_cast %scan3A_12 : i32 to index
      %get3A_136 = arith.constant 128 : index
      %get3A_137 = tpu.vector_load %arg10[%get3A_135, %get3A_136] {strides = array<i32>} : memref<64x768xf32, #tpu.memory_space<vmem>>, vector<1x16xf32>,
      %get3A_138 = vector.shape_cast %get3A_137 : vector<1x16xf32> to vector<16xf32>
      %get3A_139 = arith.index_cast %scan3A_12 : i32 to index
      %get3A_140 = arith.constant 128 : index
      %get3A_141 = tpu.vector_load %arg9[%get3A_139, %get3A_140] {strides = array<i32>} : memref<64x768xf32, #tpu.memory_space<vmem>>, vector<1x16xf32>,
      %get3A_142 = vector.shape_cast %get3A_141 : vector<1x16xf32> to vector<16xf32>
      %mul3A_143 = arith.mulf %get3A_15, %get3A_142 : vector<16xf32>
      %add3A_144 = arith.addf %get3A_138, %mul3A_143 : vector<16xf32>
      %swap3A_145 = arith.index_cast %scan3A_12 : i32 to index
      %swap3A_146 = arith.constant 128 : index
      %swap3A_147 = tpu.vector_load %arg10[%swap3A_145, %swap3A_146] {strides = array<i32>} : memref<64x768xf32, #tpu.memory_space<vmem>>, vector<1x16xf32>,
      %swap3A_148 = vector.shape_cast %swap3A_147 : vector<1x16xf32> to vector<16xf32>
      %swap3A_149 = vector.shape_cast %add3A_144 : vector<16xf32> to vector<1x16xf32>
      tpu.vector_store %arg10[%swap3A_145, %swap3A_146], %swap3A_149 {strides = array<i32>} : memref<64x768xf32, #tpu.memory_space<vmem>>, vector<1x16xf32>,
      %get3A_150 = arith.index_cast %scan3A_12 : i32 to index
      %get3A_151 = arith.constant 144 : index
      %get3A_152 = tpu.vector_load %arg10[%get3A_150, %get3A_151] {strides = array<i32>} : memref<64x768xf32, #tpu.memory_space<vmem>>, vector<1x16xf32>,
      %get3A_153 = vector.shape_cast %get3A_152 : vector<1x16xf32> to vector<16xf32>
      %get3A_154 = arith.index_cast %scan3A_12 : i32 to index
      %get3A_155 = arith.constant 144 : index
      %get3A_156 = tpu.vector_load %arg9[%get3A_154, %get3A_155] {strides = array<i32>} : memref<64x768xf32, #tpu.memory_space<vmem>>, vector<1x16xf32>,
      %get3A_157 = vector.shape_cast %get3A_156 : vector<1x16xf32> to vector<16xf32>
      %mul3A_158 = arith.mulf %get3A_15, %get3A_157 : vector<16xf32>
      %add3A_159 = arith.addf %get3A_153, %mul3A_158 : vector<16xf32>
      %swap3A_160 = arith.index_cast %scan3A_12 : i32 to index
      %swap3A_161 = arith.constant 144 : index
      %swap3A_162 = tpu.vector_load %arg10[%swap3A_160, %swap3A_161] {strides = array<i32>} : memref<64x768xf32, #tpu.memory_space<vmem>>, vector<1x16xf32>,
      %swap3A_163 = vector.shape_cast %swap3A_162 : vector<1x16xf32> to vector<16xf32>
      %swap3A_164 = vector.shape_cast %add3A_159 : vector<16xf32> to vector<1x16xf32>
      tpu.vector_store %arg10[%swap3A_160, %swap3A_161], %swap3A_164 {strides = array<i32>} : memref<64x768xf32, #tpu.memory_space<vmem>>, vector<1x16xf32>,
      %get3A_165 = arith.index_cast %scan3A_12 : i32 to index
      %get3A_166 = arith.constant 160 : index
      %get3A_167 = tpu.vector_load %arg10[%get3A_165, %get3A_166] {strides = array<i32>} : memref<64x768xf32, #tpu.memory_space<vmem>>, vector<1x16xf32>,
      %get3A_168 = vector.shape_cast %get3A_167 : vector<1x16xf32> to vector<16xf32>
      %get3A_169 = arith.index_cast %scan3A_12 : i32 to index
      %get3A_170 = arith.constant 160 : index
      %get3A_171 = tpu.vector_load %arg9[%get3A_169, %get3A_170] {strides = array<i32>} : memref<64x768xf32, #tpu.memory_space<vmem>>, vector<1x16xf32>,
      %get3A_172 = vector.shape_cast %get3A_171 : vector<1x16xf32> to vector<16xf32>
      %mul3A_173 = arith.mulf %get3A_15, %get3A_172 : vector<16xf32>
      %add3A_174 = arith.addf %get3A_168, %mul3A_173 : vector<16xf32>
      %swap3A_175 = arith.index_cast %scan3A_12 : i32 to index
      %swap3A_176 = arith.constant 160 : index
      %swap3A_177 = tpu.vector_load %arg10[%swap3A_175, %swap3A_176] {strides = array<i32>} : memref<64x768xf32, #tpu.memory_space<vmem>>, vector<1x16xf32>,
      %swap3A_178 = vector.shape_cast %swap3A_177 : vector<1x16xf32> to vector<16xf32>
      %swap3A_179 = vector.shape_cast %add3A_174 : vector<16xf32> to vector<1x16xf32>
      tpu.vector_store %arg10[%swap3A_175, %swap3A_176], %swap3A_179 {strides = array<i32>} : memref<64x768xf32, #tpu.memory_space<vmem>>, vector<1x16xf32>,
      %get3A_180 = arith.index_cast %scan3A_12 : i32 to index
      %get3A_181 = arith.constant 176 : index
      %get3A_182 = tpu.vector_load %arg10[%get3A_180, %get3A_181] {strides = array<i32>} : memref<64x768xf32, #tpu.memory_space<vmem>>, vector<1x16xf32>,
      %get3A_183 = vector.shape_cast %get3A_182 : vector<1x16xf32> to vector<16xf32>
      %get3A_184 = arith.index_cast %scan3A_12 : i32 to index
      %get3A_185 = arith.constant 176 : index
      %get3A_186 = tpu.vector_load %arg9[%get3A_184, %get3A_185] {strides = array<i32>} : memref<64x768xf32, #tpu.memory_space<vmem>>, vector<1x16xf32>,
      %get3A_187 = vector.shape_cast %get3A_186 : vector<1x16xf32> to vector<16xf32>
      %mul3A_188 = arith.mulf %get3A_15, %get3A_187 : vector<16xf32>
      %add3A_189 = arith.addf %get3A_183, %mul3A_188 : vector<16xf32>
      %swap3A_190 = arith.index_cast %scan3A_12 : i32 to index
      %swap3A_191 = arith.constant 176 : index
      %swap3A_192 = tpu.vector_load %arg10[%swap3A_190, %swap3A_191] {strides = array<i32>} : memref<64x768xf32, #tpu.memory_space<vmem>>, vector<1x16xf32>,
      %swap3A_193 = vector.shape_cast %swap3A_192 : vector<1x16xf32> to vector<16xf32>
      %swap3A_194 = vector.shape_cast %add3A_189 : vector<16xf32> to vector<1x16xf32>
      tpu.vector_store %arg10[%swap3A_190, %swap3A_191], %swap3A_194 {strides = array<i32>} : memref<64x768xf32, #tpu.memory_space<vmem>>, vector<1x16xf32>,
      %get3A_195 = arith.index_cast %scan3A_12 : i32 to index
      %get3A_196 = arith.constant 192 : index
      %get3A_197 = tpu.vector_load %arg10[%get3A_195, %get3A_196] {strides = array<i32>} : memref<64x768xf32, #tpu.memory_space<vmem>>, vector<1x16xf32>,
      %get3A_198 = vector.shape_cast %get3A_197 : vector<1x16xf32> to vector<16xf32>
      %get3A_199 = arith.index_cast %scan3A_12 : i32 to index
      %get3A_200 = arith.constant 192 : index
      %get3A_201 = tpu.vector_load %arg9[%get3A_199, %get3A_200] {strides = array<i32>} : memref<64x768xf32, #tpu.memory_space<vmem>>, vector<1x16xf32>,
      %get3A_202 = vector.shape_cast %get3A_201 : vector<1x16xf32> to vector<16xf32>
      %mul3A_203 = arith.mulf %get3A_15, %get3A_202 : vector<16xf32>
      %add3A_204 = arith.addf %get3A_198, %mul3A_203 : vector<16xf32>
      %swap3A_205 = arith.index_cast %scan3A_12 : i32 to index
      %swap3A_206 = arith.constant 192 : index
      %swap3A_207 = tpu.vector_load %arg10[%swap3A_205, %swap3A_206] {strides = array<i32>} : memref<64x768xf32, #tpu.memory_space<vmem>>, vector<1x16xf32>,
      %swap3A_208 = vector.shape_cast %swap3A_207 : vector<1x16xf32> to vector<16xf32>
      %swap3A_209 = vector.shape_cast %add3A_204 : vector<16xf32> to vector<1x16xf32>
      tpu.vector_store %arg10[%swap3A_205, %swap3A_206], %swap3A_209 {strides = array<i32>} : memref<64x768xf32, #tpu.memory_space<vmem>>, vector<1x16xf32>,
      %get3A_210 = arith.index_cast %scan3A_12 : i32 to index
      %get3A_211 = arith.constant 208 : index
      %get3A_212 = tpu.vector_load %arg10[%get3A_210, %get3A_211] {strides = array<i32>} : memref<64x768xf32, #tpu.memory_space<vmem>>, vector<1x16xf32>,
      %get3A_213 = vector.shape_cast %get3A_212 : vector<1x16xf32> to vector<16xf32>
      %get3A_214 = arith.index_cast %scan3A_12 : i32 to index
      %get3A_215 = arith.constant 208 : index
      %get3A_216 = tpu.vector_load %arg9[%get3A_214, %get3A_215] {strides = array<i32>} : memref<64x768xf32, #tpu.memory_space<vmem>>, vector<1x16xf32>,
      %get3A_217 = vector.shape_cast %get3A_216 : vector<1x16xf32> to vector<16xf32>
      %mul3A_218 = arith.mulf %get3A_15, %get3A_217 : vector<16xf32>
      %add3A_219 = arith.addf %get3A_213, %mul3A_218 : vector<16xf32>
      %swap3A_220 = arith.index_cast %scan3A_12 : i32 to index
      %swap3A_221 = arith.constant 208 : index
      %swap3A_222 = tpu.vector_load %arg10[%swap3A_220, %swap3A_221] {strides = array<i32>} : memref<64x768xf32, #tpu.memory_space<vmem>>, vector<1x16xf32>,
      %swap3A_223 = vector.shape_cast %swap3A_222 : vector<1x16xf32> to vector<16xf32>
      %swap3A_224 = vector.shape_cast %add3A_219 : vector<16xf32> to vector<1x16xf32>
      tpu.vector_store %arg10[%swap3A_220, %swap3A_221], %swap3A_224 {strides = array<i32>} : memref<64x768xf32, #tpu.memory_space<vmem>>, vector<1x16xf32>,
      %get3A_225 = arith.index_cast %scan3A_12 : i32 to index
      %get3A_226 = arith.constant 224 : index
      %get3A_227 = tpu.vector_load %arg10[%get3A_225, %get3A_226] {strides = array<i32>} : memref<64x768xf32, #tpu.memory_space<vmem>>, vector<1x16xf32>,
      %get3A_228 = vector.shape_cast %get3A_227 : vector<1x16xf32> to vector<16xf32>
      %get3A_229 = arith.index_cast %scan3A_12 : i32 to index
      %get3A_230 = arith.constant 224 : index
      %get3A_231 = tpu.vector_load %arg9[%get3A_229, %get3A_230] {strides = array<i32>} : memref<64x768xf32, #tpu.memory_space<vmem>>, vector<1x16xf32>,
      %get3A_232 = vector.shape_cast %get3A_231 : vector<1x16xf32> to vector<16xf32>
      %mul3A_233 = arith.mulf %get3A_15, %get3A_232 : vector<16xf32>
      %add3A_234 = arith.addf %get3A_228, %mul3A_233 : vector<16xf32>
      %swap3A_235 = arith.index_cast %scan3A_12 : i32 to index
      %swap3A_236 = arith.constant 224 : index
      %swap3A_237 = tpu.vector_load %arg10[%swap3A_235, %swap3A_236] {strides = array<i32>} : memref<64x768xf32, #tpu.memory_space<vmem>>, vector<1x16xf32>,
      %swap3A_238 = vector.shape_cast %swap3A_237 : vector<1x16xf32> to vector<16xf32>
      %swap3A_239 = vector.shape_cast %add3A_234 : vector<16xf32> to vector<1x16xf32>
      tpu.vector_store %arg10[%swap3A_235, %swap3A_236], %swap3A_239 {strides = array<i32>} : memref<64x768xf32, #tpu.memory_space<vmem>>, vector<1x16xf32>,
      %get3A_240 = arith.index_cast %scan3A_12 : i32 to index
      %get3A_241 = arith.constant 240 : index
      %get3A_242 = tpu.vector_load %arg10[%get3A_240, %get3A_241] {strides = array<i32>} : memref<64x768xf32, #tpu.memory_space<vmem>>, vector<1x16xf32>,
      %get3A_243 = vector.shape_cast %get3A_242 : vector<1x16xf32> to vector<16xf32>
      %get3A_244 = arith.index_cast %scan3A_12 : i32 to index
      %get3A_245 = arith.constant 240 : index
      %get3A_246 = tpu.vector_load %arg9[%get3A_244, %get3A_245] {strides = array<i32>} : memref<64x768xf32, #tpu.memory_space<vmem>>, vector<1x16xf32>,
      %get3A_247 = vector.shape_cast %get3A_246 : vector<1x16xf32> to vector<16xf32>
      %mul3A_248 = arith.mulf %get3A_15, %get3A_247 : vector<16xf32>
      %add3A_249 = arith.addf %get3A_243, %mul3A_248 : vector<16xf32>
      %swap3A_250 = arith.index_cast %scan3A_12 : i32 to index
      %swap3A_251 = arith.constant 240 : index
      %swap3A_252 = tpu.vector_load %arg10[%swap3A_250, %swap3A_251] {strides = array<i32>} : memref<64x768xf32, #tpu.memory_space<vmem>>, vector<1x16xf32>,
      %swap3A_253 = vector.shape_cast %swap3A_252 : vector<1x16xf32> to vector<16xf32>
      %swap3A_254 = vector.shape_cast %add3A_249 : vector<16xf32> to vector<1x16xf32>
      tpu.vector_store %arg10[%swap3A_250, %swap3A_251], %swap3A_254 {strides = array<i32>} : memref<64x768xf32, #tpu.memory_space<vmem>>, vector<1x16xf32>,
      %get3A_255 = arith.index_cast %scan3A_12 : i32 to index
      %get3A_256 = arith.constant 256 : index
      %get3A_257 = tpu.vector_load %arg10[%get3A_255, %get3A_256] {strides = array<i32>} : memref<64x768xf32, #tpu.memory_space<vmem>>, vector<1x16xf32>,
      %get3A_258 = vector.shape_cast %get3A_257 : vector<1x16xf32> to vector<16xf32>
      %get3A_259 = arith.index_cast %scan3A_12 : i32 to index
      %get3A_260 = arith.constant 256 : index
      %get3A_261 = tpu.vector_load %arg9[%get3A_259, %get3A_260] {strides = array<i32>} : memref<64x768xf32, #tpu.memory_space<vmem>>, vector<1x16xf32>,
      %get3A_262 = vector.shape_cast %get3A_261 : vector<1x16xf32> to vector<16xf32>
      %mul3A_263 = arith.mulf %get3A_15, %get3A_262 : vector<16xf32>
      %add3A_264 = arith.addf %get3A_258, %mul3A_263 : vector<16xf32>
      %swap3A_265 = arith.index_cast %scan3A_12 : i32 to index
      %swap3A_266 = arith.constant 256 : index
      %swap3A_267 = tpu.vector_load %arg10[%swap3A_265, %swap3A_266] {strides = array<i32>} : memref<64x768xf32, #tpu.memory_space<vmem>>, vector<1x16xf32>,
      %swap3A_268 = vector.shape_cast %swap3A_267 : vector<1x16xf32> to vector<16xf32>
      %swap3A_269 = vector.shape_cast %add3A_264 : vector<16xf32> to vector<1x16xf32>
      tpu.vector_store %arg10[%swap3A_265, %swap3A_266], %swap3A_269 {strides = array<i32>} : memref<64x768xf32, #tpu.memory_space<vmem>>, vector<1x16xf32>,
      %get3A_270 = arith.index_cast %scan3A_12 : i32 to index
      %get3A_271 = arith.constant 272 : index
      %get3A_272 = tpu.vector_load %arg10[%get3A_270, %get3A_271] {strides = array<i32>} : memref<64x768xf32, #tpu.memory_space<vmem>>, vector<1x16xf32>,
      %get3A_273 = vector.shape_cast %get3A_272 : vector<1x16xf32> to vector<16xf32>
      %get3A_274 = arith.index_cast %scan3A_12 : i32 to index
      %get3A_275 = arith.constant 272 : index
      %get3A_276 = tpu.vector_load %arg9[%get3A_274, %get3A_275] {strides = array<i32>} : memref<64x768xf32, #tpu.memory_space<vmem>>, vector<1x16xf32>,
      %get3A_277 = vector.shape_cast %get3A_276 : vector<1x16xf32> to vector<16xf32>
      %mul3A_278 = arith.mulf %get3A_15, %get3A_277 : vector<16xf32>
      %add3A_279 = arith.addf %get3A_273, %mul3A_278 : vector<16xf32>
      %swap3A_280 = arith.index_cast %scan3A_12 : i32 to index
      %swap3A_281 = arith.constant 272 : index
      %swap3A_282 = tpu.vector_load %arg10[%swap3A_280, %swap3A_281] {strides = array<i32>} : memref<64x768xf32, #tpu.memory_space<vmem>>, vector<1x16xf32>,
      %swap3A_283 = vector.shape_cast %swap3A_282 : vector<1x16xf32> to vector<16xf32>
      %swap3A_284 = vector.shape_cast %add3A_279 : vector<16xf32> to vector<1x16xf32>
      tpu.vector_store %arg10[%swap3A_280, %swap3A_281], %swap3A_284 {strides = array<i32>} : memref<64x768xf32, #tpu.memory_space<vmem>>, vector<1x16xf32>,
      %get3A_285 = arith.index_cast %scan3A_12 : i32 to index
      %get3A_286 = arith.constant 288 : index
      %get3A_287 = tpu.vector_load %arg10[%get3A_285, %get3A_286] {strides = array<i32>} : memref<64x768xf32, #tpu.memory_space<vmem>>, vector<1x16xf32>,
      %get3A_288 = vector.shape_cast %get3A_287 : vector<1x16xf32> to vector<16xf32>
      %get3A_289 = arith.index_cast %scan3A_12 : i32 to index
      %get3A_290 = arith.constant 288 : index
      %get3A_291 = tpu.vector_load %arg9[%get3A_289, %get3A_290] {strides = array<i32>} : memref<64x768xf32, #tpu.memory_space<vmem>>, vector<1x16xf32>,
      %get3A_292 = vector.shape_cast %get3A_291 : vector<1x16xf32> to vector<16xf32>
      %mul3A_293 = arith.mulf %get3A_15, %get3A_292 : vector<16xf32>
      %add3A_294 = arith.addf %get3A_288, %mul3A_293 : vector<16xf32>
      %swap3A_295 = arith.index_cast %scan3A_12 : i32 to index
      %swap3A_296 = arith.constant 288 : index
      %swap3A_297 = tpu.vector_load %arg10[%swap3A_295, %swap3A_296] {strides = array<i32>} : memref<64x768xf32, #tpu.memory_space<vmem>>, vector<1x16xf32>,
      %swap3A_298 = vector.shape_cast %swap3A_297 : vector<1x16xf32> to vector<16xf32>
      %swap3A_299 = vector.shape_cast %add3A_294 : vector<16xf32> to vector<1x16xf32>
      tpu.vector_store %arg10[%swap3A_295, %swap3A_296], %swap3A_299 {strides = array<i32>} : memref<64x768xf32, #tpu.memory_space<vmem>>, vector<1x16xf32>,
      %get3A_300 = arith.index_cast %scan3A_12 : i32 to index
      %get3A_301 = arith.constant 304 : index
      %get3A_302 = tpu.vector_load %arg10[%get3A_300, %get3A_301] {strides = array<i32>} : memref<64x768xf32, #tpu.memory_space<vmem>>, vector<1x16xf32>,
      %get3A_303 = vector.shape_cast %get3A_302 : vector<1x16xf32> to vector<16xf32>
      %get3A_304 = arith.index_cast %scan3A_12 : i32 to index
      %get3A_305 = arith.constant 304 : index
      %get3A_306 = tpu.vector_load %arg9[%get3A_304, %get3A_305] {strides = array<i32>} : memref<64x768xf32, #tpu.memory_space<vmem>>, vector<1x16xf32>,
      %get3A_307 = vector.shape_cast %get3A_306 : vector<1x16xf32> to vector<16xf32>
      %mul3A_308 = arith.mulf %get3A_15, %get3A_307 : vector<16xf32>
      %add3A_309 = arith.addf %get3A_303, %mul3A_308 : vector<16xf32>
      %swap3A_310 = arith.index_cast %scan3A_12 : i32 to index
      %swap3A_311 = arith.constant 304 : index
      %swap3A_312 = tpu.vector_load %arg10[%swap3A_310, %swap3A_311] {strides = array<i32>} : memref<64x768xf32, #tpu.memory_space<vmem>>, vector<1x16xf32>,
      %swap3A_313 = vector.shape_cast %swap3A_312 : vector<1x16xf32> to vector<16xf32>
      %swap3A_314 = vector.shape_cast %add3A_309 : vector<16xf32> to vector<1x16xf32>
      tpu.vector_store %arg10[%swap3A_310, %swap3A_311], %swap3A_314 {strides = array<i32>} : memref<64x768xf32, #tpu.memory_space<vmem>>, vector<1x16xf32>,
      %get3A_315 = arith.index_cast %scan3A_12 : i32 to index
      %get3A_316 = arith.constant 320 : index
      %get3A_317 = tpu.vector_load %arg10[%get3A_315, %get3A_316] {strides = array<i32>} : memref<64x768xf32, #tpu.memory_space<vmem>>, vector<1x16xf32>,
      %get3A_318 = vector.shape_cast %get3A_317 : vector<1x16xf32> to vector<16xf32>
      %get3A_319 = arith.index_cast %scan3A_12 : i32 to index
      %get3A_320 = arith.constant 320 : index
      %get3A_321 = tpu.vector_load %arg9[%get3A_319, %get3A_320] {strides = array<i32>} : memref<64x768xf32, #tpu.memory_space<vmem>>, vector<1x16xf32>,
      %get3A_322 = vector.shape_cast %get3A_321 : vector<1x16xf32> to vector<16xf32>
      %mul3A_323 = arith.mulf %get3A_15, %get3A_322 : vector<16xf32>
      %add3A_324 = arith.addf %get3A_318, %mul3A_323 : vector<16xf32>
      %swap3A_325 = arith.index_cast %scan3A_12 : i32 to index
      %swap3A_326 = arith.constant 320 : index
      %swap3A_327 = tpu.vector_load %arg10[%swap3A_325, %swap3A_326] {strides = array<i32>} : memref<64x768xf32, #tpu.memory_space<vmem>>, vector<1x16xf32>,
      %swap3A_328 = vector.shape_cast %swap3A_327 : vector<1x16xf32> to vector<16xf32>
      %swap3A_329 = vector.shape_cast %add3A_324 : vector<16xf32> to vector<1x16xf32>
      tpu.vector_store %arg10[%swap3A_325, %swap3A_326], %swap3A_329 {strides = array<i32>} : memref<64x768xf32, #tpu.memory_space<vmem>>, vector<1x16xf32>,
      %get3A_330 = arith.index_cast %scan3A_12 : i32 to index
      %get3A_331 = arith.constant 336 : index
      %get3A_332 = tpu.vector_load %arg10[%get3A_330, %get3A_331] {strides = array<i32>} : memref<64x768xf32, #tpu.memory_space<vmem>>, vector<1x16xf32>,
      %get3A_333 = vector.shape_cast %get3A_332 : vector<1x16xf32> to vector<16xf32>
      %get3A_334 = arith.index_cast %scan3A_12 : i32 to index
      %get3A_335 = arith.constant 336 : index
      %get3A_336 = tpu.vector_load %arg9[%get3A_334, %get3A_335] {strides = array<i32>} : memref<64x768xf32, #tpu.memory_space<vmem>>, vector<1x16xf32>,
      %get3A_337 = vector.shape_cast %get3A_336 : vector<1x16xf32> to vector<16xf32>
      %mul3A_338 = arith.mulf %get3A_15, %get3A_337 : vector<16xf32>
      %add3A_339 = arith.addf %get3A_333, %mul3A_338 : vector<16xf32>
      %swap3A_340 = arith.index_cast %scan3A_12 : i32 to index
      %swap3A_341 = arith.constant 336 : index
      %swap3A_342 = tpu.vector_load %arg10[%swap3A_340, %swap3A_341] {strides = array<i32>} : memref<64x768xf32, #tpu.memory_space<vmem>>, vector<1x16xf32>,
      %swap3A_343 = vector.shape_cast %swap3A_342 : vector<1x16xf32> to vector<16xf32>
      %swap3A_344 = vector.shape_cast %add3A_339 : vector<16xf32> to vector<1x16xf32>
      tpu.vector_store %arg10[%swap3A_340, %swap3A_341], %swap3A_344 {strides = array<i32>} : memref<64x768xf32, #tpu.memory_space<vmem>>, vector<1x16xf32>,
      %get3A_345 = arith.index_cast %scan3A_12 : i32 to index
      %get3A_346 = arith.constant 352 : index
      %get3A_347 = tpu.vector_load %arg10[%get3A_345, %get3A_346] {strides = array<i32>} : memref<64x768xf32, #tpu.memory_space<vmem>>, vector<1x16xf32>,
      %get3A_348 = vector.shape_cast %get3A_347 : vector<1x16xf32> to vector<16xf32>
      %get3A_349 = arith.index_cast %scan3A_12 : i32 to index
      %get3A_350 = arith.constant 352 : index
      %get3A_351 = tpu.vector_load %arg9[%get3A_349, %get3A_350] {strides = array<i32>} : memref<64x768xf32, #tpu.memory_space<vmem>>, vector<1x16xf32>,
      %get3A_352 = vector.shape_cast %get3A_351 : vector<1x16xf32> to vector<16xf32>
      %mul3A_353 = arith.mulf %get3A_15, %get3A_352 : vector<16xf32>
      %add3A_354 = arith.addf %get3A_348, %mul3A_353 : vector<16xf32>
      %swap3A_355 = arith.index_cast %scan3A_12 : i32 to index
      %swap3A_356 = arith.constant 352 : index
      %swap3A_357 = tpu.vector_load %arg10[%swap3A_355, %swap3A_356] {strides = array<i32>} : memref<64x768xf32, #tpu.memory_space<vmem>>, vector<1x16xf32>,
      %swap3A_358 = vector.shape_cast %swap3A_357 : vector<1x16xf32> to vector<16xf32>
      %swap3A_359 = vector.shape_cast %add3A_354 : vector<16xf32> to vector<1x16xf32>
      tpu.vector_store %arg10[%swap3A_355, %swap3A_356], %swap3A_359 {strides = array<i32>} : memref<64x768xf32, #tpu.memory_space<vmem>>, vector<1x16xf32>,
      %get3A_360 = arith.index_cast %scan3A_12 : i32 to index
      %get3A_361 = arith.constant 368 : index
      %get3A_362 = tpu.vector_load %arg10[%get3A_360, %get3A_361] {strides = array<i32>} : memref<64x768xf32, #tpu.memory_space<vmem>>, vector<1x16xf32>,
      %get3A_363 = vector.shape_cast %get3A_362 : vector<1x16xf32> to vector<16xf32>
      %get3A_364 = arith.index_cast %scan3A_12 : i32 to index
      %get3A_365 = arith.constant 368 : index
      %get3A_366 = tpu.vector_load %arg9[%get3A_364, %get3A_365] {strides = array<i32>} : memref<64x768xf32, #tpu.memory_space<vmem>>, vector<1x16xf32>,
      %get3A_367 = vector.shape_cast %get3A_366 : vector<1x16xf32> to vector<16xf32>
      %mul3A_368 = arith.mulf %get3A_15, %get3A_367 : vector<16xf32>
      %add3A_369 = arith.addf %get3A_363, %mul3A_368 : vector<16xf32>
      %swap3A_370 = arith.index_cast %scan3A_12 : i32 to index
      %swap3A_371 = arith.constant 368 : index
      %swap3A_372 = tpu.vector_load %arg10[%swap3A_370, %swap3A_371] {strides = array<i32>} : memref<64x768xf32, #tpu.memory_space<vmem>>, vector<1x16xf32>,
      %swap3A_373 = vector.shape_cast %swap3A_372 : vector<1x16xf32> to vector<16xf32>
      %swap3A_374 = vector.shape_cast %add3A_369 : vector<16xf32> to vector<1x16xf32>
      tpu.vector_store %arg10[%swap3A_370, %swap3A_371], %swap3A_374 {strides = array<i32>} : memref<64x768xf32, #tpu.memory_space<vmem>>, vector<1x16xf32>,
      %get3A_375 = arith.index_cast %scan3A_12 : i32 to index
      %get3A_376 = arith.constant 384 : index
      %get3A_377 = tpu.vector_load %arg10[%get3A_375, %get3A_376] {strides = array<i32>} : memref<64x768xf32, #tpu.memory_space<vmem>>, vector<1x16xf32>,
      %get3A_378 = vector.shape_cast %get3A_377 : vector<1x16xf32> to vector<16xf32>
      %get3A_379 = arith.index_cast %scan3A_12 : i32 to index
      %get3A_380 = arith.constant 384 : index
      %get3A_381 = tpu.vector_load %arg9[%get3A_379, %get3A_380] {strides = array<i32>} : memref<64x768xf32, #tpu.memory_space<vmem>>, vector<1x16xf32>,
      %get3A_382 = vector.shape_cast %get3A_381 : vector<1x16xf32> to vector<16xf32>
      %mul3A_383 = arith.mulf %get3A_15, %get3A_382 : vector<16xf32>
      %add3A_384 = arith.addf %get3A_378, %mul3A_383 : vector<16xf32>
      %swap3A_385 = arith.index_cast %scan3A_12 : i32 to index
      %swap3A_386 = arith.constant 384 : index
      %swap3A_387 = tpu.vector_load %arg10[%swap3A_385, %swap3A_386] {strides = array<i32>} : memref<64x768xf32, #tpu.memory_space<vmem>>, vector<1x16xf32>,
      %swap3A_388 = vector.shape_cast %swap3A_387 : vector<1x16xf32> to vector<16xf32>
      %swap3A_389 = vector.shape_cast %add3A_384 : vector<16xf32> to vector<1x16xf32>
      tpu.vector_store %arg10[%swap3A_385, %swap3A_386], %swap3A_389 {strides = array<i32>} : memref<64x768xf32, #tpu.memory_space<vmem>>, vector<1x16xf32>,
      %get3A_390 = arith.index_cast %scan3A_12 : i32 to index
      %get3A_391 = arith.constant 400 : index
      %get3A_392 = tpu.vector_load %arg10[%get3A_390, %get3A_391] {strides = array<i32>} : memref<64x768xf32, #tpu.memory_space<vmem>>, vector<1x16xf32>,
      %get3A_393 = vector.shape_cast %get3A_392 : vector<1x16xf32> to vector<16xf32>
      %get3A_394 = arith.index_cast %scan3A_12 : i32 to index
      %get3A_395 = arith.constant 400 : index
      %get3A_396 = tpu.vector_load %arg9[%get3A_394, %get3A_395] {strides = array<i32>} : memref<64x768xf32, #tpu.memory_space<vmem>>, vector<1x16xf32>,
      %get3A_397 = vector.shape_cast %get3A_396 : vector<1x16xf32> to vector<16xf32>
      %mul3A_398 = arith.mulf %get3A_15, %get3A_397 : vector<16xf32>
      %add3A_399 = arith.addf %get3A_393, %mul3A_398 : vector<16xf32>
      %swap3A_400 = arith.index_cast %scan3A_12 : i32 to index
      %swap3A_401 = arith.constant 400 : index
      %swap3A_402 = tpu.vector_load %arg10[%swap3A_400, %swap3A_401] {strides = array<i32>} : memref<64x768xf32, #tpu.memory_space<vmem>>, vector<1x16xf32>,
      %swap3A_403 = vector.shape_cast %swap3A_402 : vector<1x16xf32> to vector<16xf32>
      %swap3A_404 = vector.shape_cast %add3A_399 : vector<16xf32> to vector<1x16xf32>
      tpu.vector_store %arg10[%swap3A_400, %swap3A_401], %swap3A_404 {strides = array<i32>} : memref<64x768xf32, #tpu.memory_space<vmem>>, vector<1x16xf32>,
      %get3A_405 = arith.index_cast %scan3A_12 : i32 to index
      %get3A_406 = arith.constant 416 : index
      %get3A_407 = tpu.vector_load %arg10[%get3A_405, %get3A_406] {strides = array<i32>} : memref<64x768xf32, #tpu.memory_space<vmem>>, vector<1x16xf32>,
      %get3A_408 = vector.shape_cast %get3A_407 : vector<1x16xf32> to vector<16xf32>
      %get3A_409 = arith.index_cast %scan3A_12 : i32 to index
      %get3A_410 = arith.constant 416 : index
      %get3A_411 = tpu.vector_load %arg9[%get3A_409, %get3A_410] {strides = array<i32>} : memref<64x768xf32, #tpu.memory_space<vmem>>, vector<1x16xf32>,
      %get3A_412 = vector.shape_cast %get3A_411 : vector<1x16xf32> to vector<16xf32>
      %mul3A_413 = arith.mulf %get3A_15, %get3A_412 : vector<16xf32>
      %add3A_414 = arith.addf %get3A_408, %mul3A_413 : vector<16xf32>
      %swap3A_415 = arith.index_cast %scan3A_12 : i32 to index
      %swap3A_416 = arith.constant 416 : index
      %swap3A_417 = tpu.vector_load %arg10[%swap3A_415, %swap3A_416] {strides = array<i32>} : memref<64x768xf32, #tpu.memory_space<vmem>>, vector<1x16xf32>,
      %swap3A_418 = vector.shape_cast %swap3A_417 : vector<1x16xf32> to vector<16xf32>
      %swap3A_419 = vector.shape_cast %add3A_414 : vector<16xf32> to vector<1x16xf32>
      tpu.vector_store %arg10[%swap3A_415, %swap3A_416], %swap3A_419 {strides = array<i32>} : memref<64x768xf32, #tpu.memory_space<vmem>>, vector<1x16xf32>,
      %get3A_420 = arith.index_cast %scan3A_12 : i32 to index
      %get3A_421 = arith.constant 432 : index
      %get3A_422 = tpu.vector_load %arg10[%get3A_420, %get3A_421] {strides = array<i32>} : memref<64x768xf32, #tpu.memory_space<vmem>>, vector<1x16xf32>,
      %get3A_423 = vector.shape_cast %get3A_422 : vector<1x16xf32> to vector<16xf32>
      %get3A_424 = arith.index_cast %scan3A_12 : i32 to index
      %get3A_425 = arith.constant 432 : index
      %get3A_426 = tpu.vector_load %arg9[%get3A_424, %get3A_425] {strides = array<i32>} : memref<64x768xf32, #tpu.memory_space<vmem>>, vector<1x16xf32>,
      %get3A_427 = vector.shape_cast %get3A_426 : vector<1x16xf32> to vector<16xf32>
      %mul3A_428 = arith.mulf %get3A_15, %get3A_427 : vector<16xf32>
      %add3A_429 = arith.addf %get3A_423, %mul3A_428 : vector<16xf32>
      %swap3A_430 = arith.index_cast %scan3A_12 : i32 to index
      %swap3A_431 = arith.constant 432 : index
      %swap3A_432 = tpu.vector_load %arg10[%swap3A_430, %swap3A_431] {strides = array<i32>} : memref<64x768xf32, #tpu.memory_space<vmem>>, vector<1x16xf32>,
      %swap3A_433 = vector.shape_cast %swap3A_432 : vector<1x16xf32> to vector<16xf32>
      %swap3A_434 = vector.shape_cast %add3A_429 : vector<16xf32> to vector<1x16xf32>
      tpu.vector_store %arg10[%swap3A_430, %swap3A_431], %swap3A_434 {strides = array<i32>} : memref<64x768xf32, #tpu.memory_space<vmem>>, vector<1x16xf32>,
      %get3A_435 = arith.index_cast %scan3A_12 : i32 to index
      %get3A_436 = arith.constant 448 : index
      %get3A_437 = tpu.vector_load %arg10[%get3A_435, %get3A_436] {strides = array<i32>} : memref<64x768xf32, #tpu.memory_space<vmem>>, vector<1x16xf32>,
      %get3A_438 = vector.shape_cast %get3A_437 : vector<1x16xf32> to vector<16xf32>
      %get3A_439 = arith.index_cast %scan3A_12 : i32 to index
      %get3A_440 = arith.constant 448 : index
      %get3A_441 = tpu.vector_load %arg9[%get3A_439, %get3A_440] {strides = array<i32>} : memref<64x768xf32, #tpu.memory_space<vmem>>, vector<1x16xf32>,
      %get3A_442 = vector.shape_cast %get3A_441 : vector<1x16xf32> to vector<16xf32>
      %mul3A_443 = arith.mulf %get3A_15, %get3A_442 : vector<16xf32>
      %add3A_444 = arith.addf %get3A_438, %mul3A_443 : vector<16xf32>
      %swap3A_445 = arith.index_cast %scan3A_12 : i32 to index
      %swap3A_446 = arith.constant 448 : index
      %swap3A_447 = tpu.vector_load %arg10[%swap3A_445, %swap3A_446] {strides = array<i32>} : memref<64x768xf32, #tpu.memory_space<vmem>>, vector<1x16xf32>,
      %swap3A_448 = vector.shape_cast %swap3A_447 : vector<1x16xf32> to vector<16xf32>
      %swap3A_449 = vector.shape_cast %add3A_444 : vector<16xf32> to vector<1x16xf32>
      tpu.vector_store %arg10[%swap3A_445, %swap3A_446], %swap3A_449 {strides = array<i32>} : memref<64x768xf32, #tpu.memory_space<vmem>>, vector<1x16xf32>,
      %get3A_450 = arith.index_cast %scan3A_12 : i32 to index
      %get3A_451 = arith.constant 464 : index
      %get3A_452 = tpu.vector_load %arg10[%get3A_450, %get3A_451] {strides = array<i32>} : memref<64x768xf32, #tpu.memory_space<vmem>>, vector<1x16xf32>,
      %get3A_453 = vector.shape_cast %get3A_452 : vector<1x16xf32> to vector<16xf32>
      %get3A_454 = arith.index_cast %scan3A_12 : i32 to index
      %get3A_455 = arith.constant 464 : index
      %get3A_456 = tpu.vector_load %arg9[%get3A_454, %get3A_455] {strides = array<i32>} : memref<64x768xf32, #tpu.memory_space<vmem>>, vector<1x16xf32>,
      %get3A_457 = vector.shape_cast %get3A_456 : vector<1x16xf32> to vector<16xf32>
      %mul3A_458 = arith.mulf %get3A_15, %get3A_457 : vector<16xf32>
      %add3A_459 = arith.addf %get3A_453, %mul3A_458 : vector<16xf32>
      %swap3A_460 = arith.index_cast %scan3A_12 : i32 to index
      %swap3A_461 = arith.constant 464 : index
      %swap3A_462 = tpu.vector_load %arg10[%swap3A_460, %swap3A_461] {strides = array<i32>} : memref<64x768xf32, #tpu.memory_space<vmem>>, vector<1x16xf32>,
      %swap3A_463 = vector.shape_cast %swap3A_462 : vector<1x16xf32> to vector<16xf32>
      %swap3A_464 = vector.shape_cast %add3A_459 : vector<16xf32> to vector<1x16xf32>
      tpu.vector_store %arg10[%swap3A_460, %swap3A_461], %swap3A_464 {strides = array<i32>} : memref<64x768xf32, #tpu.memory_space<vmem>>, vector<1x16xf32>,
      %get3A_465 = arith.index_cast %scan3A_12 : i32 to index
      %get3A_466 = arith.constant 480 : index
      %get3A_467 = tpu.vector_load %arg10[%get3A_465, %get3A_466] {strides = array<i32>} : memref<64x768xf32, #tpu.memory_space<vmem>>, vector<1x16xf32>,
      %get3A_468 = vector.shape_cast %get3A_467 : vector<1x16xf32> to vector<16xf32>
      %get3A_469 = arith.index_cast %scan3A_12 : i32 to index
      %get3A_470 = arith.constant 480 : index
      %get3A_471 = tpu.vector_load %arg9[%get3A_469, %get3A_470] {strides = array<i32>} : memref<64x768xf32, #tpu.memory_space<vmem>>, vector<1x16xf32>,
      %get3A_472 = vector.shape_cast %get3A_471 : vector<1x16xf32> to vector<16xf32>
      %mul3A_473 = arith.mulf %get3A_15, %get3A_472 : vector<16xf32>
      %add3A_474 = arith.addf %get3A_468, %mul3A_473 : vector<16xf32>
      %swap3A_475 = arith.index_cast %scan3A_12 : i32 to index
      %swap3A_476 = arith.constant 480 : index
      %swap3A_477 = tpu.vector_load %arg10[%swap3A_475, %swap3A_476] {strides = array<i32>} : memref<64x768xf32, #tpu.memory_space<vmem>>, vector<1x16xf32>,
      %swap3A_478 = vector.shape_cast %swap3A_477 : vector<1x16xf32> to vector<16xf32>
      %swap3A_479 = vector.shape_cast %add3A_474 : vector<16xf32> to vector<1x16xf32>
      tpu.vector_store %arg10[%swap3A_475, %swap3A_476], %swap3A_479 {strides = array<i32>} : memref<64x768xf32, #tpu.memory_space<vmem>>, vector<1x16xf32>,
      %get3A_480 = arith.index_cast %scan3A_12 : i32 to index
      %get3A_481 = arith.constant 496 : index
      %get3A_482 = tpu.vector_load %arg10[%get3A_480, %get3A_481] {strides = array<i32>} : memref<64x768xf32, #tpu.memory_space<vmem>>, vector<1x16xf32>,
      %get3A_483 = vector.shape_cast %get3A_482 : vector<1x16xf32> to vector<16xf32>
      %get3A_484 = arith.index_cast %scan3A_12 : i32 to index
      %get3A_485 = arith.constant 496 : index
      %get3A_486 = tpu.vector_load %arg9[%get3A_484, %get3A_485] {strides = array<i32>} : memref<64x768xf32, #tpu.memory_space<vmem>>, vector<1x16xf32>,
      %get3A_487 = vector.shape_cast %get3A_486 : vector<1x16xf32> to vector<16xf32>
      %mul3A_488 = arith.mulf %get3A_15, %get3A_487 : vector<16xf32>
      %add3A_489 = arith.addf %get3A_483, %mul3A_488 : vector<16xf32>
      %swap3A_490 = arith.index_cast %scan3A_12 : i32 to index
      %swap3A_491 = arith.constant 496 : index
      %swap3A_492 = tpu.vector_load %arg10[%swap3A_490, %swap3A_491] {strides = array<i32>} : memref<64x768xf32, #tpu.memory_space<vmem>>, vector<1x16xf32>,
      %swap3A_493 = vector.shape_cast %swap3A_492 : vector<1x16xf32> to vector<16xf32>
      %swap3A_494 = vector.shape_cast %add3A_489 : vector<16xf32> to vector<1x16xf32>
      tpu.vector_store %arg10[%swap3A_490, %swap3A_491], %swap3A_494 {strides = array<i32>} : memref<64x768xf32, #tpu.memory_space<vmem>>, vector<1x16xf32>,
      %get3A_495 = arith.index_cast %scan3A_12 : i32 to index
      %get3A_496 = arith.constant 512 : index
      %get3A_497 = tpu.vector_load %arg10[%get3A_495, %get3A_496] {strides = array<i32>} : memref<64x768xf32, #tpu.memory_space<vmem>>, vector<1x16xf32>,
      %get3A_498 = vector.shape_cast %get3A_497 : vector<1x16xf32> to vector<16xf32>
      %get3A_499 = arith.index_cast %scan3A_12 : i32 to index
      %get3A_500 = arith.constant 512 : index
      %get3A_501 = tpu.vector_load %arg9[%get3A_499, %get3A_500] {strides = array<i32>} : memref<64x768xf32, #tpu.memory_space<vmem>>, vector<1x16xf32>,
      %get3A_502 = vector.shape_cast %get3A_501 : vector<1x16xf32> to vector<16xf32>
      %mul3A_503 = arith.mulf %get3A_15, %get3A_502 : vector<16xf32>
      %add3A_504 = arith.addf %get3A_498, %mul3A_503 : vector<16xf32>
      %swap3A_505 = arith.index_cast %scan3A_12 : i32 to index
      %swap3A_506 = arith.constant 512 : index
      %swap3A_507 = tpu.vector_load %arg10[%swap3A_505, %swap3A_506] {strides = array<i32>} : memref<64x768xf32, #tpu.memory_space<vmem>>, vector<1x16xf32>,
      %swap3A_508 = vector.shape_cast %swap3A_507 : vector<1x16xf32> to vector<16xf32>
      %swap3A_509 = vector.shape_cast %add3A_504 : vector<16xf32> to vector<1x16xf32>
      tpu.vector_store %arg10[%swap3A_505, %swap3A_506], %swap3A_509 {strides = array<i32>} : memref<64x768xf32, #tpu.memory_space<vmem>>, vector<1x16xf32>,
      %get3A_510 = arith.index_cast %scan3A_12 : i32 to index
      %get3A_511 = arith.constant 528 : index
      %get3A_512 = tpu.vector_load %arg10[%get3A_510, %get3A_511] {strides = array<i32>} : memref<64x768xf32, #tpu.memory_space<vmem>>, vector<1x16xf32>,
      %get3A_513 = vector.shape_cast %get3A_512 : vector<1x16xf32> to vector<16xf32>
      %get3A_514 = arith.index_cast %scan3A_12 : i32 to index
      %get3A_515 = arith.constant 528 : index
      %get3A_516 = tpu.vector_load %arg9[%get3A_514, %get3A_515] {strides = array<i32>} : memref<64x768xf32, #tpu.memory_space<vmem>>, vector<1x16xf32>,
      %get3A_517 = vector.shape_cast %get3A_516 : vector<1x16xf32> to vector<16xf32>
      %mul3A_518 = arith.mulf %get3A_15, %get3A_517 : vector<16xf32>
      %add3A_519 = arith.addf %get3A_513, %mul3A_518 : vector<16xf32>
      %swap3A_520 = arith.index_cast %scan3A_12 : i32 to index
      %swap3A_521 = arith.constant 528 : index
      %swap3A_522 = tpu.vector_load %arg10[%swap3A_520, %swap3A_521] {strides = array<i32>} : memref<64x768xf32, #tpu.memory_space<vmem>>, vector<1x16xf32>,
      %swap3A_523 = vector.shape_cast %swap3A_522 : vector<1x16xf32> to vector<16xf32>
      %swap3A_524 = vector.shape_cast %add3A_519 : vector<16xf32> to vector<1x16xf32>
      tpu.vector_store %arg10[%swap3A_520, %swap3A_521], %swap3A_524 {strides = array<i32>} : memref<64x768xf32, #tpu.memory_space<vmem>>, vector<1x16xf32>,
      %get3A_525 = arith.index_cast %scan3A_12 : i32 to index
      %get3A_526 = arith.constant 544 : index
      %get3A_527 = tpu.vector_load %arg10[%get3A_525, %get3A_526] {strides = array<i32>} : memref<64x768xf32, #tpu.memory_space<vmem>>, vector<1x16xf32>,
      %get3A_528 = vector.shape_cast %get3A_527 : vector<1x16xf32> to vector<16xf32>
      %get3A_529 = arith.index_cast %scan3A_12 : i32 to index
      %get3A_530 = arith.constant 544 : index
      %get3A_531 = tpu.vector_load %arg9[%get3A_529, %get3A_530] {strides = array<i32>} : memref<64x768xf32, #tpu.memory_space<vmem>>, vector<1x16xf32>,
      %get3A_532 = vector.shape_cast %get3A_531 : vector<1x16xf32> to vector<16xf32>
      %mul3A_533 = arith.mulf %get3A_15, %get3A_532 : vector<16xf32>
      %add3A_534 = arith.addf %get3A_528, %mul3A_533 : vector<16xf32>
      %swap3A_535 = arith.index_cast %scan3A_12 : i32 to index
      %swap3A_536 = arith.constant 544 : index
      %swap3A_537 = tpu.vector_load %arg10[%swap3A_535, %swap3A_536] {strides = array<i32>} : memref<64x768xf32, #tpu.memory_space<vmem>>, vector<1x16xf32>,
      %swap3A_538 = vector.shape_cast %swap3A_537 : vector<1x16xf32> to vector<16xf32>
      %swap3A_539 = vector.shape_cast %add3A_534 : vector<16xf32> to vector<1x16xf32>
      tpu.vector_store %arg10[%swap3A_535, %swap3A_536], %swap3A_539 {strides = array<i32>} : memref<64x768xf32, #tpu.memory_space<vmem>>, vector<1x16xf32>,
      %get3A_540 = arith.index_cast %scan3A_12 : i32 to index
      %get3A_541 = arith.constant 560 : index
      %get3A_542 = tpu.vector_load %arg10[%get3A_540, %get3A_541] {strides = array<i32>} : memref<64x768xf32, #tpu.memory_space<vmem>>, vector<1x16xf32>,
      %get3A_543 = vector.shape_cast %get3A_542 : vector<1x16xf32> to vector<16xf32>
      %get3A_544 = arith.index_cast %scan3A_12 : i32 to index
      %get3A_545 = arith.constant 560 : index
      %get3A_546 = tpu.vector_load %arg9[%get3A_544, %get3A_545] {strides = array<i32>} : memref<64x768xf32, #tpu.memory_space<vmem>>, vector<1x16xf32>,
      %get3A_547 = vector.shape_cast %get3A_546 : vector<1x16xf32> to vector<16xf32>
      %mul3A_548 = arith.mulf %get3A_15, %get3A_547 : vector<16xf32>
      %add3A_549 = arith.addf %get3A_543, %mul3A_548 : vector<16xf32>
      %swap3A_550 = arith.index_cast %scan3A_12 : i32 to index
      %swap3A_551 = arith.constant 560 : index
      %swap3A_552 = tpu.vector_load %arg10[%swap3A_550, %swap3A_551] {strides = array<i32>} : memref<64x768xf32, #tpu.memory_space<vmem>>, vector<1x16xf32>,
      %swap3A_553 = vector.shape_cast %swap3A_552 : vector<1x16xf32> to vector<16xf32>
      %swap3A_554 = vector.shape_cast %add3A_549 : vector<16xf32> to vector<1x16xf32>
      tpu.vector_store %arg10[%swap3A_550, %swap3A_551], %swap3A_554 {strides = array<i32>} : memref<64x768xf32, #tpu.memory_space<vmem>>, vector<1x16xf32>,
      %get3A_555 = arith.index_cast %scan3A_12 : i32 to index
      %get3A_556 = arith.constant 576 : index
      %get3A_557 = tpu.vector_load %arg10[%get3A_555, %get3A_556] {strides = array<i32>} : memref<64x768xf32, #tpu.memory_space<vmem>>, vector<1x16xf32>,
      %get3A_558 = vector.shape_cast %get3A_557 : vector<1x16xf32> to vector<16xf32>
      %get3A_559 = arith.index_cast %scan3A_12 : i32 to index
      %get3A_560 = arith.constant 576 : index
      %get3A_561 = tpu.vector_load %arg9[%get3A_559, %get3A_560] {strides = array<i32>} : memref<64x768xf32, #tpu.memory_space<vmem>>, vector<1x16xf32>,
      %get3A_562 = vector.shape_cast %get3A_561 : vector<1x16xf32> to vector<16xf32>
      %mul3A_563 = arith.mulf %get3A_15, %get3A_562 : vector<16xf32>
      %add3A_564 = arith.addf %get3A_558, %mul3A_563 : vector<16xf32>
      %swap3A_565 = arith.index_cast %scan3A_12 : i32 to index
      %swap3A_566 = arith.constant 576 : index
      %swap3A_567 = tpu.vector_load %arg10[%swap3A_565, %swap3A_566] {strides = array<i32>} : memref<64x768xf32, #tpu.memory_space<vmem>>, vector<1x16xf32>,
      %swap3A_568 = vector.shape_cast %swap3A_567 : vector<1x16xf32> to vector<16xf32>
      %swap3A_569 = vector.shape_cast %add3A_564 : vector<16xf32> to vector<1x16xf32>
      tpu.vector_store %arg10[%swap3A_565, %swap3A_566], %swap3A_569 {strides = array<i32>} : memref<64x768xf32, #tpu.memory_space<vmem>>, vector<1x16xf32>,
      %get3A_570 = arith.index_cast %scan3A_12 : i32 to index
      %get3A_571 = arith.constant 592 : index
      %get3A_572 = tpu.vector_load %arg10[%get3A_570, %get3A_571] {strides = array<i32>} : memref<64x768xf32, #tpu.memory_space<vmem>>, vector<1x16xf32>,
      %get3A_573 = vector.shape_cast %get3A_572 : vector<1x16xf32> to vector<16xf32>
      %get3A_574 = arith.index_cast %scan3A_12 : i32 to index
      %get3A_575 = arith.constant 592 : index
      %get3A_576 = tpu.vector_load %arg9[%get3A_574, %get3A_575] {strides = array<i32>} : memref<64x768xf32, #tpu.memory_space<vmem>>, vector<1x16xf32>,
      %get3A_577 = vector.shape_cast %get3A_576 : vector<1x16xf32> to vector<16xf32>
      %mul3A_578 = arith.mulf %get3A_15, %get3A_577 : vector<16xf32>
      %add3A_579 = arith.addf %get3A_573, %mul3A_578 : vector<16xf32>
      %swap3A_580 = arith.index_cast %scan3A_12 : i32 to index
      %swap3A_581 = arith.constant 592 : index
      %swap3A_582 = tpu.vector_load %arg10[%swap3A_580, %swap3A_581] {strides = array<i32>} : memref<64x768xf32, #tpu.memory_space<vmem>>, vector<1x16xf32>,
      %swap3A_583 = vector.shape_cast %swap3A_582 : vector<1x16xf32> to vector<16xf32>
      %swap3A_584 = vector.shape_cast %add3A_579 : vector<16xf32> to vector<1x16xf32>
      tpu.vector_store %arg10[%swap3A_580, %swap3A_581], %swap3A_584 {strides = array<i32>} : memref<64x768xf32, #tpu.memory_space<vmem>>, vector<1x16xf32>,
      %get3A_585 = arith.index_cast %scan3A_12 : i32 to index
      %get3A_586 = arith.constant 608 : index
      %get3A_587 = tpu.vector_load %arg10[%get3A_585, %get3A_586] {strides = array<i32>} : memref<64x768xf32, #tpu.memory_space<vmem>>, vector<1x16xf32>,
      %get3A_588 = vector.shape_cast %get3A_587 : vector<1x16xf32> to vector<16xf32>
      %get3A_589 = arith.index_cast %scan3A_12 : i32 to index
      %get3A_590 = arith.constant 608 : index
      %get3A_591 = tpu.vector_load %arg9[%get3A_589, %get3A_590] {strides = array<i32>} : memref<64x768xf32, #tpu.memory_space<vmem>>, vector<1x16xf32>,
      %get3A_592 = vector.shape_cast %get3A_591 : vector<1x16xf32> to vector<16xf32>
      %mul3A_593 = arith.mulf %get3A_15, %get3A_592 : vector<16xf32>
      %add3A_594 = arith.addf %get3A_588, %mul3A_593 : vector<16xf32>
      %swap3A_595 = arith.index_cast %scan3A_12 : i32 to index
      %swap3A_596 = arith.constant 608 : index
      %swap3A_597 = tpu.vector_load %arg10[%swap3A_595, %swap3A_596] {strides = array<i32>} : memref<64x768xf32, #tpu.memory_space<vmem>>, vector<1x16xf32>,
      %swap3A_598 = vector.shape_cast %swap3A_597 : vector<1x16xf32> to vector<16xf32>
      %swap3A_599 = vector.shape_cast %add3A_594 : vector<16xf32> to vector<1x16xf32>
      tpu.vector_store %arg10[%swap3A_595, %swap3A_596], %swap3A_599 {strides = array<i32>} : memref<64x768xf32, #tpu.memory_space<vmem>>, vector<1x16xf32>,
      %get3A_600 = arith.index_cast %scan3A_12 : i32 to index
      %get3A_601 = arith.constant 624 : index
      %get3A_602 = tpu.vector_load %arg10[%get3A_600, %get3A_601] {strides = array<i32>} : memref<64x768xf32, #tpu.memory_space<vmem>>, vector<1x16xf32>,
      %get3A_603 = vector.shape_cast %get3A_602 : vector<1x16xf32> to vector<16xf32>
      %get3A_604 = arith.index_cast %scan3A_12 : i32 to index
      %get3A_605 = arith.constant 624 : index
      %get3A_606 = tpu.vector_load %arg9[%get3A_604, %get3A_605] {strides = array<i32>} : memref<64x768xf32, #tpu.memory_space<vmem>>, vector<1x16xf32>,
      %get3A_607 = vector.shape_cast %get3A_606 : vector<1x16xf32> to vector<16xf32>
      %mul3A_608 = arith.mulf %get3A_15, %get3A_607 : vector<16xf32>
      %add3A_609 = arith.addf %get3A_603, %mul3A_608 : vector<16xf32>
      %swap3A_610 = arith.index_cast %scan3A_12 : i32 to index
      %swap3A_611 = arith.constant 624 : index
      %swap3A_612 = tpu.vector_load %arg10[%swap3A_610, %swap3A_611] {strides = array<i32>} : memref<64x768xf32, #tpu.memory_space<vmem>>, vector<1x16xf32>,
      %swap3A_613 = vector.shape_cast %swap3A_612 : vector<1x16xf32> to vector<16xf32>
      %swap3A_614 = vector.shape_cast %add3A_609 : vector<16xf32> to vector<1x16xf32>
      tpu.vector_store %arg10[%swap3A_610, %swap3A_611], %swap3A_614 {strides = array<i32>} : memref<64x768xf32, #tpu.memory_space<vmem>>, vector<1x16xf32>,
      %get3A_615 = arith.index_cast %scan3A_12 : i32 to index
      %get3A_616 = arith.constant 640 : index
      %get3A_617 = tpu.vector_load %arg10[%get3A_615, %get3A_616] {strides = array<i32>} : memref<64x768xf32, #tpu.memory_space<vmem>>, vector<1x16xf32>,
      %get3A_618 = vector.shape_cast %get3A_617 : vector<1x16xf32> to vector<16xf32>
      %get3A_619 = arith.index_cast %scan3A_12 : i32 to index
      %get3A_620 = arith.constant 640 : index
      %get3A_621 = tpu.vector_load %arg9[%get3A_619, %get3A_620] {strides = array<i32>} : memref<64x768xf32, #tpu.memory_space<vmem>>, vector<1x16xf32>,
      %get3A_622 = vector.shape_cast %get3A_621 : vector<1x16xf32> to vector<16xf32>
      %mul3A_623 = arith.mulf %get3A_15, %get3A_622 : vector<16xf32>
      %add3A_624 = arith.addf %get3A_618, %mul3A_623 : vector<16xf32>
      %swap3A_625 = arith.index_cast %scan3A_12 : i32 to index
      %swap3A_626 = arith.constant 640 : index
      %swap3A_627 = tpu.vector_load %arg10[%swap3A_625, %swap3A_626] {strides = array<i32>} : memref<64x768xf32, #tpu.memory_space<vmem>>, vector<1x16xf32>,
      %swap3A_628 = vector.shape_cast %swap3A_627 : vector<1x16xf32> to vector<16xf32>
      %swap3A_629 = vector.shape_cast %add3A_624 : vector<16xf32> to vector<1x16xf32>
      tpu.vector_store %arg10[%swap3A_625, %swap3A_626], %swap3A_629 {strides = array<i32>} : memref<64x768xf32, #tpu.memory_space<vmem>>, vector<1x16xf32>,
      %get3A_630 = arith.index_cast %scan3A_12 : i32 to index
      %get3A_631 = arith.constant 656 : index
      %get3A_632 = tpu.vector_load %arg10[%get3A_630, %get3A_631] {strides = array<i32>} : memref<64x768xf32, #tpu.memory_space<vmem>>, vector<1x16xf32>,
      %get3A_633 = vector.shape_cast %get3A_632 : vector<1x16xf32> to vector<16xf32>
      %get3A_634 = arith.index_cast %scan3A_12 : i32 to index
      %get3A_635 = arith.constant 656 : index
      %get3A_636 = tpu.vector_load %arg9[%get3A_634, %get3A_635] {strides = array<i32>} : memref<64x768xf32, #tpu.memory_space<vmem>>, vector<1x16xf32>,
      %get3A_637 = vector.shape_cast %get3A_636 : vector<1x16xf32> to vector<16xf32>
      %mul3A_638 = arith.mulf %get3A_15, %get3A_637 : vector<16xf32>
      %add3A_639 = arith.addf %get3A_633, %mul3A_638 : vector<16xf32>
      %swap3A_640 = arith.index_cast %scan3A_12 : i32 to index
      %swap3A_641 = arith.constant 656 : index
      %swap3A_642 = tpu.vector_load %arg10[%swap3A_640, %swap3A_641] {strides = array<i32>} : memref<64x768xf32, #tpu.memory_space<vmem>>, vector<1x16xf32>,
      %swap3A_643 = vector.shape_cast %swap3A_642 : vector<1x16xf32> to vector<16xf32>
      %swap3A_644 = vector.shape_cast %add3A_639 : vector<16xf32> to vector<1x16xf32>
      tpu.vector_store %arg10[%swap3A_640, %swap3A_641], %swap3A_644 {strides = array<i32>} : memref<64x768xf32, #tpu.memory_space<vmem>>, vector<1x16xf32>,
      %get3A_645 = arith.index_cast %scan3A_12 : i32 to index
      %get3A_646 = arith.constant 672 : index
      %get3A_647 = tpu.vector_load %arg10[%get3A_645, %get3A_646] {strides = array<i32>} : memref<64x768xf32, #tpu.memory_space<vmem>>, vector<1x16xf32>,
      %get3A_648 = vector.shape_cast %get3A_647 : vector<1x16xf32> to vector<16xf32>
      %get3A_649 = arith.index_cast %scan3A_12 : i32 to index
      %get3A_650 = arith.constant 672 : index
      %get3A_651 = tpu.vector_load %arg9[%get3A_649, %get3A_650] {strides = array<i32>} : memref<64x768xf32, #tpu.memory_space<vmem>>, vector<1x16xf32>,
      %get3A_652 = vector.shape_cast %get3A_651 : vector<1x16xf32> to vector<16xf32>
      %mul3A_653 = arith.mulf %get3A_15, %get3A_652 : vector<16xf32>
      %add3A_654 = arith.addf %get3A_648, %mul3A_653 : vector<16xf32>
      %swap3A_655 = arith.index_cast %scan3A_12 : i32 to index
      %swap3A_656 = arith.constant 672 : index
      %swap3A_657 = tpu.vector_load %arg10[%swap3A_655, %swap3A_656] {strides = array<i32>} : memref<64x768xf32, #tpu.memory_space<vmem>>, vector<1x16xf32>,
      %swap3A_658 = vector.shape_cast %swap3A_657 : vector<1x16xf32> to vector<16xf32>
      %swap3A_659 = vector.shape_cast %add3A_654 : vector<16xf32> to vector<1x16xf32>
      tpu.vector_store %arg10[%swap3A_655, %swap3A_656], %swap3A_659 {strides = array<i32>} : memref<64x768xf32, #tpu.memory_space<vmem>>, vector<1x16xf32>,
      %get3A_660 = arith.index_cast %scan3A_12 : i32 to index
      %get3A_661 = arith.constant 688 : index
      %get3A_662 = tpu.vector_load %arg10[%get3A_660, %get3A_661] {strides = array<i32>} : memref<64x768xf32, #tpu.memory_space<vmem>>, vector<1x16xf32>,
      %get3A_663 = vector.shape_cast %get3A_662 : vector<1x16xf32> to vector<16xf32>
      %get3A_664 = arith.index_cast %scan3A_12 : i32 to index
      %get3A_665 = arith.constant 688 : index
      %get3A_666 = tpu.vector_load %arg9[%get3A_664, %get3A_665] {strides = array<i32>} : memref<64x768xf32, #tpu.memory_space<vmem>>, vector<1x16xf32>,
      %get3A_667 = vector.shape_cast %get3A_666 : vector<1x16xf32> to vector<16xf32>
      %mul3A_668 = arith.mulf %get3A_15, %get3A_667 : vector<16xf32>
      %add3A_669 = arith.addf %get3A_663, %mul3A_668 : vector<16xf32>
      %swap3A_670 = arith.index_cast %scan3A_12 : i32 to index
      %swap3A_671 = arith.constant 688 : index
      %swap3A_672 = tpu.vector_load %arg10[%swap3A_670, %swap3A_671] {strides = array<i32>} : memref<64x768xf32, #tpu.memory_space<vmem>>, vector<1x16xf32>,
      %swap3A_673 = vector.shape_cast %swap3A_672 : vector<1x16xf32> to vector<16xf32>
      %swap3A_674 = vector.shape_cast %add3A_669 : vector<16xf32> to vector<1x16xf32>
      tpu.vector_store %arg10[%swap3A_670, %swap3A_671], %swap3A_674 {strides = array<i32>} : memref<64x768xf32, #tpu.memory_space<vmem>>, vector<1x16xf32>,
      %get3A_675 = arith.index_cast %scan3A_12 : i32 to index
      %get3A_676 = arith.constant 704 : index
      %get3A_677 = tpu.vector_load %arg10[%get3A_675, %get3A_676] {strides = array<i32>} : memref<64x768xf32, #tpu.memory_space<vmem>>, vector<1x16xf32>,
      %get3A_678 = vector.shape_cast %get3A_677 : vector<1x16xf32> to vector<16xf32>
      %get3A_679 = arith.index_cast %scan3A_12 : i32 to index
      %get3A_680 = arith.constant 704 : index
      %get3A_681 = tpu.vector_load %arg9[%get3A_679, %get3A_680] {strides = array<i32>} : memref<64x768xf32, #tpu.memory_space<vmem>>, vector<1x16xf32>,
      %get3A_682 = vector.shape_cast %get3A_681 : vector<1x16xf32> to vector<16xf32>
      %mul3A_683 = arith.mulf %get3A_15, %get3A_682 : vector<16xf32>
      %add3A_684 = arith.addf %get3A_678, %mul3A_683 : vector<16xf32>
      %swap3A_685 = arith.index_cast %scan3A_12 : i32 to index
      %swap3A_686 = arith.constant 704 : index
      %swap3A_687 = tpu.vector_load %arg10[%swap3A_685, %swap3A_686] {strides = array<i32>} : memref<64x768xf32, #tpu.memory_space<vmem>>, vector<1x16xf32>,
      %swap3A_688 = vector.shape_cast %swap3A_687 : vector<1x16xf32> to vector<16xf32>
      %swap3A_689 = vector.shape_cast %add3A_684 : vector<16xf32> to vector<1x16xf32>
      tpu.vector_store %arg10[%swap3A_685, %swap3A_686], %swap3A_689 {strides = array<i32>} : memref<64x768xf32, #tpu.memory_space<vmem>>, vector<1x16xf32>,
      %get3A_690 = arith.index_cast %scan3A_12 : i32 to index
      %get3A_691 = arith.constant 720 : index
      %get3A_692 = tpu.vector_load %arg10[%get3A_690, %get3A_691] {strides = array<i32>} : memref<64x768xf32, #tpu.memory_space<vmem>>, vector<1x16xf32>,
      %get3A_693 = vector.shape_cast %get3A_692 : vector<1x16xf32> to vector<16xf32>
      %get3A_694 = arith.index_cast %scan3A_12 : i32 to index
      %get3A_695 = arith.constant 720 : index
      %get3A_696 = tpu.vector_load %arg9[%get3A_694, %get3A_695] {strides = array<i32>} : memref<64x768xf32, #tpu.memory_space<vmem>>, vector<1x16xf32>,
      %get3A_697 = vector.shape_cast %get3A_696 : vector<1x16xf32> to vector<16xf32>
      %mul3A_698 = arith.mulf %get3A_15, %get3A_697 : vector<16xf32>
      %add3A_699 = arith.addf %get3A_693, %mul3A_698 : vector<16xf32>
      %swap3A_700 = arith.index_cast %scan3A_12 : i32 to index
      %swap3A_701 = arith.constant 720 : index
      %swap3A_702 = tpu.vector_load %arg10[%swap3A_700, %swap3A_701] {strides = array<i32>} : memref<64x768xf32, #tpu.memory_space<vmem>>, vector<1x16xf32>,
      %swap3A_703 = vector.shape_cast %swap3A_702 : vector<1x16xf32> to vector<16xf32>
      %swap3A_704 = vector.shape_cast %add3A_699 : vector<16xf32> to vector<1x16xf32>
      tpu.vector_store %arg10[%swap3A_700, %swap3A_701], %swap3A_704 {strides = array<i32>} : memref<64x768xf32, #tpu.memory_space<vmem>>, vector<1x16xf32>,
      %get3A_705 = arith.index_cast %scan3A_12 : i32 to index
      %get3A_706 = arith.constant 736 : index
      %get3A_707 = tpu.vector_load %arg10[%get3A_705, %get3A_706] {strides = array<i32>} : memref<64x768xf32, #tpu.memory_space<vmem>>, vector<1x16xf32>,
      %get3A_708 = vector.shape_cast %get3A_707 : vector<1x16xf32> to vector<16xf32>
      %get3A_709 = arith.index_cast %scan3A_12 : i32 to index
      %get3A_710 = arith.constant 736 : index
      %get3A_711 = tpu.vector_load %arg9[%get3A_709, %get3A_710] {strides = array<i32>} : memref<64x768xf32, #tpu.memory_space<vmem>>, vector<1x16xf32>,
      %get3A_712 = vector.shape_cast %get3A_711 : vector<1x16xf32> to vector<16xf32>
      %mul3A_713 = arith.mulf %get3A_15, %get3A_712 : vector<16xf32>
      %add3A_714 = arith.addf %get3A_708, %mul3A_713 : vector<16xf32>
      %swap3A_715 = arith.index_cast %scan3A_12 : i32 to index
      %swap3A_716 = arith.constant 736 : index
      %swap3A_717 = tpu.vector_load %arg10[%swap3A_715, %swap3A_716] {strides = array<i32>} : memref<64x768xf32, #tpu.memory_space<vmem>>, vector<1x16xf32>,
      %swap3A_718 = vector.shape_cast %swap3A_717 : vector<1x16xf32> to vector<16xf32>
      %swap3A_719 = vector.shape_cast %add3A_714 : vector<16xf32> to vector<1x16xf32>
      tpu.vector_store %arg10[%swap3A_715, %swap3A_716], %swap3A_719 {strides = array<i32>} : memref<64x768xf32, #tpu.memory_space<vmem>>, vector<1x16xf32>,
      %get3A_720 = arith.index_cast %scan3A_12 : i32 to index
      %get3A_721 = arith.constant 752 : index
      %get3A_722 = tpu.vector_load %arg10[%get3A_720, %get3A_721] {strides = array<i32>} : memref<64x768xf32, #tpu.memory_space<vmem>>, vector<1x16xf32>,
      %get3A_723 = vector.shape_cast %get3A_722 : vector<1x16xf32> to vector<16xf32>
      %get3A_724 = arith.index_cast %scan3A_12 : i32 to index
      %get3A_725 = arith.constant 752 : index
      %get3A_726 = tpu.vector_load %arg9[%get3A_724, %get3A_725] {strides = array<i32>} : memref<64x768xf32, #tpu.memory_space<vmem>>, vector<1x16xf32>,
      %get3A_727 = vector.shape_cast %get3A_726 : vector<1x16xf32> to vector<16xf32>
      %mul3A_728 = arith.mulf %get3A_15, %get3A_727 : vector<16xf32>
      %add3A_729 = arith.addf %get3A_723, %mul3A_728 : vector<16xf32>
      %swap3A_730 = arith.index_cast %scan3A_12 : i32 to index
      %swap3A_731 = arith.constant 752 : index
      %swap3A_732 = tpu.vector_load %arg10[%swap3A_730, %swap3A_731] {strides = array<i32>} : memref<64x768xf32, #tpu.memory_space<vmem>>, vector<1x16xf32>,
      %swap3A_733 = vector.shape_cast %swap3A_732 : vector<1x16xf32> to vector<16xf32>
      %swap3A_734 = vector.shape_cast %add3A_729 : vector<16xf32> to vector<1x16xf32>
      tpu.vector_store %arg10[%swap3A_730, %swap3A_731], %swap3A_734 {strides = array<i32>} : memref<64x768xf32, #tpu.memory_space<vmem>>, vector<1x16xf32>,
    }
    %scan3A_11 = arith.constant 64 : i32
    "tpu.region"() ({
      %run_scoped3A = tpu.sem_alloc : memref<!tpu.dma_semaphore, #tpu.memory_space<semaphore_mem>>
      %dma_start3A_12 = arith.constant 0 : i32
      %dma_start3A_13 = tpu.memref_slice %arg6[%mul3A_2, %dma_start3A_12] : memref<2048x768xf32, #tpu.memory_space<hbm>> -> memref<64x768xf32, #tpu.memory_space<hbm>>
      %dma_start3A_14 = arith.constant 0 : i32
      %dma_start3A_15 = tpu.memref_slice %arg6[%mul3A_2, %dma_start3A_14] : memref<2048x768xf32, #tpu.memory_space<hbm>> -> memref<64x768xf32, #tpu.memory_space<hbm>>
      tpu.enqueue_dma source(%arg10 : memref<64x768xf32, #tpu.memory_space<vmem>>) target(%dma_start3A_15 : memref<64x768xf32, #tpu.memory_space<hbm>>) target_semaphore(%run_scoped3A : memref<!tpu.dma_semaphore, #tpu.memory_space<semaphore_mem>>)
      %dma_wait3A_16 = arith.constant 0 : i32
      %dma_wait3A_17 = tpu.memref_slice %arg6[%mul3A_2, %dma_wait3A_16] : memref<2048x768xf32, #tpu.memory_space<hbm>> -> memref<64x768xf32, #tpu.memory_space<hbm>>
      %dma_wait3A_18 = arith.constant 0 : i32
      %dma_wait3A_19 = tpu.memref_slice %arg6[%mul3A_2, %dma_wait3A_18] : memref<2048x768xf32, #tpu.memory_space<hbm>> -> memref<64x768xf32, #tpu.memory_space<hbm>>
      tpu.wait_dma2 semaphore(%run_scoped3A : memref<!tpu.dma_semaphore, #tpu.memory_space<semaphore_mem>>) src(%arg10 : memref<64x768xf32, #tpu.memory_space<vmem>>) dst(%dma_wait3A_19 : memref<64x768xf32, #tpu.memory_space<hbm>>)
      tpu.yield
    }) : () -> ()
    return
  }
}

#map = affine_map<(d0, d1) -> (0, 0)>
module attributes {stable_mosaic.version = 14 : i64} {
  func.func @scatter_sorted(%arg0: i32, %arg1: i32, %arg2: memref<2048x768xf32, #tpu.memory_space<hbm>>, %arg3: memref<32x64xi32, #tpu.memory_space<hbm>>, %arg4: memref<6144x768xf32, #tpu.memory_space<hbm>>, %arg5: memref<64xi32, #tpu.memory_space<vmem>>, %arg6: memref<64x768xf32, #tpu.memory_space<vmem>>, %arg7: memref<!tpu.dma_semaphore, #tpu.memory_space<semaphore_mem>>) attributes {dimension_semantics = [#tpu.dimension_semantics<core_parallel>, #tpu.dimension_semantics<subcore_parallel>], iteration_bounds = array<i64: 2, 16>, scalar_prefetch = 0 : i64, scratch_operands = 3 : i64, tpu.core_type = #tpu.core_type<sc_vector_subcore>, window_params = [{transform_indices = #map}, {transform_indices = #map}, {transform_indices = #map}]} {
    %mul3A = arith.constant 2 : i32
    %mul3A_0 = arith.muli %arg1, %mul3A : i32
    %add3A = arith.addi %mul3A_0, %arg0 : i32
    %mul3A_1 = arith.constant 64 : i32
    %mul3A_2 = arith.muli %add3A, %mul3A_1 : i32
    "tpu.region"() ({
      %run_scoped3A = tpu.sem_alloc : memref<!tpu.dma_semaphore, #tpu.memory_space<semaphore_mem>>
      %dma_start3A_7 = arith.constant 0 : i32
      %dma_start3A_8 = tpu.memref_slice %arg3[%add3A, %dma_start3A_7] : memref<32x64xi32, #tpu.memory_space<hbm>> -> memref<1x64xi32, #tpu.memory_space<hbm>>
      %dma_start3A_9 = tpu.memref_squeeze %dma_start3A_8 : memref<1x64xi32, #tpu.memory_space<hbm>> -> memref<64xi32, #tpu.memory_space<hbm>>
      %dma_start3A_10 = arith.constant 0 : i32
      %dma_start3A_11 = tpu.memref_slice %arg3[%add3A, %dma_start3A_10] : memref<32x64xi32, #tpu.memory_space<hbm>> -> memref<1x64xi32, #tpu.memory_space<hbm>>
      %dma_start3A_12 = tpu.memref_squeeze %dma_start3A_11 : memref<1x64xi32, #tpu.memory_space<hbm>> -> memref<64xi32, #tpu.memory_space<hbm>>
      tpu.enqueue_dma source(%dma_start3A_12 : memref<64xi32, #tpu.memory_space<hbm>>) target(%arg5 : memref<64xi32, #tpu.memory_space<vmem>>) target_semaphore(%run_scoped3A : memref<!tpu.dma_semaphore, #tpu.memory_space<semaphore_mem>>)
      %dma_wait3A_13 = arith.constant 0 : i32
      %dma_wait3A_14 = tpu.memref_slice %arg3[%add3A, %dma_wait3A_13] : memref<32x64xi32, #tpu.memory_space<hbm>> -> memref<1x64xi32, #tpu.memory_space<hbm>>
      %dma_wait3A_15 = tpu.memref_squeeze %dma_wait3A_14 : memref<1x64xi32, #tpu.memory_space<hbm>> -> memref<64xi32, #tpu.memory_space<hbm>>
      %dma_wait3A_16 = arith.constant 0 : i32
      %dma_wait3A_17 = tpu.memref_slice %arg3[%add3A, %dma_wait3A_16] : memref<32x64xi32, #tpu.memory_space<hbm>> -> memref<1x64xi32, #tpu.memory_space<hbm>>
      %dma_wait3A_18 = tpu.memref_squeeze %dma_wait3A_17 : memref<1x64xi32, #tpu.memory_space<hbm>> -> memref<64xi32, #tpu.memory_space<hbm>>
      tpu.wait_dma2 semaphore(%run_scoped3A : memref<!tpu.dma_semaphore, #tpu.memory_space<semaphore_mem>>) src(%dma_wait3A_18 : memref<64xi32, #tpu.memory_space<hbm>>) dst(%arg5 : memref<64xi32, #tpu.memory_space<vmem>>)
      tpu.yield
    }) : () -> ()
    "tpu.region"() ({
      %run_scoped3A = tpu.sem_alloc : memref<!tpu.dma_semaphore, #tpu.memory_space<semaphore_mem>>
      %dma_start3A_7 = arith.constant 0 : i32
      %dma_start3A_8 = tpu.memref_slice %arg2[%mul3A_2, %dma_start3A_7] : memref<2048x768xf32, #tpu.memory_space<hbm>> -> memref<64x768xf32, #tpu.memory_space<hbm>>
      %dma_start3A_9 = arith.constant 0 : i32
      %dma_start3A_10 = tpu.memref_slice %arg2[%mul3A_2, %dma_start3A_9] : memref<2048x768xf32, #tpu.memory_space<hbm>> -> memref<64x768xf32, #tpu.memory_space<hbm>>
      tpu.enqueue_dma source(%dma_start3A_10 : memref<64x768xf32, #tpu.memory_space<hbm>>) target(%arg6 : memref<64x768xf32, #tpu.memory_space<vmem>>) target_semaphore(%run_scoped3A : memref<!tpu.dma_semaphore, #tpu.memory_space<semaphore_mem>>)
      %dma_wait3A_11 = arith.constant 0 : i32
      %dma_wait3A_12 = tpu.memref_slice %arg2[%mul3A_2, %dma_wait3A_11] : memref<2048x768xf32, #tpu.memory_space<hbm>> -> memref<64x768xf32, #tpu.memory_space<hbm>>
      %dma_wait3A_13 = arith.constant 0 : i32
      %dma_wait3A_14 = tpu.memref_slice %arg2[%mul3A_2, %dma_wait3A_13] : memref<2048x768xf32, #tpu.memory_space<hbm>> -> memref<64x768xf32, #tpu.memory_space<hbm>>
      tpu.wait_dma2 semaphore(%run_scoped3A : memref<!tpu.dma_semaphore, #tpu.memory_space<semaphore_mem>>) src(%dma_wait3A_14 : memref<64x768xf32, #tpu.memory_space<hbm>>) dst(%arg6 : memref<64x768xf32, #tpu.memory_space<vmem>>)
      tpu.yield
    }) : () -> ()
    %dma_start3A = arith.constant 0 : i32
    %dma_start3A_3 = arith.constant 0 : i32
    %dma_start3A_4 = tpu.memref_slice %arg4[%dma_start3A, %dma_start3A_3] : memref<6144x768xf32, #tpu.memory_space<hbm>> -> memref<6144x768xf32, #tpu.memory_space<hbm>>
    tpu.enqueue_indirect_dma source(%arg6 : memref<64x768xf32, #tpu.memory_space<vmem>>) target(%dma_start3A_4 : memref<6144x768xf32, #tpu.memory_space<hbm>>) offsets(%arg5 : memref<64xi32, #tpu.memory_space<vmem>>) semaphore(%arg7 : memref<!tpu.dma_semaphore, #tpu.memory_space<semaphore_mem>>)
    %dma_wait3A = arith.constant 0 : i32
    %dma_wait3A_5 = arith.constant 0 : i32
    %dma_wait3A_6 = tpu.memref_slice %arg4[%dma_wait3A, %dma_wait3A_5] : memref<6144x768xf32, #tpu.memory_space<hbm>> -> memref<6144x768xf32, #tpu.memory_space<hbm>>
    tpu.wait_indirect_dma semaphore(%arg7 : memref<!tpu.dma_semaphore, #tpu.memory_space<semaphore_mem>>) src(%arg6 : memref<64x768xf32, #tpu.memory_space<vmem>>) dst(%dma_wait3A_6 : memref<6144x768xf32, #tpu.memory_space<hbm>>)
    return
  }
}

module attributes {stable_mosaic.version = 14 : i64} {
  func.func @_meta_body(%arg0: i32, %arg1: memref<2048x768xf32, #tpu.memory_space<vmem>>, %arg2: memref<1x768xf32, #tpu.memory_space<vmem>>, %arg3: memref<2x768x128xf32, #tpu.memory_space<vmem>>, %arg4: memref<2x1x128xf32, #tpu.memory_space<vmem>>, %arg5: memref<2x128x768xf32, #tpu.memory_space<vmem>>, %arg6: memref<2x1x768xf32, #tpu.memory_space<vmem>>, %arg7: memref<64x768xf32, #tpu.memory_space<vmem>>, %arg8: memref<2048x768xf32, #tpu.memory_space<vmem>>, %arg9: memref<2048x768xf32, #tpu.memory_space<vmem>>, %arg10: memref<2048x16xf32, #tpu.memory_space<vmem>>, %arg11: memref<32x64xi32, #tpu.memory_space<vmem>>, %arg12: memref<96x1xi32, #tpu.memory_space<vmem>>, %arg13: memref<1x1xi32, #tpu.memory_space<vmem>>) attributes {dimension_semantics = [#tpu.dimension_semantics<arbitrary>], iteration_bounds = array<i64: 1>, scalar_prefetch = 0 : i64, scratch_operands = 0 : i64, tpu.core_type = #tpu.core_type<tc>, window_params = [{pipeline_mode = #tpu.pipeline_mode<synchronous>, transform_indices = @transform_0, window_bounds = array<i64: 2048, 768>}, {pipeline_mode = #tpu.pipeline_mode<synchronous>, transform_indices = @transform_1, window_bounds = array<i64: 1, 768>}, {pipeline_mode = #tpu.pipeline_mode<synchronous>, transform_indices = @transform_2, window_bounds = array<i64: 2, 768, 128>}, {pipeline_mode = #tpu.pipeline_mode<synchronous>, transform_indices = @transform_3, window_bounds = array<i64: 2, 1, 128>}, {pipeline_mode = #tpu.pipeline_mode<synchronous>, transform_indices = @transform_4, window_bounds = array<i64: 2, 128, 768>}, {pipeline_mode = #tpu.pipeline_mode<synchronous>, transform_indices = @transform_5, window_bounds = array<i64: 2, 1, 768>}, {pipeline_mode = #tpu.pipeline_mode<synchronous>, transform_indices = @transform_6, window_bounds = array<i64: 64, 768>}, {pipeline_mode = #tpu.pipeline_mode<synchronous>, transform_indices = @transform_7, window_bounds = array<i64: 2048, 768>}, {pipeline_mode = #tpu.pipeline_mode<synchronous>, transform_indices = @transform_8, window_bounds = array<i64: 2048, 768>}, {pipeline_mode = #tpu.pipeline_mode<synchronous>, transform_indices = @transform_9, window_bounds = array<i64: 2048, 16>}, {pipeline_mode = #tpu.pipeline_mode<synchronous>, transform_indices = @transform_10, window_bounds = array<i64: 32, 64>}, {pipeline_mode = #tpu.pipeline_mode<synchronous>, transform_indices = @transform_11, window_bounds = array<i64: 96, 1>}, {pipeline_mode = #tpu.pipeline_mode<synchronous>, transform_indices = @transform_12, window_bounds = array<i64: 1, 1>}]} {
    %get3A = arith.constant 0 : index
    %get3A_0 = arith.constant 0 : index
    %get3A_1 = vector.load %arg1[%get3A, %get3A_0] : memref<2048x768xf32, #tpu.memory_space<vmem>>, vector<2048x768xf32>
    %mul3A = arith.mulf %get3A_1, %get3A_1 : vector<2048x768xf32>
    %reduce_sum3A = arith.constant dense<0.000000e+00> : vector<2048xf32>
    %reduce_sum3A_2 = vector.multi_reduction <add>, %mul3A, %reduce_sum3A [1] : vector<2048x768xf32> to vector<2048xf32>
    %broadcast_in_dim3A = vector.shape_cast %reduce_sum3A_2 : vector<2048xf32> to vector<2048x1xf32>
    %div3A = arith.constant 7.680000e+02 : f32
    %div3A_3 = vector.broadcast %div3A : f32 to vector<2048x1xf32>
    %div3A_4 = arith.divf %broadcast_in_dim3A, %div3A_3 : vector<2048x1xf32>
    %add3A = arith.constant 9.99999997E-7 : f32
    %add3A_5 = vector.broadcast %add3A : f32 to vector<2048x1xf32>
    %add3A_6 = arith.addf %div3A_4, %add3A_5 : vector<2048x1xf32>
    %rsqrt3A = math.rsqrt %add3A_6 : vector<2048x1xf32>
    %mul3A_7 = vector.broadcast %rsqrt3A : vector<2048x1xf32> to vector<2048x768xf32>
    %mul3A_8 = arith.mulf %get3A_1, %mul3A_7 : vector<2048x768xf32>
    %get3A_9 = arith.constant 0 : index
    %get3A_10 = arith.constant 0 : index
    %get3A_11 = vector.load %arg2[%get3A_9, %get3A_10] : memref<1x768xf32, #tpu.memory_space<vmem>>, vector<1x768xf32>
    %mul3A_12 = vector.broadcast %get3A_11 : vector<1x768xf32> to vector<2048x768xf32>
    %mul3A_13 = arith.mulf %mul3A_8, %mul3A_12 : vector<2048x768xf32>
    %swap3A = arith.constant 0 : index
    %swap3A_14 = arith.constant 0 : index
    %swap3A_15 = vector.load %arg8[%swap3A, %swap3A_14] : memref<2048x768xf32, #tpu.memory_space<vmem>>, vector<2048x768xf32>
    tpu.vector_store %arg8[%swap3A, %swap3A_14], %mul3A_13 {strides = array<i32>} : memref<2048x768xf32, #tpu.memory_space<vmem>>, vector<2048x768xf32>,
    %get3A_16 = arith.constant 0 : index
    %get3A_17 = arith.constant 0 : index
    %get3A_18 = arith.constant 0 : index
    %get3A_19 = vector.load %arg3[%get3A_16, %get3A_17, %get3A_18] : memref<2x768x128xf32, #tpu.memory_space<vmem>>, vector<1x768x128xf32>
    %get3A_20 = vector.shape_cast %get3A_19 : vector<1x768x128xf32> to vector<768x128xf32>
    %dot_general3A = arith.constant dense<0.000000e+00> : vector<2048x128xf32>
    %dot_general3A_21 = tpu.matmul %mul3A_13, %get3A_20, %dot_general3A {dimension_numbers = #tpu.dot_dimension_numbers<[1], [0], [0], [1], [0, 0, 1, 1], [], []>, transpose_lhs_hint = false} : vector<2048x768xf32>, vector<768x128xf32>, vector<2048x128xf32> -> vector<2048x128xf32>
    %get3A_22 = arith.constant 0 : index
    %get3A_23 = arith.constant 0 : index
    %get3A_24 = arith.constant 0 : index
    %get3A_25 = vector.load %arg4[%get3A_22, %get3A_23, %get3A_24] : memref<2x1x128xf32, #tpu.memory_space<vmem>>, vector<1x1x128xf32>
    %get3A_26 = vector.shape_cast %get3A_25 : vector<1x1x128xf32> to vector<1x128xf32>
    %add3A_27 = vector.broadcast %get3A_26 : vector<1x128xf32> to vector<2048x128xf32>
    %add3A_28 = arith.addf %dot_general3A_21, %add3A_27 : vector<2048x128xf32>
    %logistic3A = arith.negf %add3A_28 : vector<2048x128xf32>
    %logistic3A_29 = math.exp %logistic3A : vector<2048x128xf32>
    %logistic3A_30 = arith.constant 1.000000e+00 : f32
    %logistic3A_31 = vector.broadcast %logistic3A_30 : f32 to vector<2048x128xf32>
    %logistic3A_32 = arith.addf %logistic3A_31, %logistic3A_29 : vector<2048x128xf32>
    %logistic3A_33 = arith.divf %logistic3A_31, %logistic3A_32 : vector<2048x128xf32>
    %mul3A_34 = arith.mulf %add3A_28, %logistic3A_33 : vector<2048x128xf32>
    %get3A_35 = arith.constant 0 : index
    %get3A_36 = arith.constant 0 : index
    %get3A_37 = arith.constant 0 : index
    %get3A_38 = vector.load %arg5[%get3A_35, %get3A_36, %get3A_37] : memref<2x128x768xf32, #tpu.memory_space<vmem>>, vector<1x128x768xf32>
    %get3A_39 = vector.shape_cast %get3A_38 : vector<1x128x768xf32> to vector<128x768xf32>
    %dot_general3A_40 = arith.constant dense<0.000000e+00> : vector<2048x768xf32>
    %dot_general3A_41 = tpu.matmul %mul3A_34, %get3A_39, %dot_general3A_40 {dimension_numbers = #tpu.dot_dimension_numbers<[1], [0], [0], [1], [0, 0, 1, 1], [], []>, transpose_lhs_hint = false} : vector<2048x128xf32>, vector<128x768xf32>, vector<2048x768xf32> -> vector<2048x768xf32>
    %add3A_42 = arith.addf %get3A_1, %dot_general3A_41 : vector<2048x768xf32>
    %get3A_43 = arith.constant 0 : index
    %get3A_44 = arith.constant 0 : index
    %get3A_45 = arith.constant 0 : index
    %get3A_46 = vector.load %arg6[%get3A_43, %get3A_44, %get3A_45] : memref<2x1x768xf32, #tpu.memory_space<vmem>>, vector<1x1x768xf32>
    %get3A_47 = vector.shape_cast %get3A_46 : vector<1x1x768xf32> to vector<1x768xf32>
    %add3A_48 = vector.broadcast %get3A_47 : vector<1x768xf32> to vector<2048x768xf32>
    %add3A_49 = arith.addf %add3A_42, %add3A_48 : vector<2048x768xf32>
    %get3A_50 = arith.constant 1 : index
    %get3A_51 = arith.constant 0 : index
    %get3A_52 = arith.constant 0 : index
    %get3A_53 = vector.load %arg3[%get3A_50, %get3A_51, %get3A_52] : memref<2x768x128xf32, #tpu.memory_space<vmem>>, vector<1x768x128xf32>
    %get3A_54 = vector.shape_cast %get3A_53 : vector<1x768x128xf32> to vector<768x128xf32>
    %dot_general3A_55 = arith.constant dense<0.000000e+00> : vector<2048x128xf32>
    %dot_general3A_56 = tpu.matmul %mul3A_13, %get3A_54, %dot_general3A_55 {dimension_numbers = #tpu.dot_dimension_numbers<[1], [0], [0], [1], [0, 0, 1, 1], [], []>, transpose_lhs_hint = false} : vector<2048x768xf32>, vector<768x128xf32>, vector<2048x128xf32> -> vector<2048x128xf32>
    %get3A_57 = arith.constant 1 : index
    %get3A_58 = arith.constant 0 : index
    %get3A_59 = arith.constant 0 : index
    %get3A_60 = vector.load %arg4[%get3A_57, %get3A_58, %get3A_59] : memref<2x1x128xf32, #tpu.memory_space<vmem>>, vector<1x1x128xf32>
    %get3A_61 = vector.shape_cast %get3A_60 : vector<1x1x128xf32> to vector<1x128xf32>
    %add3A_62 = vector.broadcast %get3A_61 : vector<1x128xf32> to vector<2048x128xf32>
    %add3A_63 = arith.addf %dot_general3A_56, %add3A_62 : vector<2048x128xf32>
    %logistic3A_64 = arith.negf %add3A_63 : vector<2048x128xf32>
    %logistic3A_65 = math.exp %logistic3A_64 : vector<2048x128xf32>
    %logistic3A_66 = arith.constant 1.000000e+00 : f32
    %logistic3A_67 = vector.broadcast %logistic3A_66 : f32 to vector<2048x128xf32>
    %logistic3A_68 = arith.addf %logistic3A_67, %logistic3A_65 : vector<2048x128xf32>
    %logistic3A_69 = arith.divf %logistic3A_67, %logistic3A_68 : vector<2048x128xf32>
    %mul3A_70 = arith.mulf %add3A_63, %logistic3A_69 : vector<2048x128xf32>
    %get3A_71 = arith.constant 1 : index
    %get3A_72 = arith.constant 0 : index
    %get3A_73 = arith.constant 0 : index
    %get3A_74 = vector.load %arg5[%get3A_71, %get3A_72, %get3A_73] : memref<2x128x768xf32, #tpu.memory_space<vmem>>, vector<1x128x768xf32>
    %get3A_75 = vector.shape_cast %get3A_74 : vector<1x128x768xf32> to vector<128x768xf32>
    %dot_general3A_76 = arith.constant dense<0.000000e+00> : vector<2048x768xf32>
    %dot_general3A_77 = tpu.matmul %mul3A_70, %get3A_75, %dot_general3A_76 {dimension_numbers = #tpu.dot_dimension_numbers<[1], [0], [0], [1], [0, 0, 1, 1], [], []>, transpose_lhs_hint = false} : vector<2048x128xf32>, vector<128x768xf32>, vector<2048x768xf32> -> vector<2048x768xf32>
    %add3A_78 = arith.addf %add3A_49, %dot_general3A_77 : vector<2048x768xf32>
    %get3A_79 = arith.constant 1 : index
    %get3A_80 = arith.constant 0 : index
    %get3A_81 = arith.constant 0 : index
    %get3A_82 = vector.load %arg6[%get3A_79, %get3A_80, %get3A_81] : memref<2x1x768xf32, #tpu.memory_space<vmem>>, vector<1x1x768xf32>
    %get3A_83 = vector.shape_cast %get3A_82 : vector<1x1x768xf32> to vector<1x768xf32>
    %add3A_84 = vector.broadcast %get3A_83 : vector<1x768xf32> to vector<2048x768xf32>
    %add3A_85 = arith.addf %add3A_78, %add3A_84 : vector<2048x768xf32>
    %swap3A_86 = arith.constant 0 : index
    %swap3A_87 = arith.constant 0 : index
    %swap3A_88 = vector.load %arg9[%swap3A_86, %swap3A_87] : memref<2048x768xf32, #tpu.memory_space<vmem>>, vector<2048x768xf32>
    tpu.vector_store %arg9[%swap3A_86, %swap3A_87], %add3A_85 {strides = array<i32>} : memref<2048x768xf32, #tpu.memory_space<vmem>>, vector<2048x768xf32>,
    %get3A_89 = arith.constant 0 : index
    %get3A_90 = arith.constant 0 : index
    %get3A_91 = vector.load %arg7[%get3A_89, %get3A_90] : memref<64x768xf32, #tpu.memory_space<vmem>>, vector<64x768xf32>
    %dot_general3A_92 = arith.constant dense<0.000000e+00> : vector<2048x64xf32>
    %dot_general3A_93 = tpu.matmul %mul3A_13, %get3A_91, %dot_general3A_92 {dimension_numbers = #tpu.dot_dimension_numbers<[1], [1], [0], [0], [0, 0, 1, 0], [], []>, transpose_lhs_hint = false} : vector<2048x768xf32>, vector<64x768xf32>, vector<2048x64xf32> -> vector<2048x64xf32>
    %argmax3A = tpu.reduce_index %dot_general3A_93 {axis = 1 : i32, kind = #tpu.reduction_kind<arg_max>} : vector<2048x64xf32> -> vector<2048xi32>
    %broadcast_in_dim3A_94 = vector.shape_cast %argmax3A : vector<2048xi32> to vector<2048x1xi32>
    %reduce_max3A = arith.constant dense<0xFF800000> : vector<2048xf32>
    %reduce_max3A_95 = vector.multi_reduction <maximumf>, %dot_general3A_93, %reduce_max3A [1] : vector<2048x64xf32> to vector<2048xf32>
    %broadcast_in_dim3A_96 = vector.shape_cast %reduce_max3A_95 : vector<2048xf32> to vector<2048x1xf32>
    %broadcast_in_dim3A_97 = vector.shape_cast %broadcast_in_dim3A_96 : vector<2048x1xf32> to vector<2048x1xf32>
    %broadcast_in_dim3A_98 = vector.broadcast %broadcast_in_dim3A_97 : vector<2048x1xf32> to vector<2048x16xf32>
    %swap3A_99 = arith.constant 0 : index
    %swap3A_100 = arith.constant 0 : index
    %swap3A_101 = vector.load %arg10[%swap3A_99, %swap3A_100] : memref<2048x16xf32, #tpu.memory_space<vmem>>, vector<2048x16xf32>
    tpu.vector_store %arg10[%swap3A_99, %swap3A_100], %broadcast_in_dim3A_98 {strides = array<i32>} : memref<2048x16xf32, #tpu.memory_space<vmem>>, vector<2048x16xf32>,
    %iota3A = tpu.iota {dimensions = array<i32: 1>} : vector<2048x64xi32>
    %eq3A = vector.broadcast %broadcast_in_dim3A_94 : vector<2048x1xi32> to vector<2048x64xi32>
    %eq3A_102 = arith.cmpi eq, %iota3A, %eq3A : vector<2048x64xi32>
    %convert_element_type3A = arith.extui %eq3A_102 : vector<2048x64xi1> to vector<2048x64xi32>
    %convert_element_type3A_103 = arith.sitofp %convert_element_type3A : vector<2048x64xi32> to vector<2048x64xf32>
    %reduce_sum3A_104 = arith.constant dense<0.000000e+00> : vector<64xf32>
    %reduce_sum3A_105 = vector.multi_reduction <add>, %convert_element_type3A_103, %reduce_sum3A_104 [0] : vector<2048x64xf32> to vector<64xf32>
    %broadcast_in_dim3A_106 = vector.shape_cast %reduce_sum3A_105 : vector<64xf32> to vector<1x64xf32>
    %add3A_107 = arith.constant 6.300000e+01 : f32
    %add3A_108 = vector.broadcast %add3A_107 : f32 to vector<1x64xf32>
    %add3A_109 = arith.addf %broadcast_in_dim3A_106, %add3A_108 : vector<1x64xf32>
    %div3A_110 = arith.constant 6.400000e+01 : f32
    %div3A_111 = vector.broadcast %div3A_110 : f32 to vector<1x64xf32>
    %div3A_112 = arith.divf %add3A_109, %div3A_111 : vector<1x64xf32>
    %floor3A = math.floor %div3A_112 : vector<1x64xf32>
    %iota3A_113 = tpu.iota {dimensions = array<i32: 0>} : vector<64x64xi32>
    %iota3A_114 = tpu.iota {dimensions = array<i32: 1>} : vector<64x64xi32>
    %lt3A = arith.cmpi slt, %iota3A_113, %iota3A_114 : vector<64x64xi32>
    %convert_element_type3A_115 = arith.extui %lt3A : vector<64x64xi1> to vector<64x64xi32>
    %convert_element_type3A_116 = arith.sitofp %convert_element_type3A_115 : vector<64x64xi32> to vector<64x64xf32>
    %dot_general3A_117 = arith.constant dense<0.000000e+00> : vector<1x64xf32>
    %dot_general3A_118 = tpu.matmul %floor3A, %convert_element_type3A_116, %dot_general3A_117 {dimension_numbers = #tpu.dot_dimension_numbers<[1], [0], [0], [1], [0, 0, 1, 1], [], []>, transpose_lhs_hint = false} : vector<1x64xf32>, vector<64x64xf32>, vector<1x64xf32> -> vector<1x64xf32>
    %mul3A_119 = arith.constant 6.400000e+01 : f32
    %mul3A_120 = vector.broadcast %mul3A_119 : f32 to vector<1x64xf32>
    %mul3A_121 = arith.mulf %dot_general3A_118, %mul3A_120 : vector<1x64xf32>
    %iota3A_122 = tpu.iota {dimensions = array<i32: 0>} : vector<256x256xi32>
    %iota3A_123 = tpu.iota {dimensions = array<i32: 1>} : vector<256x256xi32>
    %ge3A = arith.cmpi sge, %iota3A_122, %iota3A_123 : vector<256x256xi32>
    %convert_element_type3A_124 = arith.extui %ge3A : vector<256x256xi1> to vector<256x256xi32>
    %convert_element_type3A_125 = arith.sitofp %convert_element_type3A_124 : vector<256x256xi32> to vector<256x256xf32>
    %broadcast_in_dim3A_126 = arith.constant 0.000000e+00 : f32
    %broadcast_in_dim3A_127 = vector.broadcast %broadcast_in_dim3A_126 : f32 to vector<1x64xf32>
    %slice3A = vector.extract_strided_slice %convert_element_type3A_103 {offsets = [0, 0], sizes = [256, 64], strides = [1, 1]} : vector<2048x64xf32> to vector<256x64xf32>
    %dot_general3A_128 = arith.constant dense<0.000000e+00> : vector<256x64xf32>
    %dot_general3A_129 = tpu.matmul %convert_element_type3A_125, %slice3A, %dot_general3A_128 {dimension_numbers = #tpu.dot_dimension_numbers<[1], [0], [0], [1], [0, 0, 1, 1], [], []>, transpose_lhs_hint = false} : vector<256x256xf32>, vector<256x64xf32>, vector<256x64xf32> -> vector<256x64xf32>
    %add3A_130 = vector.broadcast %broadcast_in_dim3A_127 : vector<1x64xf32> to vector<256x64xf32>
    %add3A_131 = arith.addf %dot_general3A_129, %add3A_130 : vector<256x64xf32>
    %mul3A_132 = arith.mulf %slice3A, %add3A_131 : vector<256x64xf32>
    %reduce_sum3A_133 = arith.constant dense<0.000000e+00> : vector<256xf32>
    %reduce_sum3A_134 = vector.multi_reduction <add>, %mul3A_132, %reduce_sum3A_133 [1] : vector<256x64xf32> to vector<256xf32>
    %broadcast_in_dim3A_135 = vector.shape_cast %reduce_sum3A_134 : vector<256xf32> to vector<256x1xf32>
    %sub3A = arith.constant 1.000000e+00 : f32
    %sub3A_136 = vector.broadcast %sub3A : f32 to vector<256x1xf32>
    %sub3A_137 = arith.subf %broadcast_in_dim3A_135, %sub3A_136 : vector<256x1xf32>
    %mul3A_138 = vector.broadcast %mul3A_121 : vector<1x64xf32> to vector<256x64xf32>
    %mul3A_139 = arith.mulf %slice3A, %mul3A_138 : vector<256x64xf32>
    %reduce_sum3A_140 = arith.constant dense<0.000000e+00> : vector<256xf32>
    %reduce_sum3A_141 = vector.multi_reduction <add>, %mul3A_139, %reduce_sum3A_140 [1] : vector<256x64xf32> to vector<256xf32>
    %broadcast_in_dim3A_142 = vector.shape_cast %reduce_sum3A_141 : vector<256xf32> to vector<256x1xf32>
    %add3A_143 = arith.addf %broadcast_in_dim3A_142, %sub3A_137 : vector<256x1xf32>
    %convert_element_type3A_144 = arith.fptosi %add3A_143 : vector<256x1xf32> to vector<256x1xi32>
    %reshape3A = vector.shape_cast %convert_element_type3A_144 : vector<256x1xi32> to vector<4x64xi32>
    %swap3A_145 = arith.constant 0 : index
    %swap3A_146 = arith.constant 0 : index
    %swap3A_147 = vector.load %arg11[%swap3A_145, %swap3A_146] : memref<32x64xi32, #tpu.memory_space<vmem>>, vector<4x64xi32>
    tpu.vector_store %arg11[%swap3A_145, %swap3A_146], %reshape3A {strides = array<i32>} : memref<32x64xi32, #tpu.memory_space<vmem>>, vector<4x64xi32>,
    %reduce_sum3A_148 = arith.constant dense<0.000000e+00> : vector<64xf32>
    %reduce_sum3A_149 = vector.multi_reduction <add>, %slice3A, %reduce_sum3A_148 [0] : vector<256x64xf32> to vector<64xf32>
    %broadcast_in_dim3A_150 = vector.shape_cast %reduce_sum3A_149 : vector<64xf32> to vector<1x64xf32>
    %add3A_151 = arith.addf %broadcast_in_dim3A_127, %broadcast_in_dim3A_150 : vector<1x64xf32>
    %slice3A_152 = vector.extract_strided_slice %convert_element_type3A_103 {offsets = [256, 0], sizes = [256, 64], strides = [1, 1]} : vector<2048x64xf32> to vector<256x64xf32>
    %dot_general3A_153 = arith.constant dense<0.000000e+00> : vector<256x64xf32>
    %dot_general3A_154 = tpu.matmul %convert_element_type3A_125, %slice3A_152, %dot_general3A_153 {dimension_numbers = #tpu.dot_dimension_numbers<[1], [0], [0], [1], [0, 0, 1, 1], [], []>, transpose_lhs_hint = false} : vector<256x256xf32>, vector<256x64xf32>, vector<256x64xf32> -> vector<256x64xf32>
    %add3A_155 = vector.broadcast %add3A_151 : vector<1x64xf32> to vector<256x64xf32>
    %add3A_156 = arith.addf %dot_general3A_154, %add3A_155 : vector<256x64xf32>
    %mul3A_157 = arith.mulf %slice3A_152, %add3A_156 : vector<256x64xf32>
    %reduce_sum3A_158 = arith.constant dense<0.000000e+00> : vector<256xf32>
    %reduce_sum3A_159 = vector.multi_reduction <add>, %mul3A_157, %reduce_sum3A_158 [1] : vector<256x64xf32> to vector<256xf32>
    %broadcast_in_dim3A_160 = vector.shape_cast %reduce_sum3A_159 : vector<256xf32> to vector<256x1xf32>
    %sub3A_161 = arith.constant 1.000000e+00 : f32
    %sub3A_162 = vector.broadcast %sub3A_161 : f32 to vector<256x1xf32>
    %sub3A_163 = arith.subf %broadcast_in_dim3A_160, %sub3A_162 : vector<256x1xf32>
    %mul3A_164 = vector.broadcast %mul3A_121 : vector<1x64xf32> to vector<256x64xf32>
    %mul3A_165 = arith.mulf %slice3A_152, %mul3A_164 : vector<256x64xf32>
    %reduce_sum3A_166 = arith.constant dense<0.000000e+00> : vector<256xf32>
    %reduce_sum3A_167 = vector.multi_reduction <add>, %mul3A_165, %reduce_sum3A_166 [1] : vector<256x64xf32> to vector<256xf32>
    %broadcast_in_dim3A_168 = vector.shape_cast %reduce_sum3A_167 : vector<256xf32> to vector<256x1xf32>
    %add3A_169 = arith.addf %broadcast_in_dim3A_168, %sub3A_163 : vector<256x1xf32>
    %convert_element_type3A_170 = arith.fptosi %add3A_169 : vector<256x1xf32> to vector<256x1xi32>
    %reshape3A_171 = vector.shape_cast %convert_element_type3A_170 : vector<256x1xi32> to vector<4x64xi32>
    %swap3A_172 = arith.constant 4 : index
    %swap3A_173 = arith.constant 0 : index
    %swap3A_174 = vector.load %arg11[%swap3A_172, %swap3A_173] : memref<32x64xi32, #tpu.memory_space<vmem>>, vector<4x64xi32>
    tpu.vector_store %arg11[%swap3A_172, %swap3A_173], %reshape3A_171 {strides = array<i32>} : memref<32x64xi32, #tpu.memory_space<vmem>>, vector<4x64xi32>,
    %reduce_sum3A_175 = arith.constant dense<0.000000e+00> : vector<64xf32>
    %reduce_sum3A_176 = vector.multi_reduction <add>, %slice3A_152, %reduce_sum3A_175 [0] : vector<256x64xf32> to vector<64xf32>
    %broadcast_in_dim3A_177 = vector.shape_cast %reduce_sum3A_176 : vector<64xf32> to vector<1x64xf32>
    %add3A_178 = arith.addf %add3A_151, %broadcast_in_dim3A_177 : vector<1x64xf32>
    %slice3A_179 = vector.extract_strided_slice %convert_element_type3A_103 {offsets = [512, 0], sizes = [256, 64], strides = [1, 1]} : vector<2048x64xf32> to vector<256x64xf32>
    %dot_general3A_180 = arith.constant dense<0.000000e+00> : vector<256x64xf32>
    %dot_general3A_181 = tpu.matmul %convert_element_type3A_125, %slice3A_179, %dot_general3A_180 {dimension_numbers = #tpu.dot_dimension_numbers<[1], [0], [0], [1], [0, 0, 1, 1], [], []>, transpose_lhs_hint = false} : vector<256x256xf32>, vector<256x64xf32>, vector<256x64xf32> -> vector<256x64xf32>
    %add3A_182 = vector.broadcast %add3A_178 : vector<1x64xf32> to vector<256x64xf32>
    %add3A_183 = arith.addf %dot_general3A_181, %add3A_182 : vector<256x64xf32>
    %mul3A_184 = arith.mulf %slice3A_179, %add3A_183 : vector<256x64xf32>
    %reduce_sum3A_185 = arith.constant dense<0.000000e+00> : vector<256xf32>
    %reduce_sum3A_186 = vector.multi_reduction <add>, %mul3A_184, %reduce_sum3A_185 [1] : vector<256x64xf32> to vector<256xf32>
    %broadcast_in_dim3A_187 = vector.shape_cast %reduce_sum3A_186 : vector<256xf32> to vector<256x1xf32>
    %sub3A_188 = arith.constant 1.000000e+00 : f32
    %sub3A_189 = vector.broadcast %sub3A_188 : f32 to vector<256x1xf32>
    %sub3A_190 = arith.subf %broadcast_in_dim3A_187, %sub3A_189 : vector<256x1xf32>
    %mul3A_191 = vector.broadcast %mul3A_121 : vector<1x64xf32> to vector<256x64xf32>
    %mul3A_192 = arith.mulf %slice3A_179, %mul3A_191 : vector<256x64xf32>
    %reduce_sum3A_193 = arith.constant dense<0.000000e+00> : vector<256xf32>
    %reduce_sum3A_194 = vector.multi_reduction <add>, %mul3A_192, %reduce_sum3A_193 [1] : vector<256x64xf32> to vector<256xf32>
    %broadcast_in_dim3A_195 = vector.shape_cast %reduce_sum3A_194 : vector<256xf32> to vector<256x1xf32>
    %add3A_196 = arith.addf %broadcast_in_dim3A_195, %sub3A_190 : vector<256x1xf32>
    %convert_element_type3A_197 = arith.fptosi %add3A_196 : vector<256x1xf32> to vector<256x1xi32>
    %reshape3A_198 = vector.shape_cast %convert_element_type3A_197 : vector<256x1xi32> to vector<4x64xi32>
    %swap3A_199 = arith.constant 8 : index
    %swap3A_200 = arith.constant 0 : index
    %swap3A_201 = vector.load %arg11[%swap3A_199, %swap3A_200] : memref<32x64xi32, #tpu.memory_space<vmem>>, vector<4x64xi32>
    tpu.vector_store %arg11[%swap3A_199, %swap3A_200], %reshape3A_198 {strides = array<i32>} : memref<32x64xi32, #tpu.memory_space<vmem>>, vector<4x64xi32>,
    %reduce_sum3A_202 = arith.constant dense<0.000000e+00> : vector<64xf32>
    %reduce_sum3A_203 = vector.multi_reduction <add>, %slice3A_179, %reduce_sum3A_202 [0] : vector<256x64xf32> to vector<64xf32>
    %broadcast_in_dim3A_204 = vector.shape_cast %reduce_sum3A_203 : vector<64xf32> to vector<1x64xf32>
    %add3A_205 = arith.addf %add3A_178, %broadcast_in_dim3A_204 : vector<1x64xf32>
    %slice3A_206 = vector.extract_strided_slice %convert_element_type3A_103 {offsets = [768, 0], sizes = [256, 64], strides = [1, 1]} : vector<2048x64xf32> to vector<256x64xf32>
    %dot_general3A_207 = arith.constant dense<0.000000e+00> : vector<256x64xf32>
    %dot_general3A_208 = tpu.matmul %convert_element_type3A_125, %slice3A_206, %dot_general3A_207 {dimension_numbers = #tpu.dot_dimension_numbers<[1], [0], [0], [1], [0, 0, 1, 1], [], []>, transpose_lhs_hint = false} : vector<256x256xf32>, vector<256x64xf32>, vector<256x64xf32> -> vector<256x64xf32>
    %add3A_209 = vector.broadcast %add3A_205 : vector<1x64xf32> to vector<256x64xf32>
    %add3A_210 = arith.addf %dot_general3A_208, %add3A_209 : vector<256x64xf32>
    %mul3A_211 = arith.mulf %slice3A_206, %add3A_210 : vector<256x64xf32>
    %reduce_sum3A_212 = arith.constant dense<0.000000e+00> : vector<256xf32>
    %reduce_sum3A_213 = vector.multi_reduction <add>, %mul3A_211, %reduce_sum3A_212 [1] : vector<256x64xf32> to vector<256xf32>
    %broadcast_in_dim3A_214 = vector.shape_cast %reduce_sum3A_213 : vector<256xf32> to vector<256x1xf32>
    %sub3A_215 = arith.constant 1.000000e+00 : f32
    %sub3A_216 = vector.broadcast %sub3A_215 : f32 to vector<256x1xf32>
    %sub3A_217 = arith.subf %broadcast_in_dim3A_214, %sub3A_216 : vector<256x1xf32>
    %mul3A_218 = vector.broadcast %mul3A_121 : vector<1x64xf32> to vector<256x64xf32>
    %mul3A_219 = arith.mulf %slice3A_206, %mul3A_218 : vector<256x64xf32>
    %reduce_sum3A_220 = arith.constant dense<0.000000e+00> : vector<256xf32>
    %reduce_sum3A_221 = vector.multi_reduction <add>, %mul3A_219, %reduce_sum3A_220 [1] : vector<256x64xf32> to vector<256xf32>
    %broadcast_in_dim3A_222 = vector.shape_cast %reduce_sum3A_221 : vector<256xf32> to vector<256x1xf32>
    %add3A_223 = arith.addf %broadcast_in_dim3A_222, %sub3A_217 : vector<256x1xf32>
    %convert_element_type3A_224 = arith.fptosi %add3A_223 : vector<256x1xf32> to vector<256x1xi32>
    %reshape3A_225 = vector.shape_cast %convert_element_type3A_224 : vector<256x1xi32> to vector<4x64xi32>
    %swap3A_226 = arith.constant 12 : index
    %swap3A_227 = arith.constant 0 : index
    %swap3A_228 = vector.load %arg11[%swap3A_226, %swap3A_227] : memref<32x64xi32, #tpu.memory_space<vmem>>, vector<4x64xi32>
    tpu.vector_store %arg11[%swap3A_226, %swap3A_227], %reshape3A_225 {strides = array<i32>} : memref<32x64xi32, #tpu.memory_space<vmem>>, vector<4x64xi32>,
    %reduce_sum3A_229 = arith.constant dense<0.000000e+00> : vector<64xf32>
    %reduce_sum3A_230 = vector.multi_reduction <add>, %slice3A_206, %reduce_sum3A_229 [0] : vector<256x64xf32> to vector<64xf32>
    %broadcast_in_dim3A_231 = vector.shape_cast %reduce_sum3A_230 : vector<64xf32> to vector<1x64xf32>
    %add3A_232 = arith.addf %add3A_205, %broadcast_in_dim3A_231 : vector<1x64xf32>
    %slice3A_233 = vector.extract_strided_slice %convert_element_type3A_103 {offsets = [1024, 0], sizes = [256, 64], strides = [1, 1]} : vector<2048x64xf32> to vector<256x64xf32>
    %dot_general3A_234 = arith.constant dense<0.000000e+00> : vector<256x64xf32>
    %dot_general3A_235 = tpu.matmul %convert_element_type3A_125, %slice3A_233, %dot_general3A_234 {dimension_numbers = #tpu.dot_dimension_numbers<[1], [0], [0], [1], [0, 0, 1, 1], [], []>, transpose_lhs_hint = false} : vector<256x256xf32>, vector<256x64xf32>, vector<256x64xf32> -> vector<256x64xf32>
    %add3A_236 = vector.broadcast %add3A_232 : vector<1x64xf32> to vector<256x64xf32>
    %add3A_237 = arith.addf %dot_general3A_235, %add3A_236 : vector<256x64xf32>
    %mul3A_238 = arith.mulf %slice3A_233, %add3A_237 : vector<256x64xf32>
    %reduce_sum3A_239 = arith.constant dense<0.000000e+00> : vector<256xf32>
    %reduce_sum3A_240 = vector.multi_reduction <add>, %mul3A_238, %reduce_sum3A_239 [1] : vector<256x64xf32> to vector<256xf32>
    %broadcast_in_dim3A_241 = vector.shape_cast %reduce_sum3A_240 : vector<256xf32> to vector<256x1xf32>
    %sub3A_242 = arith.constant 1.000000e+00 : f32
    %sub3A_243 = vector.broadcast %sub3A_242 : f32 to vector<256x1xf32>
    %sub3A_244 = arith.subf %broadcast_in_dim3A_241, %sub3A_243 : vector<256x1xf32>
    %mul3A_245 = vector.broadcast %mul3A_121 : vector<1x64xf32> to vector<256x64xf32>
    %mul3A_246 = arith.mulf %slice3A_233, %mul3A_245 : vector<256x64xf32>
    %reduce_sum3A_247 = arith.constant dense<0.000000e+00> : vector<256xf32>
    %reduce_sum3A_248 = vector.multi_reduction <add>, %mul3A_246, %reduce_sum3A_247 [1] : vector<256x64xf32> to vector<256xf32>
    %broadcast_in_dim3A_249 = vector.shape_cast %reduce_sum3A_248 : vector<256xf32> to vector<256x1xf32>
    %add3A_250 = arith.addf %broadcast_in_dim3A_249, %sub3A_244 : vector<256x1xf32>
    %convert_element_type3A_251 = arith.fptosi %add3A_250 : vector<256x1xf32> to vector<256x1xi32>
    %reshape3A_252 = vector.shape_cast %convert_element_type3A_251 : vector<256x1xi32> to vector<4x64xi32>
    %swap3A_253 = arith.constant 16 : index
    %swap3A_254 = arith.constant 0 : index
    %swap3A_255 = vector.load %arg11[%swap3A_253, %swap3A_254] : memref<32x64xi32, #tpu.memory_space<vmem>>, vector<4x64xi32>
    tpu.vector_store %arg11[%swap3A_253, %swap3A_254], %reshape3A_252 {strides = array<i32>} : memref<32x64xi32, #tpu.memory_space<vmem>>, vector<4x64xi32>,
    %reduce_sum3A_256 = arith.constant dense<0.000000e+00> : vector<64xf32>
    %reduce_sum3A_257 = vector.multi_reduction <add>, %slice3A_233, %reduce_sum3A_256 [0] : vector<256x64xf32> to vector<64xf32>
    %broadcast_in_dim3A_258 = vector.shape_cast %reduce_sum3A_257 : vector<64xf32> to vector<1x64xf32>
    %add3A_259 = arith.addf %add3A_232, %broadcast_in_dim3A_258 : vector<1x64xf32>
    %slice3A_260 = vector.extract_strided_slice %convert_element_type3A_103 {offsets = [1280, 0], sizes = [256, 64], strides = [1, 1]} : vector<2048x64xf32> to vector<256x64xf32>
    %dot_general3A_261 = arith.constant dense<0.000000e+00> : vector<256x64xf32>
    %dot_general3A_262 = tpu.matmul %convert_element_type3A_125, %slice3A_260, %dot_general3A_261 {dimension_numbers = #tpu.dot_dimension_numbers<[1], [0], [0], [1], [0, 0, 1, 1], [], []>, transpose_lhs_hint = false} : vector<256x256xf32>, vector<256x64xf32>, vector<256x64xf32> -> vector<256x64xf32>
    %add3A_263 = vector.broadcast %add3A_259 : vector<1x64xf32> to vector<256x64xf32>
    %add3A_264 = arith.addf %dot_general3A_262, %add3A_263 : vector<256x64xf32>
    %mul3A_265 = arith.mulf %slice3A_260, %add3A_264 : vector<256x64xf32>
    %reduce_sum3A_266 = arith.constant dense<0.000000e+00> : vector<256xf32>
    %reduce_sum3A_267 = vector.multi_reduction <add>, %mul3A_265, %reduce_sum3A_266 [1] : vector<256x64xf32> to vector<256xf32>
    %broadcast_in_dim3A_268 = vector.shape_cast %reduce_sum3A_267 : vector<256xf32> to vector<256x1xf32>
    %sub3A_269 = arith.constant 1.000000e+00 : f32
    %sub3A_270 = vector.broadcast %sub3A_269 : f32 to vector<256x1xf32>
    %sub3A_271 = arith.subf %broadcast_in_dim3A_268, %sub3A_270 : vector<256x1xf32>
    %mul3A_272 = vector.broadcast %mul3A_121 : vector<1x64xf32> to vector<256x64xf32>
    %mul3A_273 = arith.mulf %slice3A_260, %mul3A_272 : vector<256x64xf32>
    %reduce_sum3A_274 = arith.constant dense<0.000000e+00> : vector<256xf32>
    %reduce_sum3A_275 = vector.multi_reduction <add>, %mul3A_273, %reduce_sum3A_274 [1] : vector<256x64xf32> to vector<256xf32>
    %broadcast_in_dim3A_276 = vector.shape_cast %reduce_sum3A_275 : vector<256xf32> to vector<256x1xf32>
    %add3A_277 = arith.addf %broadcast_in_dim3A_276, %sub3A_271 : vector<256x1xf32>
    %convert_element_type3A_278 = arith.fptosi %add3A_277 : vector<256x1xf32> to vector<256x1xi32>
    %reshape3A_279 = vector.shape_cast %convert_element_type3A_278 : vector<256x1xi32> to vector<4x64xi32>
    %swap3A_280 = arith.constant 20 : index
    %swap3A_281 = arith.constant 0 : index
    %swap3A_282 = vector.load %arg11[%swap3A_280, %swap3A_281] : memref<32x64xi32, #tpu.memory_space<vmem>>, vector<4x64xi32>
    tpu.vector_store %arg11[%swap3A_280, %swap3A_281], %reshape3A_279 {strides = array<i32>} : memref<32x64xi32, #tpu.memory_space<vmem>>, vector<4x64xi32>,
    %reduce_sum3A_283 = arith.constant dense<0.000000e+00> : vector<64xf32>
    %reduce_sum3A_284 = vector.multi_reduction <add>, %slice3A_260, %reduce_sum3A_283 [0] : vector<256x64xf32> to vector<64xf32>
    %broadcast_in_dim3A_285 = vector.shape_cast %reduce_sum3A_284 : vector<64xf32> to vector<1x64xf32>
    %add3A_286 = arith.addf %add3A_259, %broadcast_in_dim3A_285 : vector<1x64xf32>
    %slice3A_287 = vector.extract_strided_slice %convert_element_type3A_103 {offsets = [1536, 0], sizes = [256, 64], strides = [1, 1]} : vector<2048x64xf32> to vector<256x64xf32>
    %dot_general3A_288 = arith.constant dense<0.000000e+00> : vector<256x64xf32>
    %dot_general3A_289 = tpu.matmul %convert_element_type3A_125, %slice3A_287, %dot_general3A_288 {dimension_numbers = #tpu.dot_dimension_numbers<[1], [0], [0], [1], [0, 0, 1, 1], [], []>, transpose_lhs_hint = false} : vector<256x256xf32>, vector<256x64xf32>, vector<256x64xf32> -> vector<256x64xf32>
    %add3A_290 = vector.broadcast %add3A_286 : vector<1x64xf32> to vector<256x64xf32>
    %add3A_291 = arith.addf %dot_general3A_289, %add3A_290 : vector<256x64xf32>
    %mul3A_292 = arith.mulf %slice3A_287, %add3A_291 : vector<256x64xf32>
    %reduce_sum3A_293 = arith.constant dense<0.000000e+00> : vector<256xf32>
    %reduce_sum3A_294 = vector.multi_reduction <add>, %mul3A_292, %reduce_sum3A_293 [1] : vector<256x64xf32> to vector<256xf32>
    %broadcast_in_dim3A_295 = vector.shape_cast %reduce_sum3A_294 : vector<256xf32> to vector<256x1xf32>
    %sub3A_296 = arith.constant 1.000000e+00 : f32
    %sub3A_297 = vector.broadcast %sub3A_296 : f32 to vector<256x1xf32>
    %sub3A_298 = arith.subf %broadcast_in_dim3A_295, %sub3A_297 : vector<256x1xf32>
    %mul3A_299 = vector.broadcast %mul3A_121 : vector<1x64xf32> to vector<256x64xf32>
    %mul3A_300 = arith.mulf %slice3A_287, %mul3A_299 : vector<256x64xf32>
    %reduce_sum3A_301 = arith.constant dense<0.000000e+00> : vector<256xf32>
    %reduce_sum3A_302 = vector.multi_reduction <add>, %mul3A_300, %reduce_sum3A_301 [1] : vector<256x64xf32> to vector<256xf32>
    %broadcast_in_dim3A_303 = vector.shape_cast %reduce_sum3A_302 : vector<256xf32> to vector<256x1xf32>
    %add3A_304 = arith.addf %broadcast_in_dim3A_303, %sub3A_298 : vector<256x1xf32>
    %convert_element_type3A_305 = arith.fptosi %add3A_304 : vector<256x1xf32> to vector<256x1xi32>
    %reshape3A_306 = vector.shape_cast %convert_element_type3A_305 : vector<256x1xi32> to vector<4x64xi32>
    %swap3A_307 = arith.constant 24 : index
    %swap3A_308 = arith.constant 0 : index
    %swap3A_309 = vector.load %arg11[%swap3A_307, %swap3A_308] : memref<32x64xi32, #tpu.memory_space<vmem>>, vector<4x64xi32>
    tpu.vector_store %arg11[%swap3A_307, %swap3A_308], %reshape3A_306 {strides = array<i32>} : memref<32x64xi32, #tpu.memory_space<vmem>>, vector<4x64xi32>,
    %reduce_sum3A_310 = arith.constant dense<0.000000e+00> : vector<64xf32>
    %reduce_sum3A_311 = vector.multi_reduction <add>, %slice3A_287, %reduce_sum3A_310 [0] : vector<256x64xf32> to vector<64xf32>
    %broadcast_in_dim3A_312 = vector.shape_cast %reduce_sum3A_311 : vector<64xf32> to vector<1x64xf32>
    %add3A_313 = arith.addf %add3A_286, %broadcast_in_dim3A_312 : vector<1x64xf32>
    %slice3A_314 = vector.extract_strided_slice %convert_element_type3A_103 {offsets = [1792, 0], sizes = [256, 64], strides = [1, 1]} : vector<2048x64xf32> to vector<256x64xf32>
    %dot_general3A_315 = arith.constant dense<0.000000e+00> : vector<256x64xf32>
    %dot_general3A_316 = tpu.matmul %convert_element_type3A_125, %slice3A_314, %dot_general3A_315 {dimension_numbers = #tpu.dot_dimension_numbers<[1], [0], [0], [1], [0, 0, 1, 1], [], []>, transpose_lhs_hint = false} : vector<256x256xf32>, vector<256x64xf32>, vector<256x64xf32> -> vector<256x64xf32>
    %add3A_317 = vector.broadcast %add3A_313 : vector<1x64xf32> to vector<256x64xf32>
    %add3A_318 = arith.addf %dot_general3A_316, %add3A_317 : vector<256x64xf32>
    %mul3A_319 = arith.mulf %slice3A_314, %add3A_318 : vector<256x64xf32>
    %reduce_sum3A_320 = arith.constant dense<0.000000e+00> : vector<256xf32>
    %reduce_sum3A_321 = vector.multi_reduction <add>, %mul3A_319, %reduce_sum3A_320 [1] : vector<256x64xf32> to vector<256xf32>
    %broadcast_in_dim3A_322 = vector.shape_cast %reduce_sum3A_321 : vector<256xf32> to vector<256x1xf32>
    %sub3A_323 = arith.constant 1.000000e+00 : f32
    %sub3A_324 = vector.broadcast %sub3A_323 : f32 to vector<256x1xf32>
    %sub3A_325 = arith.subf %broadcast_in_dim3A_322, %sub3A_324 : vector<256x1xf32>
    %mul3A_326 = vector.broadcast %mul3A_121 : vector<1x64xf32> to vector<256x64xf32>
    %mul3A_327 = arith.mulf %slice3A_314, %mul3A_326 : vector<256x64xf32>
    %reduce_sum3A_328 = arith.constant dense<0.000000e+00> : vector<256xf32>
    %reduce_sum3A_329 = vector.multi_reduction <add>, %mul3A_327, %reduce_sum3A_328 [1] : vector<256x64xf32> to vector<256xf32>
    %broadcast_in_dim3A_330 = vector.shape_cast %reduce_sum3A_329 : vector<256xf32> to vector<256x1xf32>
    %add3A_331 = arith.addf %broadcast_in_dim3A_330, %sub3A_325 : vector<256x1xf32>
    %convert_element_type3A_332 = arith.fptosi %add3A_331 : vector<256x1xf32> to vector<256x1xi32>
    %reshape3A_333 = vector.shape_cast %convert_element_type3A_332 : vector<256x1xi32> to vector<4x64xi32>
    %swap3A_334 = arith.constant 28 : index
    %swap3A_335 = arith.constant 0 : index
    %swap3A_336 = vector.load %arg11[%swap3A_334, %swap3A_335] : memref<32x64xi32, #tpu.memory_space<vmem>>, vector<4x64xi32>
    tpu.vector_store %arg11[%swap3A_334, %swap3A_335], %reshape3A_333 {strides = array<i32>} : memref<32x64xi32, #tpu.memory_space<vmem>>, vector<4x64xi32>,
    %iota3A_337 = tpu.iota {dimensions = array<i32: 0>} : vector<96x64xi32>
    %convert_element_type3A_338 = arith.sitofp %iota3A_337 : vector<96x64xi32> to vector<96x64xf32>
    %ge3A_339 = vector.broadcast %dot_general3A_118 : vector<1x64xf32> to vector<96x64xf32>
    %ge3A_340 = arith.cmpf oge, %convert_element_type3A_338, %ge3A_339 : vector<96x64xf32>
    %convert_element_type3A_341 = arith.extui %ge3A_340 : vector<96x64xi1> to vector<96x64xi32>
    %convert_element_type3A_342 = arith.sitofp %convert_element_type3A_341 : vector<96x64xi32> to vector<96x64xf32>
    %reduce_sum3A_343 = arith.constant dense<0.000000e+00> : vector<96xf32>
    %reduce_sum3A_344 = vector.multi_reduction <add>, %convert_element_type3A_342, %reduce_sum3A_343 [1] : vector<96x64xf32> to vector<96xf32>
    %broadcast_in_dim3A_345 = vector.shape_cast %reduce_sum3A_344 : vector<96xf32> to vector<96x1xf32>
    %sub3A_346 = arith.constant 1.000000e+00 : f32
    %sub3A_347 = vector.broadcast %sub3A_346 : f32 to vector<96x1xf32>
    %sub3A_348 = arith.subf %broadcast_in_dim3A_345, %sub3A_347 : vector<96x1xf32>
    %convert_element_type3A_349 = arith.fptosi %sub3A_348 : vector<96x1xf32> to vector<96x1xi32>
    %swap3A_350 = arith.constant 0 : index
    %swap3A_351 = arith.constant 0 : index
    %swap3A_352 = vector.load %arg12[%swap3A_350, %swap3A_351] : memref<96x1xi32, #tpu.memory_space<vmem>>, vector<96x1xi32>
    tpu.vector_store %arg12[%swap3A_350, %swap3A_351], %convert_element_type3A_349 {strides = array<i32>} : memref<96x1xi32, #tpu.memory_space<vmem>>, vector<96x1xi32>,
    %reduce_sum3A_353 = arith.constant dense<0.000000e+00> : vector<1xf32>
    %reduce_sum3A_354 = vector.multi_reduction <add>, %floor3A, %reduce_sum3A_353 [1] : vector<1x64xf32> to vector<1xf32>
    %broadcast_in_dim3A_355 = vector.shape_cast %reduce_sum3A_354 : vector<1xf32> to vector<1x1xf32>
    %convert_element_type3A_356 = arith.fptosi %broadcast_in_dim3A_355 : vector<1x1xf32> to vector<1x1xi32>
    %swap3A_357 = arith.constant 0 : index
    %swap3A_358 = arith.constant 0 : index
    %swap3A_359 = vector.load %arg13[%swap3A_357, %swap3A_358] : memref<1x1xi32, #tpu.memory_space<vmem>>, vector<1x1xi32>
    tpu.vector_store %arg13[%swap3A_357, %swap3A_358], %convert_element_type3A_356 {strides = array<i32>} : memref<1x1xi32, #tpu.memory_space<vmem>>, vector<1x1xi32>,
    return
  }
  func.func @transform_0(%arg0: i32) -> (i32, i32) {
    %c0_i32 = arith.constant 0 : i32
    %c0_i32_0 = arith.constant 0 : i32
    %c0_i32_1 = arith.constant 0 : i32
    return %c0_i32, %c0_i32_0 : i32, i32
  }
  func.func @transform_1(%arg0: i32) -> (i32, i32) {
    %c0_i32 = arith.constant 0 : i32
    %c0_i32_0 = arith.constant 0 : i32
    %c0_i32_1 = arith.constant 0 : i32
    return %c0_i32, %c0_i32_0 : i32, i32
  }
  func.func @transform_2(%arg0: i32) -> (i32, i32, i32) {
    %c0_i32 = arith.constant 0 : i32
    %c0_i32_0 = arith.constant 0 : i32
    %c0_i32_1 = arith.constant 0 : i32
    %c0_i32_2 = arith.constant 0 : i32
    return %c0_i32, %c0_i32_0, %c0_i32_1 : i32, i32, i32
  }
  func.func @transform_3(%arg0: i32) -> (i32, i32, i32) {
    %c0_i32 = arith.constant 0 : i32
    %c0_i32_0 = arith.constant 0 : i32
    %c0_i32_1 = arith.constant 0 : i32
    %c0_i32_2 = arith.constant 0 : i32
    return %c0_i32, %c0_i32_0, %c0_i32_1 : i32, i32, i32
  }
  func.func @transform_4(%arg0: i32) -> (i32, i32, i32) {
    %c0_i32 = arith.constant 0 : i32
    %c0_i32_0 = arith.constant 0 : i32
    %c0_i32_1 = arith.constant 0 : i32
    %c0_i32_2 = arith.constant 0 : i32
    return %c0_i32, %c0_i32_0, %c0_i32_1 : i32, i32, i32
  }
  func.func @transform_5(%arg0: i32) -> (i32, i32, i32) {
    %c0_i32 = arith.constant 0 : i32
    %c0_i32_0 = arith.constant 0 : i32
    %c0_i32_1 = arith.constant 0 : i32
    %c0_i32_2 = arith.constant 0 : i32
    return %c0_i32, %c0_i32_0, %c0_i32_1 : i32, i32, i32
  }
  func.func @transform_6(%arg0: i32) -> (i32, i32) {
    %c0_i32 = arith.constant 0 : i32
    %c0_i32_0 = arith.constant 0 : i32
    %c0_i32_1 = arith.constant 0 : i32
    return %c0_i32, %c0_i32_0 : i32, i32
  }
  func.func @transform_7(%arg0: i32) -> (i32, i32) {
    %c0_i32 = arith.constant 0 : i32
    %c0_i32_0 = arith.constant 0 : i32
    %c0_i32_1 = arith.constant 0 : i32
    return %c0_i32, %c0_i32_0 : i32, i32
  }
  func.func @transform_8(%arg0: i32) -> (i32, i32) {
    %c0_i32 = arith.constant 0 : i32
    %c0_i32_0 = arith.constant 0 : i32
    %c0_i32_1 = arith.constant 0 : i32
    return %c0_i32, %c0_i32_0 : i32, i32
  }
  func.func @transform_9(%arg0: i32) -> (i32, i32) {
    %c0_i32 = arith.constant 0 : i32
    %c0_i32_0 = arith.constant 0 : i32
    %c0_i32_1 = arith.constant 0 : i32
    return %c0_i32, %c0_i32_0 : i32, i32
  }
  func.func @transform_10(%arg0: i32) -> (i32, i32) {
    %c0_i32 = arith.constant 0 : i32
    %c0_i32_0 = arith.constant 0 : i32
    %c0_i32_1 = arith.constant 0 : i32
    return %c0_i32, %c0_i32_0 : i32, i32
  }
  func.func @transform_11(%arg0: i32) -> (i32, i32) {
    %c0_i32 = arith.constant 0 : i32
    %c0_i32_0 = arith.constant 0 : i32
    %c0_i32_1 = arith.constant 0 : i32
    return %c0_i32, %c0_i32_0 : i32, i32
  }
  func.func @transform_12(%arg0: i32) -> (i32, i32) {
    %c0_i32 = arith.constant 0 : i32
    %c0_i32_0 = arith.constant 0 : i32
    %c0_i32_1 = arith.constant 0 : i32
    return %c0_i32, %c0_i32_0 : i32, i32
  }
}

module attributes {stable_mosaic.version = 14 : i64} {
  func.func @_gmm_body(%arg0: i32, %arg1: memref<96x1xi32, #tpu.memory_space<smem>>, %arg2: memref<1x1xi32, #tpu.memory_space<smem>>, %arg3: memref<64x768xf32, #tpu.memory_space<vmem>>, %arg4: memref<1x768x128xf32, #tpu.memory_space<vmem>>, %arg5: memref<64x1x128xf32, #tpu.memory_space<vmem>>, %arg6: memref<1x128x768xf32, #tpu.memory_space<vmem>>, %arg7: memref<64x1x768xf32, #tpu.memory_space<vmem>>, %arg8: memref<64x768xf32, #tpu.memory_space<vmem>>) attributes {dimension_semantics = [#tpu.dimension_semantics<arbitrary>], iteration_bounds = array<i64: 96>, scalar_prefetch = 2 : i64, scratch_operands = 0 : i64, tpu.core_type = #tpu.core_type<tc>, window_params = [{transform_indices = @transform_0, window_bounds = array<i64: 64, 768>}, {transform_indices = @transform_1, window_bounds = array<i64: 1, 768, 128>}, {pipeline_mode = #tpu.pipeline_mode<synchronous>, transform_indices = @transform_2, window_bounds = array<i64: 64, 1, 128>}, {transform_indices = @transform_3, window_bounds = array<i64: 1, 128, 768>}, {pipeline_mode = #tpu.pipeline_mode<synchronous>, transform_indices = @transform_4, window_bounds = array<i64: 64, 1, 768>}, {transform_indices = @transform_5, window_bounds = array<i64: 64, 768>}]} {
    %get3A = arith.constant 0 : index
    %get3A_0 = arith.constant 0 : index
    %get3A_1 = memref.load %arg2[%get3A, %get3A_0] : memref<1x1xi32, #tpu.memory_space<smem>>
    %lt3A = arith.cmpi slt, %arg0, %get3A_1 : i32
    %convert_element_type3A = arith.extui %lt3A : i1 to i32
    %cond3A = arith.constant 0 : i32
    %cond3A_2 = arith.cmpi ne, %convert_element_type3A, %cond3A : i32
    scf.if %cond3A_2 {
      %get3A_3 = arith.index_cast %arg0 : i32 to index
      %get3A_4 = arith.constant 0 : index
      %get3A_5 = memref.load %arg1[%get3A_3, %get3A_4] : memref<96x1xi32, #tpu.memory_space<smem>>
      %get3A_6 = arith.constant 0 : index
      %get3A_7 = arith.constant 0 : index
      %get3A_8 = vector.load %arg3[%get3A_6, %get3A_7] : memref<64x768xf32, #tpu.memory_space<vmem>>, vector<64x768xf32>
      %get3A_9 = arith.constant 0 : index
      %get3A_10 = arith.constant 0 : index
      %get3A_11 = arith.constant 0 : index
      %get3A_12 = vector.load %arg4[%get3A_9, %get3A_10, %get3A_11] : memref<1x768x128xf32, #tpu.memory_space<vmem>>, vector<1x768x128xf32>
      %get3A_13 = vector.shape_cast %get3A_12 : vector<1x768x128xf32> to vector<768x128xf32>
      %dot_general3A = arith.constant dense<0.000000e+00> : vector<64x128xf32>
      %dot_general3A_14 = tpu.matmul %get3A_8, %get3A_13, %dot_general3A {dimension_numbers = #tpu.dot_dimension_numbers<[1], [0], [0], [1], [0, 0, 1, 1], [], []>, transpose_lhs_hint = false} : vector<64x768xf32>, vector<768x128xf32>, vector<64x128xf32> -> vector<64x128xf32>
      %get3A_15 = arith.index_cast %get3A_5 : i32 to index
      %get3A_16 = arith.constant 0 : index
      %get3A_17 = arith.constant 0 : index
      %get3A_18 = vector.load %arg5[%get3A_15, %get3A_16, %get3A_17] : memref<64x1x128xf32, #tpu.memory_space<vmem>>, vector<1x1x128xf32>
      %get3A_19 = vector.shape_cast %get3A_18 : vector<1x1x128xf32> to vector<1x128xf32>
      %add3A = vector.broadcast %get3A_19 : vector<1x128xf32> to vector<64x128xf32>
      %add3A_20 = arith.addf %dot_general3A_14, %add3A : vector<64x128xf32>
      %logistic3A = arith.negf %add3A_20 : vector<64x128xf32>
      %logistic3A_21 = math.exp %logistic3A : vector<64x128xf32>
      %logistic3A_22 = arith.constant 1.000000e+00 : f32
      %logistic3A_23 = vector.broadcast %logistic3A_22 : f32 to vector<64x128xf32>
      %logistic3A_24 = arith.addf %logistic3A_23, %logistic3A_21 : vector<64x128xf32>
      %logistic3A_25 = arith.divf %logistic3A_23, %logistic3A_24 : vector<64x128xf32>
      %mul3A = arith.mulf %add3A_20, %logistic3A_25 : vector<64x128xf32>
      %get3A_26 = arith.constant 0 : index
      %get3A_27 = arith.constant 0 : index
      %get3A_28 = arith.constant 0 : index
      %get3A_29 = vector.load %arg6[%get3A_26, %get3A_27, %get3A_28] : memref<1x128x768xf32, #tpu.memory_space<vmem>>, vector<1x128x768xf32>
      %get3A_30 = vector.shape_cast %get3A_29 : vector<1x128x768xf32> to vector<128x768xf32>
      %dot_general3A_31 = arith.constant dense<0.000000e+00> : vector<64x768xf32>
      %dot_general3A_32 = tpu.matmul %mul3A, %get3A_30, %dot_general3A_31 {dimension_numbers = #tpu.dot_dimension_numbers<[1], [0], [0], [1], [0, 0, 1, 1], [], []>, transpose_lhs_hint = false} : vector<64x128xf32>, vector<128x768xf32>, vector<64x768xf32> -> vector<64x768xf32>
      %get3A_33 = arith.index_cast %get3A_5 : i32 to index
      %get3A_34 = arith.constant 0 : index
      %get3A_35 = arith.constant 0 : index
      %get3A_36 = vector.load %arg7[%get3A_33, %get3A_34, %get3A_35] : memref<64x1x768xf32, #tpu.memory_space<vmem>>, vector<1x1x768xf32>
      %get3A_37 = vector.shape_cast %get3A_36 : vector<1x1x768xf32> to vector<1x768xf32>
      %add3A_38 = vector.broadcast %get3A_37 : vector<1x768xf32> to vector<64x768xf32>
      %add3A_39 = arith.addf %dot_general3A_32, %add3A_38 : vector<64x768xf32>
      %swap3A = arith.constant 0 : index
      %swap3A_40 = arith.constant 0 : index
      %swap3A_41 = vector.load %arg8[%swap3A, %swap3A_40] : memref<64x768xf32, #tpu.memory_space<vmem>>, vector<64x768xf32>
      tpu.vector_store %arg8[%swap3A, %swap3A_40], %add3A_39 {strides = array<i32>} : memref<64x768xf32, #tpu.memory_space<vmem>>, vector<64x768xf32>,
    } else {
    }
    return
  }
  func.func @transform_0(%arg0: i32, %arg1: memref<96x1xi32, #tpu.memory_space<smem>>, %arg2: memref<1x1xi32, #tpu.memory_space<smem>>) -> (i32, i32) {
    %get3A = arith.constant 0 : index
    %get3A_0 = arith.constant 0 : index
    %get3A_1 = memref.load %arg2[%get3A, %get3A_0] : memref<1x1xi32, #tpu.memory_space<smem>>
    %sub3A = arith.constant 1 : i32
    %sub3A_2 = arith.subi %get3A_1, %sub3A : i32
    %min3A = arith.minsi %arg0, %sub3A_2 : i32
    %c0_i32 = arith.constant 0 : i32
    %c0_i32_3 = arith.constant 0 : i32
    return %min3A, %c0_i32 : i32, i32
  }
  func.func @transform_1(%arg0: i32, %arg1: memref<96x1xi32, #tpu.memory_space<smem>>, %arg2: memref<1x1xi32, #tpu.memory_space<smem>>) -> (i32, i32, i32) {
    %get3A = arith.index_cast %arg0 : i32 to index
    %get3A_0 = arith.constant 0 : index
    %get3A_1 = memref.load %arg1[%get3A, %get3A_0] : memref<96x1xi32, #tpu.memory_space<smem>>
    %c0_i32 = arith.constant 0 : i32
    %c0_i32_2 = arith.constant 0 : i32
    %c0_i32_3 = arith.constant 0 : i32
    return %get3A_1, %c0_i32, %c0_i32_2 : i32, i32, i32
  }
  func.func @transform_2(%arg0: i32, %arg1: memref<96x1xi32, #tpu.memory_space<smem>>, %arg2: memref<1x1xi32, #tpu.memory_space<smem>>) -> (i32, i32, i32) {
    %c0_i32 = arith.constant 0 : i32
    %c0_i32_0 = arith.constant 0 : i32
    %c0_i32_1 = arith.constant 0 : i32
    %c0_i32_2 = arith.constant 0 : i32
    return %c0_i32, %c0_i32_0, %c0_i32_1 : i32, i32, i32
  }
  func.func @transform_3(%arg0: i32, %arg1: memref<96x1xi32, #tpu.memory_space<smem>>, %arg2: memref<1x1xi32, #tpu.memory_space<smem>>) -> (i32, i32, i32) {
    %get3A = arith.index_cast %arg0 : i32 to index
    %get3A_0 = arith.constant 0 : index
    %get3A_1 = memref.load %arg1[%get3A, %get3A_0] : memref<96x1xi32, #tpu.memory_space<smem>>
    %c0_i32 = arith.constant 0 : i32
    %c0_i32_2 = arith.constant 0 : i32
    %c0_i32_3 = arith.constant 0 : i32
    return %get3A_1, %c0_i32, %c0_i32_2 : i32, i32, i32
  }
  func.func @transform_4(%arg0: i32, %arg1: memref<96x1xi32, #tpu.memory_space<smem>>, %arg2: memref<1x1xi32, #tpu.memory_space<smem>>) -> (i32, i32, i32) {
    %c0_i32 = arith.constant 0 : i32
    %c0_i32_0 = arith.constant 0 : i32
    %c0_i32_1 = arith.constant 0 : i32
    %c0_i32_2 = arith.constant 0 : i32
    return %c0_i32, %c0_i32_0, %c0_i32_1 : i32, i32, i32
  }
  func.func @transform_5(%arg0: i32, %arg1: memref<96x1xi32, #tpu.memory_space<smem>>, %arg2: memref<1x1xi32, #tpu.memory_space<smem>>) -> (i32, i32) {
    %get3A = arith.constant 0 : index
    %get3A_0 = arith.constant 0 : index
    %get3A_1 = memref.load %arg2[%get3A, %get3A_0] : memref<1x1xi32, #tpu.memory_space<smem>>
    %sub3A = arith.constant 1 : i32
    %sub3A_2 = arith.subi %get3A_1, %sub3A : i32
    %min3A = arith.minsi %arg0, %sub3A_2 : i32
    %c0_i32 = arith.constant 0 : i32
    %c0_i32_3 = arith.constant 0 : i32
    return %min3A, %c0_i32 : i32, i32
  }
}

</mosaic_0001>

<sc_bundles>
// kernel: kernel.6.cloned.1.call-start
scs
__scs_entry_jumppad:
0x0: {  	(pc) =	sbr.rel $0x88, $3  }
0x1: {  	(tag) =	ssettag $0x0;
	lr =	simm.s32 $0x1  }
0x2: {  	[smem:$0x3F96] =	sst lr;
	_ =	strace $0xD0000000  }
0x3: {  	_ = 	snop  }
0x4: {  	_ = 	snop  }
0x5: {  	_ = 	snop  }
0x6: {  	_ = 	snop  }
0x7: {  	_ = 	snop  }
__scs_overlays_trampoline_lowered:
0x8: {  	[smem:$0x3FA5] =	sst s0  }
0x9: {  	[smem:$0x3FA6] =	sst s1  }
0xa: {  	[smem:$0x3FA7] =	sst s2  }
0xb: {  	[smem:$0x3FA8] =	sst s3  }
0xc: {  	[smem:$0x3FA9] =	sst s4  }
0xd: {  	[smem:$0x3FAA] =	sst s5  }
0xe: {  	[smem:$0x3FAB] =	sst s6  }
0xf: {  	[smem:$0x3FAC] =	sst s7  }
0x10: {  	[smem:$0x3FAD] =	sst s8  }
0x11: {  	[smem:$0x3FAE] =	sst s9;
	s0 =	simm.s32 @!p0 $0x0  }
0x12: {  	s1 =	sld [smem:$0x3F94];
	s0 =	simm.s32 @p0 $0x1  }
0x13: {  	[smem:$0x3FAF] =	sst s0;
	s0 =	simm.s32 @!p1 $0x0  }
0x14: {  	s2 =	sld [smem:$0x3F93];
	s0 =	simm.s32 @p1 $0x1  }
0x15: {  	[smem:$0x3FB0] =	sst s0;
	s0 =	simm.s32 @!p2 $0x0  }
0x16: {  	s3 =	sld [smem:$0x3FDB];
	s0 =	simm.s32 @p2 $0x1  }
0x17: {  	s4 =	simm.s32 $0x1BF5;
	[smem:$0x3FB2] =	sst s0  }
0x18: {  	s0 =	sld [smem:$0x3F95];
	_ =	swait.ge [sflag:s4], $0x0  }
0x19: {  	s7 =	sld [smem:$0x3F96]  }
0x1a: {  	s8 =	sadd.s32 $0xFFFFE003, lr  }
0x1b: {  	s9 =	sadd.s32 $0xFFFFFEF7, lr;
	s5 =	simm.s32 $0xFFFFFFFF;
	p2 =	slt.u32 s8, $0xFFFFF086  }
0x1c: {  	p1 =	slt.u32 s9, $0xF7A;
	s5 =	simm.s32 @!p2 $0x0  }
0x1d: {  	s5 =	simm.s32 @p1 $0x1;
	p0 =	seq.s32 s7, s2  }
0x1e: {  	s7 =	smul.u32 @!p0 $0xF7A, s2;
	p2 =	seq.s32 @!p0 s5, $0x0  }
0x1f: {  	s9 =	smul.u32 $0xF7A, s1;
	s8 =	simm.s32 @!p0 $0x1BF5;
	p2 =	por !p2, p0  }
0x20: {  	[sflag:s8] =	ssyncset.s32 @!p0 $0xFFFFF086;
	s6 =	sadd.s32 @!p0 s3, s7;
	s7 =	simm.s32 @!p0 $0x108  }
0x21: {  	s3 =	sadd.s32 s3, s9;
	s6 =	sadd.s32 @!p0 $0x88, s6;
	s7 =	simm.s32 @p2 $0x1082  }
0x22: {  	[simem:s7], [sflag:s8] =	dma.local @!p0 [hbm:s6], $0xF7A  }
0x23: {  	s9 =	sor.u32 $0xD0000000, s2;
	s6 =	simm.s32 $0x108;
	_ =	swait.ge @!p0 [sflag:s8], $0x0  }
0x24: {  	s3 =	sadd.s32 $0x88, s3;
	s6 =	simm.s32 @!p1 $0x1082;
	[sflag:s4] =	ssyncset.s32 $0xFFFFF086  }
0x25: {  	[simem:s6], [sflag:s4] =	dma.local [hbm:s3], $0xF7A  }
0x26: {  	[smem:$0x3F96] =	sst s1;
	(tag) =	ssettag s2;
	_ =	strace s9  }
0x27: {  	s1 =	sld [smem:$0x3FA6]  }
0x28: {  	s2 =	sld [smem:$0x3FA7]  }
0x29: {  	s4 =	sld [smem:$0x3FA9]  }
0x2a: {  	p0 =	seq.s32 s5, $0x0;
	s5 =	sld [smem:$0x3FAA]  }
0x2b: {  	s6 =	sld [smem:$0x3FAB]  }
0x2c: {  	s7 =	sld [smem:$0x3FAC]  }
0x2d: {  	s3 =	simm.s32 $0x108;
	s8 =	sld [smem:$0x3FAD]  }
0x2e: {  	s3 =	simm.s32 @!p0 $0x1082;
	s9 =	sld [smem:$0x3FAE]  }
0x2f: {  	lr =	sadd.s32 s0, s3;
	s0 =	sld [smem:$0x3FA5]  }
0x30: {  	s3 =	sld [smem:$0x3FA8]  }
0x31: {  	[smem:$0x3FB1] =	sst s10  }
0x32: {  	s10 =	sld [smem:$0x3FAF];
	_ =	sdelay $0x3  }
0x33: {  	p0 =	seq.s32 s10, $0x1;
	s10 =	sld [smem:$0x3FB1];
	_ =	sdelay $0x3  }
0x34: {  	[smem:$0x3FB1] =	sst s10  }
0x35: {  	s10 =	sld [smem:$0x3FB0];
	_ =	sdelay $0x3  }
0x36: {  	p1 =	seq.s32 s10, $0x1;
	s10 =	sld [smem:$0x3FB1];
	_ =	sdelay $0x3  }
0x37: {  	[smem:$0x3FB1] =	sst s10  }
0x38: {  	s10 =	sld [smem:$0x3FB2]  }
0x39: {  	_ = 	snop;
	(pc) =	sbr.ind lr, $3  }
0x3a: {  	_ = 	snop  }
0x3b: {  	_ = 	snop  }
0x3c: {  	p2 =	seq.s32 s10, $0x1;
	s10 =	sld [smem:$0x3FB1]  }
0x3d: {  	_ =	shalt  }
0x3e: {  	_ =	shalt  }
0x3f: {  	_ =	shalt  }
0x40: {  	_ =	shalt  }
0x41: {  	_ =	shalt  }
0x42: {  	_ =	shalt  }
0x43: {  	_ =	shalt  }
0x44: {  	_ =	shalt  }
0x45: {  	_ =	shalt  }
0x46: {  	_ =	shalt  }
0x47: {  	_ =	shalt  }
0x48: {  	_ =	shalt  }
0x49: {  	_ =	shalt  }
0x4a: {  	_ =	shalt  }
0x4b: {  	_ =	shalt  }
0x4c: {  	_ =	shalt  }
0x4d: {  	_ =	shalt  }
0x4e: {  	_ =	shalt  }
0x4f: {  	_ =	shalt  }
0x50: {  	_ =	shalt  }
0x51: {  	_ =	shalt  }
0x52: {  	_ =	shalt  }
0x53: {  	_ =	shalt  }
0x54: {  	_ =	shalt  }
0x55: {  	_ =	shalt  }
0x56: {  	_ =	shalt  }
0x57: {  	_ =	shalt  }
0x58: {  	_ =	shalt  }
0x59: {  	_ =	shalt  }
0x5a: {  	_ =	shalt  }
0x5b: {  	_ =	shalt  }
0x5c: {  	_ =	shalt  }
0x5d: {  	_ =	shalt  }
0x5e: {  	_ =	shalt  }
0x5f: {  	_ =	shalt  }
0x60: {  	_ =	shalt  }
0x61: {  	_ =	shalt  }
0x62: {  	_ =	shalt  }
0x63: {  	_ =	shalt  }
0x64: {  	_ =	shalt  }
0x65: {  	_ =	shalt  }
0x66: {  	_ =	shalt  }
0x67: {  	_ =	shalt  }
0x68: {  	_ =	shalt  }
0x69: {  	_ =	shalt  }
0x6a: {  	_ =	shalt  }
0x6b: {  	_ =	shalt  }
0x6c: {  	_ =	shalt  }
0x6d: {  	_ =	shalt  }
0x6e: {  	_ =	shalt  }
0x6f: {  	_ =	shalt  }
0x70: {  	_ =	shalt  }
0x71: {  	_ =	shalt  }
0x72: {  	_ =	shalt  }
0x73: {  	_ =	shalt  }
0x74: {  	_ =	shalt  }
0x75: {  	_ =	shalt  }
0x76: {  	_ =	shalt  }
0x77: {  	_ =	shalt  }
0x78: {  	_ =	shalt  }
0x79: {  	_ =	shalt  }
0x7a: {  	_ =	shalt  }
0x7b: {  	_ =	shalt  }
0x7c: {  	_ =	shalt  }
0x7d: {  	_ =	shalt  }
0x7e: {  	_ =	shalt  }
0x7f: {  	_ =	shalt  }
0x80: {  	_ =	shalt  }
0x81: {  	_ =	shalt  }
0x82: {  	_ =	shalt  }
0x83: {  	_ =	shalt  }
0x84: {  	_ =	shalt  }
0x85: {  	_ =	shalt  }
0x86: {  	_ =	shalt  }
0x87: {  	_ =	shalt  }
.Lfunc_end0:
.L_simem_size_0:
called_computation_lowered:
.L_overlay_start_0:
0x88: {  	s2 =	sld [smem:$0x3FD9]  }
0x89: {  	s3 =	sld [smem:$0x3FFE];
	_ =	sdelay $0x1  }
0x8a: {  	s1 =	srdreg.scid  }
0x8b: {  	s0 =	sand.u32 $0x1, s1  }
0x8c: {  	s17 =	sshll.u32 s0, $0xA;
	s2 =	sadd.s32 s3, s2  }
0x8d: {  	s2 =	sadd.s32 s2, s17  }
0x8e: {  	[smem:$0x3FBD] =	sst s2  }
0x8f: {  	_ = 	snop  }
0x90: {  	s2 =	sld [smem:$0x3FD0];
	(tm) =	ssettm $0x1  }
0x91: {  	s18 =	sld [smem:$0x3FFB];
	_ =	sdelay $0x3  }
0x92: {  	_ =	strace s18  }
0x93: {  	s3 =	sld [smem:$0x3FFC];
	_ =	sdelay $0x3  }
0x94: {  	_ =	strace s3  }
0x95: {  	s3 =	sld [smem:$0x3FFD];
	_ =	sdelay $0x3  }
0x96: {  	_ =	strace s3  }
0x97: {  	_ =	strace $0x8FFFFFFF  }
0x98: {  	s19 =	sld [smem:$0x3FDB];
	_ =	sdelay $0x1  }
0x99: {  	s4 =	simm.s32 $_scs_section_size  }
0x9a: {  	s5 =	simm.s32 $_size__tile_overlayer_lowered;
	s6 =	simm.s32 $_tile_overlayer_lowered  }
0x9b: {  	s22 =	simm.s32 $0x1BFF;
	s21 =	sshll.u32 s6, $0x1;
	s3 =	sadd.s32 s4, s19  }
0x9c: {  	s7 =	simm.s32 $0x0;
	s20 =	sshll.u32 s5, $0x1;
	s5 =	sadd.s32 s21, s3  }
0x9d: {  	[timem:s7], [sflag:s22] =	dma.local [hbm:s5], s20  }
0x9e: {  	_ =	swait.ge [sflag:s22], s20  }
0x9f: {  	s4 =	ssub.s32 $0x0, s20;
	[sflag:s22] =	ssyncset.done $0x0  }
0xa0: {  	[sflag:s22] =	ssyncadd.s32 s4;
	_ =	sdelay $0x1  }
0xa1: {  	s23 =	simm.s32 $0x1B8B  }
0xa2: {  	_ =	swait.ge [sflag:s23], $0x1  }
0xa3: {  	[sflag:s23] =	ssyncset.done $0x0  }
0xa4: {  	s25 =	simm.s32 $0x1B8E;
	s24 =	sld [smem:$0x3FFE];
	[sflag:s23] =	ssyncadd.s32 $0xFFFFFFFF  }
0xa5: {  	s26 =	simm.s32 $execute0_lowered;
	[smem:$0x3FD2] =	sst s25  }
0xa6: {  	s5 =	sshll.u32 s26, $0x1;
	_ =	strace $0x80000046;
	[dreg:$0x1] =	wrdreg $0xFFFFFFFF  }
0xa7: {  	s28 =	simm.s32 $_size_execute0_lowered;
	s3 =	sadd.s32 s3, s5;
	[dreg:$0x0] =	wrdreg $0x0  }
0xa8: {  	s5 =	sshll.u32 s28, $0x1;
	[dreg:$0x2] =	wrdreg s3  }
0xa9: {  	[dreg:$0x3] =	wrdreg s5  }
0xaa: {  	[dreg:$0x4] =	wrdreg $0xC0  }
0xab: {  	_ =	task [dreg:s7], $0x5FFFF  }
0xac: {  	[dreg:$0x1] =	wrdreg $0xFFFFFFFF  }
0xad: {  	[dreg:$0x0] =	wrdreg $0x60  }
0xae: {  	[dreg:$0x2] =	wrdreg s2  }
0xaf: {  	[dreg:$0x3] =	wrdreg s24  }
0xb0: {  	[dreg:$0x4] =	wrdreg $0x9  }
0xb1: {  	_ =	task.clear_ibuf [dreg:s7], $0x5FFFF;
	_ =	strace $0x90000046  }
0xb2: {  	s29 =	simm.s32 $0x9;
	_ =	strace $0x80000048  }
0xb3: {  	_ =	swait.ge [sflag:s29], $0x1  }
0xb4: {  	[sflag:s29] =	ssyncadd.s32 $0xFFFFFFFF  }
0xb5: {  	_ =	strace $0x90000048  }
0xb6: {  	_ =	sfence  }
0xb7: {  	s30 =	sld [smem:$0x0];
	_ =	sdelay $0x2  }
0xb8: {  	s31 =	sshll.u32 s1, $0xD;
	s1 =	sshrl.u32 s1, $0x2  }
0xb9: {  	s3 =	sand.u32 $0x4000, s31;
	s1 =	sadd.s32 s1, s30  }
0xba: {  	s0 =	sor.u32 s3, s0;
	s1 =	sshll.u32 s1, $0x11  }
0xbb: {  	s0 =	sor.u32 s1, s0  }
0xbc: {  	s0 =	sadd.s32 $0x8F2B, s0  }
0xbd: {  	[sflag:s0] =	ssyncadd.remote.s32 $0x1  }
0xbe: {  	_ =	sfence.sel $0xFFFF  }
0xbf: {  	[dreg:$0x0] =	wrdreg $0xFFFFFFFF;
	(pc) =	sbr.abs _section_cstart, $3  }
0xc0: {  	[dreg:$0x1] =	wrdreg $0xFFFFFFFF  }
0xc1: {  	_ =	task.clear_ibuf [dreg:s7], $0x2FFFF;
	_ =	strace $0x9FFFFFFF  }
0xc2: {  	(tm) =	ssettm $0x7FFFFFFF  }
0xc3: {  	_ =	shalt  }
tec
execute0_lowered:
.L_overlay_start_1:
0x0: {  	(tag) =	ssettag $0x1  }
0x1: {  	s1 =	srdreg.scid  }
0x2: {  	s0 =	stileid.u32;
	s3 =	rddreg [dreg:$0x0]  }
0x3: {  	s5 =	rddreg [dreg:$0x1];
	s8 =	simm.s32 $0x80;
	s26 =	simm.s32 $0x880  }
0x4: {  	s9 =	simm.s32 $0x1080;
	s10 =	simm.s32 $0x1880;
	s11 =	simm.s32 $0x2080  }
0x5: {  	s12 =	simm.s32 $0x2880;
	s13 =	simm.s32 $0x3080;
	s14 =	simm.s32 $0x3880  }
0x6: {  	s15 =	simm.s32 $0x4080;
	s16 =	simm.s32 $0x4880;
	s17 =	simm.s32 $0x5080  }
0x7: {  	s18 =	simm.s32 $0x5880;
	s19 =	simm.s32 $0x6080;
	s20 =	simm.s32 $0x6880  }
0x8: {  	s21 =	simm.s32 $0x7080;
	s22 =	simm.s32 $0x7880;
	s23 =	simm.s32 $0x8080  }
0x9: {  	s24 =	simm.s32 $0x8880;
	s25 =	simm.s32 $0x9080;
	s28 =	simm.s32 $0xA080  }
0xa: {  	s29 =	simm.s32 $0xA880;
	s1 =	sand.u32 $0x1, s1;
	s2 =	sshll.u32 s0, $0x1  }
0xb: {  	s30 =	simm.s32 $0xB080;
	s31 =	simm.s32 $0xB880;
	s4 =	sor.u32 s1, s2  }
0xc: {  	s2 =	simm.s32 $0x0;
	s1 =	ssub.s32 $0x2, s1;
	s6 =	sshll.u32 s4, $0x4  }
0xd: {  	[smem:$0x7FF] =	sst s2;
	s4 =	smul.u32 $0x1800, s4;
	s7 =	sshrl.u32 s1, $0x1  }
0xe: {  	s6 =	sadd.s32 s6, s5;
	_ =	strace $0x80000047;
	s1 =	ssub.s32 s1, s7  }
0xf: {  	s7 =	simm.s32 $0x2;
	[dreg:$0x5] =	wrdreg s26;
	s6 =	sadd.s32 $0x2600, s6  }
0x10: {  	v2 =	vlaneseq.u32;
	s26 =	simm.s32 $0x9880;
	s4 =	sadd.s32 s3, s4;
	[dreg:$0x3] =	wrdreg s6  }
0x11: {  	vm0 =	vmmov $0xffff;
	v1 =	vshrl.u32 v2, $0x3;
	s3 =	sadd.s32 $0x3A800, s5;
	[dreg:$0x4] =	wrdreg s4;
	s4 =	sadd.s32 $0x3A900, s5  }
0x12: {  	v0 =	vand.u32 $0x7, v2;
	v2 =	vor.u32 $0x8, v2;
	v1 =	vmul.u32 $0x8, v1;
	s5 =	sadd.s32 $0x3AA00, s5;
	s6 =	smax.u32 s1, $0x1;
	s1 =	simm.s32 $0x1  }
.LBB2_1:
0x13: {  	s0 =	rddreg [dreg:$0x3]  }
0x14: {  	[tilespmem:s2], [sflag:$0x2] =	stream.linear.gather [hbm4b:s0+s2], $0x80, $0x38;
	[tilespmem:$0xC080] =	vst v63  }
0x15: {  	_ =	swait.ge [sflag:s7], $0x80  }
0x16: {  	[sflag:s7] =	ssyncset.done $0x0  }
0x17: {  	s0 =	rddreg [dreg:$0x4];
	[sflag:s7] =	ssyncadd.s32 $0xFFFFFF80  }
0x18: {  	[tilespmem:s8], [sflag:$0x2] =	stream.linear.gather [hbm4b:s0+s2], $0xC000, $0x38;
	[tilespmem:$0xC080] =	vst v63  }
0x19: {  	_ =	swait.ge [sflag:s7], $0xC000  }
0x1a: {  	[sflag:s7] =	ssyncset.done $0x0  }
0x1b: {  	[sflag:s7] =	ssyncadd.s32 $0xFFFF4000  }
0x1c: {  	v3 =	vld [tilespmem:$0x0];
	_ =	sdelay $0x4  }
0x1d: {  	v4 =	vshrl.u32 v3, $0x3  }
0x1e: {  	v4 =	vmul.u32 $0x30, v4  }
0x1f: {  	v3 =	vand.u32 $0x7, v3  }
0x20: {  	v3 =	vor.u32 v3, v4  }
0x21: {  	v4 =	vperm.xlane v3, v0;
	_ =	sdelay $0x1  }
0x22: {  	v4 =	vadd.s32 v1, v4;
	_ =	sdelay $0x3  }
0x23: {  	v3 =	vperm.xlane v3, v2  }
0x24: {  	[hbm4b:s3+s2] =	stream.indirect_vreg.scatter [tilespmem:s8], [sflag:$0x1], $0x80, v4, vm0, $0xb8;
	[tilespmem:$0xC080] =	vst v63  }
0x25: {  	s0 =	rddreg [dreg:$0x5];
	v3 =	vadd.s32 v1, v3  }
0x26: {  	[hbm4b:s4+s2] =	stream.indirect_vreg.scatter [tilespmem:s0], [sflag:$0x1], $0x80, v4, vm0, $0xb8;
	[tilespmem:$0xC080] =	vst v63  }
0x27: {  	_ = 	snop  }
0x28: {  	[hbm4b:s5+s2] =	stream.indirect_vreg.scatter [tilespmem:s9], [sflag:$0x1], $0x80, v4, vm0, $0xb8;
	[tilespmem:$0xC080] =	vst v63  }
0x29: {  	_ = 	snop  }
0x2a: {  	[hbm4b:s3+s2] =	stream.indirect_vreg.scatter [tilespmem:s10], [sflag:$0x1], $0x80, v3, vm0, $0xb8;
	[tilespmem:$0xC080] =	vst v63  }
0x2b: {  	_ = 	snop  }
0x2c: {  	[hbm4b:s4+s2] =	stream.indirect_vreg.scatter [tilespmem:s11], [sflag:$0x1], $0x80, v3, vm0, $0xb8;
	[tilespmem:$0xC080] =	vst v63  }
0x2d: {  	_ = 	snop  }
0x2e: {  	[hbm4b:s5+s2] =	stream.indirect_vreg.scatter [tilespmem:s12], [sflag:$0x1], $0x80, v3, vm0, $0xb8;
	[tilespmem:$0xC080] =	vst v63  }
0x2f: {  	v3 =	vld [tilespmem:$0x10];
	_ =	sdelay $0x4  }
0x30: {  	v61 =	vshrl.u32 v3, $0x3  }
0x31: {  	v4 =	vmul.u32 $0x30, v61  }
0x32: {  	v3 =	vand.u32 $0x7, v3  }
0x33: {  	v3 =	vor.u32 v3, v4  }
0x34: {  	v4 =	vperm.xlane v3, v0;
	_ =	sdelay $0x1  }
0x35: {  	v4 =	vadd.s32 v1, v4;
	_ =	sdelay $0x3  }
0x36: {  	v3 =	vperm.xlane v3, v2  }
0x37: {  	[hbm4b:s3+s2] =	stream.indirect_vreg.scatter [tilespmem:s13], [sflag:$0x1], $0x80, v4, vm0, $0xb8;
	[tilespmem:$0xC080] =	vst v63  }
0x38: {  	v3 =	vadd.s32 v1, v3  }
0x39: {  	[hbm4b:s4+s2] =	stream.indirect_vreg.scatter [tilespmem:s14], [sflag:$0x1], $0x80, v4, vm0, $0xb8;
	[tilespmem:$0xC080] =	vst v63  }
0x3a: {  	_ = 	snop  }
0x3b: {  	[hbm4b:s5+s2] =	stream.indirect_vreg.scatter [tilespmem:s15], [sflag:$0x1], $0x80, v4, vm0, $0xb8;
	[tilespmem:$0xC080] =	vst v63  }
0x3c: {  	_ = 	snop  }
0x3d: {  	[hbm4b:s3+s2] =	stream.indirect_vreg.scatter [tilespmem:s16], [sflag:$0x1], $0x80, v3, vm0, $0xb8;
	[tilespmem:$0xC080] =	vst v63  }
0x3e: {  	_ = 	snop  }
0x3f: {  	[hbm4b:s4+s2] =	stream.indirect_vreg.scatter [tilespmem:s17], [sflag:$0x1], $0x80, v3, vm0, $0xb8;
	[tilespmem:$0xC080] =	vst v63  }
0x40: {  	_ = 	snop  }
0x41: {  	[hbm4b:s5+s2] =	stream.indirect_vreg.scatter [tilespmem:s18], [sflag:$0x1], $0x80, v3, vm0, $0xb8;
	[tilespmem:$0xC080] =	vst v63  }
0x42: {  	v3 =	vld [tilespmem:$0x20];
	_ =	sdelay $0x4  }
0x43: {  	v62 =	vshrl.u32 v3, $0x3  }
0x44: {  	v4 =	vmul.u32 $0x30, v62  }
0x45: {  	v3 =	vand.u32 $0x7, v3  }
0x46: {  	v3 =	vor.u32 v3, v4  }
0x47: {  	v4 =	vperm.xlane v3, v0;
	_ =	sdelay $0x1  }
0x48: {  	v4 =	vadd.s32 v1, v4;
	_ =	sdelay $0x3  }
0x49: {  	v3 =	vperm.xlane v3, v2  }
0x4a: {  	[hbm4b:s3+s2] =	stream.indirect_vreg.scatter [tilespmem:s19], [sflag:$0x1], $0x80, v4, vm0, $0xb8;
	[tilespmem:$0xC080] =	vst v63  }
0x4b: {  	v3 =	vadd.s32 v1, v3  }
0x4c: {  	[hbm4b:s4+s2] =	stream.indirect_vreg.scatter [tilespmem:s20], [sflag:$0x1], $0x80, v4, vm0, $0xb8;
	[tilespmem:$0xC080] =	vst v63  }
0x4d: {  	_ = 	snop  }
0x4e: {  	[hbm4b:s5+s2] =	stream.indirect_vreg.scatter [tilespmem:s21], [sflag:$0x1], $0x80, v4, vm0, $0xb8;
	[tilespmem:$0xC080] =	vst v63  }
0x4f: {  	_ = 	snop  }
0x50: {  	[hbm4b:s3+s2] =	stream.indirect_vreg.scatter [tilespmem:s22], [sflag:$0x1], $0x80, v3, vm0, $0xb8;
	[tilespmem:$0xC080] =	vst v63  }
0x51: {  	_ = 	snop  }
0x52: {  	[hbm4b:s4+s2] =	stream.indirect_vreg.scatter [tilespmem:s23], [sflag:$0x1], $0x80, v3, vm0, $0xb8;
	[tilespmem:$0xC080] =	vst v63  }
0x53: {  	_ = 	snop  }
0x54: {  	[hbm4b:s5+s2] =	stream.indirect_vreg.scatter [tilespmem:s24], [sflag:$0x1], $0x80, v3, vm0, $0xb8;
	[tilespmem:$0xC080] =	vst v63  }
0x55: {  	v3 =	vld [tilespmem:$0x30];
	_ =	sdelay $0x4  }
0x56: {  	v63 =	vshrl.u32 v3, $0x3  }
0x57: {  	v4 =	vmul.u32 $0x30, v63  }
0x58: {  	v3 =	vand.u32 $0x7, v3  }
0x59: {  	v3 =	vor.u32 v3, v4  }
0x5a: {  	v4 =	vperm.xlane v3, v0;
	_ =	sdelay $0x1  }
0x5b: {  	v4 =	vadd.s32 v1, v4;
	_ =	sdelay $0x3  }
0x5c: {  	v3 =	vperm.xlane v3, v2  }
0x5d: {  	[hbm4b:s3+s2] =	stream.indirect_vreg.scatter [tilespmem:s25], [sflag:$0x1], $0x80, v4, vm0, $0xb8;
	[tilespmem:$0xC080] =	vst v63  }
0x5e: {  	v3 =	vadd.s32 v1, v3  }
0x5f: {  	[hbm4b:s4+s2] =	stream.indirect_vreg.scatter [tilespmem:s26], [sflag:$0x1], $0x80, v4, vm0, $0xb8;
	[tilespmem:$0xC080] =	vst v63  }
0x60: {  	_ = 	snop  }
0x61: {  	[hbm4b:s5+s2] =	stream.indirect_vreg.scatter [tilespmem:s28], [sflag:$0x1], $0x80, v4, vm0, $0xb8;
	[tilespmem:$0xC080] =	vst v63  }
0x62: {  	_ = 	snop  }
0x63: {  	[hbm4b:s3+s2] =	stream.indirect_vreg.scatter [tilespmem:s29], [sflag:$0x1], $0x80, v3, vm0, $0xb8;
	[tilespmem:$0xC080] =	vst v63  }
0x64: {  	p0 =	sne.s32 s6, $0x1  }
0x65: {  	[hbm4b:s4+s2] =	stream.indirect_vreg.scatter [tilespmem:s30], [sflag:$0x1], $0x80, v3, vm0, $0xb8;
	[tilespmem:$0xC080] =	vst v63  }
.Ltmp0:
0x66: {  	_ = 	snop;
	(pc) =	sbr.rel @p0 .LBB2_1-.Ltmp0, $4  }
0x67: {  	[hbm4b:s5+s2] =	stream.indirect_vreg.scatter [tilespmem:s31], [sflag:$0x1], $0x80, v3, vm0, $0xb8;
	[tilespmem:$0xC080] =	vst v63  }
0x68: {  	_ =	swait.ge [sflag:s1], $0xC000  }
0x69: {  	[sflag:s1] =	ssyncset.done $0x0  }
0x6a: {  	s6 =	sadd.s32 $0xFFFFFFFF, s6;
	[sflag:s1] =	ssyncadd.s32 $0xFFFF4000  }
0x6b: {  	_ =	sfence.sel $0x180000  }
0x6c: {  	[bflag:$0x0] =	sbarrier.arrive $0xFFFF  }
0x6d: {  	_ =	strace $0x90000047  }
0x6e: {  	s0 =	stileid.u32;
	[bflag:$0x2] =	sbarrier.arrive $0xFFFF  }
0x6f: {  	p0 =	sne.s32 s0, $0x0;
	s0 =	rddreg [dreg:$0x2]  }
0x70: {  	s0 =	sadd.s32 @!p0 $0x100000, s0  }
0x71: {  	[sflag:s0] =	ssyncadd.tile.s32 @!p0 $0x1;
	_ =	shalt  }
.Lfunc_end2:
_tile_overlayer_lowered:
.L_overlay_start_2:
0x72: {  	(tag) =	ssettag $0x2  }
0x73: {  	s0 =	rddreg [dreg:$0x0];
	s2 =	stileid.u32  }
0x74: {  	s1 =	rddreg [dreg:$0x1];
	p0 =	sne.s32 s2, $0x0  }
0x75: {  	s3 =	rddreg [dreg:$0x2];
	[bflag:$0x3] =	sbarrier.arrive $0xFFFF;
	s2 =	simm.s32 @!p0 $0x1C02  }
0x76: {  	[timem:s3], [sflag:s2] =	dma.local @!p0 [hbm:s0], s1  }
0x77: {  	s0 =	simm.s32 @!p0 $0x2  }
0x78: {  	_ =	swait.ge @!p0 [sflag:s0], s1  }
0x79: {  	s1 =	ssub.s32 @!p0 $0x0, s1;
	[sflag:s0] =	ssyncset.done @!p0 $0x0  }
0x7a: {  	[sflag:s0] =	ssyncadd.s32 @!p0 s1  }
0x7b: {  	[bflag:$0x3] =	sbarrier.arrive $0xFFFF  }
0x7c: {  	_ =	shalt  }

// kernel: kernel.9.cloned.1.call-start
scs
__scs_entry_jumppad:
0x0: {  	(pc) =	sbr.rel $0x88, $3  }
0x1: {  	(tag) =	ssettag $0x0;
	lr =	simm.s32 $0x1  }
0x2: {  	[smem:$0x3F96] =	sst lr;
	_ =	strace $0xD0000000  }
0x3: {  	_ = 	snop  }
0x4: {  	_ = 	snop  }
0x5: {  	_ = 	snop  }
0x6: {  	_ = 	snop  }
0x7: {  	_ = 	snop  }
__scs_overlays_trampoline_lowered:
0x8: {  	[smem:$0x3FA5] =	sst s0  }
0x9: {  	[smem:$0x3FA6] =	sst s1  }
0xa: {  	[smem:$0x3FA7] =	sst s2  }
0xb: {  	[smem:$0x3FA8] =	sst s3  }
0xc: {  	[smem:$0x3FA9] =	sst s4  }
0xd: {  	[smem:$0x3FAA] =	sst s5  }
0xe: {  	[smem:$0x3FAB] =	sst s6  }
0xf: {  	[smem:$0x3FAC] =	sst s7  }
0x10: {  	[smem:$0x3FAD] =	sst s8  }
0x11: {  	[smem:$0x3FAE] =	sst s9;
	s0 =	simm.s32 @!p0 $0x0  }
0x12: {  	s1 =	sld [smem:$0x3F94];
	s0 =	simm.s32 @p0 $0x1  }
0x13: {  	[smem:$0x3FAF] =	sst s0;
	s0 =	simm.s32 @!p1 $0x0  }
0x14: {  	s2 =	sld [smem:$0x3F93];
	s0 =	simm.s32 @p1 $0x1  }
0x15: {  	[smem:$0x3FB0] =	sst s0;
	s0 =	simm.s32 @!p2 $0x0  }
0x16: {  	s3 =	sld [smem:$0x3FDB];
	s0 =	simm.s32 @p2 $0x1  }
0x17: {  	s4 =	simm.s32 $0x1BF5;
	[smem:$0x3FB2] =	sst s0  }
0x18: {  	s0 =	sld [smem:$0x3F95];
	_ =	swait.ge [sflag:s4], $0x0  }
0x19: {  	s7 =	sld [smem:$0x3F96]  }
0x1a: {  	s8 =	sadd.s32 $0xFFFFE003, lr  }
0x1b: {  	s9 =	sadd.s32 $0xFFFFFEF7, lr;
	s5 =	simm.s32 $0xFFFFFFFF;
	p2 =	slt.u32 s8, $0xFFFFF086  }
0x1c: {  	p1 =	slt.u32 s9, $0xF7A;
	s5 =	simm.s32 @!p2 $0x0  }
0x1d: {  	s5 =	simm.s32 @p1 $0x1;
	p0 =	seq.s32 s7, s2  }
0x1e: {  	s7 =	smul.u32 @!p0 $0xF7A, s2;
	p2 =	seq.s32 @!p0 s5, $0x0  }
0x1f: {  	s9 =	smul.u32 $0xF7A, s1;
	s8 =	simm.s32 @!p0 $0x1BF5;
	p2 =	por !p2, p0  }
0x20: {  	[sflag:s8] =	ssyncset.s32 @!p0 $0xFFFFF086;
	s6 =	sadd.s32 @!p0 s3, s7;
	s7 =	simm.s32 @!p0 $0x108  }
0x21: {  	s3 =	sadd.s32 s3, s9;
	s6 =	sadd.s32 @!p0 $0x88, s6;
	s7 =	simm.s32 @p2 $0x1082  }
0x22: {  	[simem:s7], [sflag:s8] =	dma.local @!p0 [hbm:s6], $0xF7A  }
0x23: {  	s9 =	sor.u32 $0xD0000000, s2;
	s6 =	simm.s32 $0x108;
	_ =	swait.ge @!p0 [sflag:s8], $0x0  }
0x24: {  	s3 =	sadd.s32 $0x88, s3;
	s6 =	simm.s32 @!p1 $0x1082;
	[sflag:s4] =	ssyncset.s32 $0xFFFFF086  }
0x25: {  	[simem:s6], [sflag:s4] =	dma.local [hbm:s3], $0xF7A  }
0x26: {  	[smem:$0x3F96] =	sst s1;
	(tag) =	ssettag s2;
	_ =	strace s9  }
0x27: {  	s1 =	sld [smem:$0x3FA6]  }
0x28: {  	s2 =	sld [smem:$0x3FA7]  }
0x29: {  	s4 =	sld [smem:$0x3FA9]  }
0x2a: {  	p0 =	seq.s32 s5, $0x0;
	s5 =	sld [smem:$0x3FAA]  }
0x2b: {  	s6 =	sld [smem:$0x3FAB]  }
0x2c: {  	s7 =	sld [smem:$0x3FAC]  }
0x2d: {  	s3 =	simm.s32 $0x108;
	s8 =	sld [smem:$0x3FAD]  }
0x2e: {  	s3 =	simm.s32 @!p0 $0x1082;
	s9 =	sld [smem:$0x3FAE]  }
0x2f: {  	lr =	sadd.s32 s0, s3;
	s0 =	sld [smem:$0x3FA5]  }
0x30: {  	s3 =	sld [smem:$0x3FA8]  }
0x31: {  	[smem:$0x3FB1] =	sst s10  }
0x32: {  	s10 =	sld [smem:$0x3FAF];
	_ =	sdelay $0x3  }
0x33: {  	p0 =	seq.s32 s10, $0x1;
	s10 =	sld [smem:$0x3FB1];
	_ =	sdelay $0x3  }
0x34: {  	[smem:$0x3FB1] =	sst s10  }
0x35: {  	s10 =	sld [smem:$0x3FB0];
	_ =	sdelay $0x3  }
0x36: {  	p1 =	seq.s32 s10, $0x1;
	s10 =	sld [smem:$0x3FB1];
	_ =	sdelay $0x3  }
0x37: {  	[smem:$0x3FB1] =	sst s10  }
0x38: {  	s10 =	sld [smem:$0x3FB2]  }
0x39: {  	_ = 	snop;
	(pc) =	sbr.ind lr, $3  }
0x3a: {  	_ = 	snop  }
0x3b: {  	_ = 	snop  }
0x3c: {  	p2 =	seq.s32 s10, $0x1;
	s10 =	sld [smem:$0x3FB1]  }
0x3d: {  	_ =	shalt  }
0x3e: {  	_ =	shalt  }
0x3f: {  	_ =	shalt  }
0x40: {  	_ =	shalt  }
0x41: {  	_ =	shalt  }
0x42: {  	_ =	shalt  }
0x43: {  	_ =	shalt  }
0x44: {  	_ =	shalt  }
0x45: {  	_ =	shalt  }
0x46: {  	_ =	shalt  }
0x47: {  	_ =	shalt  }
0x48: {  	_ =	shalt  }
0x49: {  	_ =	shalt  }
0x4a: {  	_ =	shalt  }
0x4b: {  	_ =	shalt  }
0x4c: {  	_ =	shalt  }
0x4d: {  	_ =	shalt  }
0x4e: {  	_ =	shalt  }
0x4f: {  	_ =	shalt  }
0x50: {  	_ =	shalt  }
0x51: {  	_ =	shalt  }
0x52: {  	_ =	shalt  }
0x53: {  	_ =	shalt  }
0x54: {  	_ =	shalt  }
0x55: {  	_ =	shalt  }
0x56: {  	_ =	shalt  }
0x57: {  	_ =	shalt  }
0x58: {  	_ =	shalt  }
0x59: {  	_ =	shalt  }
0x5a: {  	_ =	shalt  }
0x5b: {  	_ =	shalt  }
0x5c: {  	_ =	shalt  }
0x5d: {  	_ =	shalt  }
0x5e: {  	_ =	shalt  }
0x5f: {  	_ =	shalt  }
0x60: {  	_ =	shalt  }
0x61: {  	_ =	shalt  }
0x62: {  	_ =	shalt  }
0x63: {  	_ =	shalt  }
0x64: {  	_ =	shalt  }
0x65: {  	_ =	shalt  }
0x66: {  	_ =	shalt  }
0x67: {  	_ =	shalt  }
0x68: {  	_ =	shalt  }
0x69: {  	_ =	shalt  }
0x6a: {  	_ =	shalt  }
0x6b: {  	_ =	shalt  }
0x6c: {  	_ =	shalt  }
0x6d: {  	_ =	shalt  }
0x6e: {  	_ =	shalt  }
0x6f: {  	_ =	shalt  }
0x70: {  	_ =	shalt  }
0x71: {  	_ =	shalt  }
0x72: {  	_ =	shalt  }
0x73: {  	_ =	shalt  }
0x74: {  	_ =	shalt  }
0x75: {  	_ =	shalt  }
0x76: {  	_ =	shalt  }
0x77: {  	_ =	shalt  }
0x78: {  	_ =	shalt  }
0x79: {  	_ =	shalt  }
0x7a: {  	_ =	shalt  }
0x7b: {  	_ =	shalt  }
0x7c: {  	_ =	shalt  }
0x7d: {  	_ =	shalt  }
0x7e: {  	_ =	shalt  }
0x7f: {  	_ =	shalt  }
0x80: {  	_ =	shalt  }
0x81: {  	_ =	shalt  }
0x82: {  	_ =	shalt  }
0x83: {  	_ =	shalt  }
0x84: {  	_ =	shalt  }
0x85: {  	_ =	shalt  }
0x86: {  	_ =	shalt  }
0x87: {  	_ =	shalt  }
.Lfunc_end0:
.L_simem_size_0:
called_computation.1_lowered:
.L_overlay_start_0:
0x88: {  	s2 =	sld [smem:$0x3FD9]  }
0x89: {  	s3 =	sld [smem:$0x3FFE];
	_ =	sdelay $0x1  }
0x8a: {  	s1 =	srdreg.scid  }
0x8b: {  	s0 =	sand.u32 $0x1, s1  }
0x8c: {  	s17 =	sshll.u32 s0, $0xA;
	s2 =	sadd.s32 s3, s2  }
0x8d: {  	s2 =	sadd.s32 s2, s17  }
0x8e: {  	[smem:$0x3FBD] =	sst s2  }
0x8f: {  	_ = 	snop  }
0x90: {  	s2 =	sld [smem:$0x3FD0];
	(tm) =	ssettm $0x1  }
0x91: {  	s18 =	sld [smem:$0x3FFB];
	_ =	sdelay $0x3  }
0x92: {  	_ =	strace s18  }
0x93: {  	s3 =	sld [smem:$0x3FFC];
	_ =	sdelay $0x3  }
0x94: {  	_ =	strace s3  }
0x95: {  	s3 =	sld [smem:$0x3FFD];
	_ =	sdelay $0x3  }
0x96: {  	_ =	strace s3  }
0x97: {  	_ =	strace $0x8FFFFFFF  }
0x98: {  	s19 =	sld [smem:$0x3FDB];
	_ =	sdelay $0x1  }
0x99: {  	s4 =	simm.s32 $_scs_section_size  }
0x9a: {  	s5 =	simm.s32 $_size__tile_overlayer_lowered;
	s6 =	simm.s32 $_tile_overlayer_lowered  }
0x9b: {  	s22 =	simm.s32 $0x1BFF;
	s21 =	sshll.u32 s6, $0x1;
	s3 =	sadd.s32 s4, s19  }
0x9c: {  	s7 =	simm.s32 $0x0;
	s20 =	sshll.u32 s5, $0x1;
	s5 =	sadd.s32 s21, s3  }
0x9d: {  	[timem:s7], [sflag:s22] =	dma.local [hbm:s5], s20  }
0x9e: {  	_ =	swait.ge [sflag:s22], s20  }
0x9f: {  	s4 =	ssub.s32 $0x0, s20;
	[sflag:s22] =	ssyncset.done $0x0  }
0xa0: {  	[sflag:s22] =	ssyncadd.s32 s4;
	_ =	sdelay $0x1  }
0xa1: {  	s23 =	simm.s32 $0x1B8B  }
0xa2: {  	_ =	swait.ge [sflag:s23], $0x1  }
0xa3: {  	[sflag:s23] =	ssyncset.done $0x0  }
0xa4: {  	s25 =	simm.s32 $0x1B8E;
	s24 =	sld [smem:$0x3FFE];
	[sflag:s23] =	ssyncadd.s32 $0xFFFFFFFF  }
0xa5: {  	s26 =	simm.s32 $execute0_lowered;
	[smem:$0x3FD2] =	sst s25  }
0xa6: {  	s5 =	sshll.u32 s26, $0x1;
	_ =	strace $0x80000049;
	[dreg:$0x1] =	wrdreg $0xFFFFFFFF  }
0xa7: {  	s28 =	simm.s32 $_size_execute0_lowered;
	s3 =	sadd.s32 s3, s5;
	[dreg:$0x0] =	wrdreg $0x0  }
0xa8: {  	s5 =	sshll.u32 s28, $0x1;
	[dreg:$0x2] =	wrdreg s3  }
0xa9: {  	[dreg:$0x3] =	wrdreg s5  }
0xaa: {  	[dreg:$0x4] =	wrdreg $0xC0  }
0xab: {  	_ =	task [dreg:s7], $0x5FFFF  }
0xac: {  	[dreg:$0x1] =	wrdreg $0xFFFFFFFF  }
0xad: {  	[dreg:$0x0] =	wrdreg $0x60  }
0xae: {  	[dreg:$0x2] =	wrdreg s24  }
0xaf: {  	[dreg:$0x3] =	wrdreg s2  }
0xb0: {  	[dreg:$0x4] =	wrdreg $0x9  }
0xb1: {  	_ =	task.clear_ibuf [dreg:s7], $0x5FFFF;
	_ =	strace $0x90000049  }
0xb2: {  	s29 =	simm.s32 $0x9;
	_ =	strace $0x8000004B  }
0xb3: {  	_ =	swait.ge [sflag:s29], $0x1  }
0xb4: {  	[sflag:s29] =	ssyncadd.s32 $0xFFFFFFFF  }
0xb5: {  	_ =	strace $0x9000004B  }
0xb6: {  	_ =	sfence  }
0xb7: {  	s30 =	sld [smem:$0x0];
	_ =	sdelay $0x2  }
0xb8: {  	s31 =	sshll.u32 s1, $0xD;
	s1 =	sshrl.u32 s1, $0x2  }
0xb9: {  	s3 =	sand.u32 $0x4000, s31;
	s1 =	sadd.s32 s1, s30  }
0xba: {  	s0 =	sor.u32 s3, s0;
	s1 =	sshll.u32 s1, $0x11  }
0xbb: {  	s0 =	sor.u32 s1, s0  }
0xbc: {  	s0 =	sadd.s32 $0x8F2B, s0  }
0xbd: {  	[sflag:s0] =	ssyncadd.remote.s32 $0x1  }
0xbe: {  	_ =	sfence.sel $0xFFFF  }
0xbf: {  	[dreg:$0x0] =	wrdreg $0xFFFFFFFF;
	(pc) =	sbr.abs _section_cstart, $3  }
0xc0: {  	[dreg:$0x1] =	wrdreg $0xFFFFFFFF  }
0xc1: {  	_ =	task.clear_ibuf [dreg:s7], $0x2FFFF;
	_ =	strace $0x9FFFFFFF  }
0xc2: {  	(tm) =	ssettm $0x7FFFFFFF  }
0xc3: {  	_ =	shalt  }
tec
execute0_lowered:
.L_overlay_start_1:
0x0: {  	(tag) =	ssettag $0x1  }
0x1: {  	s0 =	rddreg [dreg:$0x0]  }
0x2: {  	s1 =	rddreg [dreg:$0x1];
	s2 =	simm.s32 $0x0;
	s3 =	srdreg.scid  }
0x3: {  	s5 =	stileid.u32;
	s11 =	simm.s32 $0x2;
	s24 =	simm.s32 $0x8080  }
0x4: {  	s28 =	simm.s32 $0x9880;
	s29 =	simm.s32 $0xA080;
	s30 =	simm.s32 $0xA880  }
0x5: {  	s31 =	simm.s32 $0xB080;
	s12 =	simm.s32 $0xC880;
	s13 =	simm.s32 $0xD080  }
0x6: {  	s14 =	simm.s32 $0xD880;
	s15 =	simm.s32 $0xE080;
	s16 =	simm.s32 $0x1  }
0x7: {  	s17 =	simm.s32 $0x0;
	[smem:$0x7FF] =	sst s2;
	s4 =	sand.u32 $0x1, s3  }
0x8: {  	s25 =	sshll.u32 s5, $0x1;
	s3 =	sadd.s32 $0x3A800, s0;
	_ =	strace $0x8000004A  }
0x9: {  	s5 =	sor.u32 s4, s25;
	s4 =	ssub.s32 $0x2, s4;
	s25 =	simm.s32 $0x8880  }
0xa: {  	s6 =	sshll.u32 s5, $0x4;
	s9 =	smul.u32 $0x1800, s5;
	s5 =	sshll.u32 s5, $0xA  }
0xb: {  	v2 =	vlaneseq.u32;
	s26 =	sshrl.u32 s4, $0x1;
	s6 =	sadd.s32 s6, s0;
	s7 =	sadd.s32 s5, s0  }
0xc: {  	v0 =	vand.u32 $0x7, v2;
	v1 =	vshrl.u32 v2, $0x3;
	s10 =	ssub.s32 s4, s26;
	s5 =	sadd.s32 $0x3A900, s0;
	s26 =	simm.s32 $0x9080  }
0xd: {  	v63 =	vor.u32 $0x8, v2;
	[tilespmem:$0x1FFD0] =	vst v0;
	v62 =	vmul.u32 $0x8, v1;
	s8 =	sadd.s32 s9, s0;
	s4 =	sadd.s32 $0x2600, s6;
	s6 =	sadd.s32 $0x3AA00, s0  }
0xe: {  	[tilespmem:$0x1FFF0] =	vst v63;
	s7 =	sadd.s32 $0x32800, s7;
	s9 =	sadd.s32 s1, s9;
	s10 =	smax.u32 s10, $0x1  }
0xf: {  	vm0 =	vmmov $0xffff;
	[tilespmem:$0x1FFE0] =	vst v62;
	s0 =	simm.s32 $0xB880;
	s1 =	simm.s32 $0xC080;
	s8 =	sadd.s32 $0x2800, s8  }
.LBB2_1:
0x10: {  	[tilespmem:s2], [sflag:$0x2] =	stream.linear.gather [hbm4b:s4+s2], $0x80, $0x38;
	[tilespmem:$0x1A080] =	vst v63  }
0x11: {  	_ =	swait.ge [sflag:s11], $0x80  }
0x12: {  	[sflag:s11] =	ssyncset.done $0x0  }
0x13: {  	[sflag:s11] =	ssyncadd.s32 $0xFFFFFF80  }
0x14: {  	v3 =	vld [tilespmem:$0x0];
	_ =	sdelay $0x3  }
0x15: {  	v0 =	vld [tilespmem:$0x1FFD0]  }
0x16: {  	v4 =	vshrl.u32 v3, $0x3  }
0x17: {  	v1 =	vld [tilespmem:$0x1FFE0];
	v4 =	vmul.u32 $0x30, v4  }
0x18: {  	v3 =	vand.u32 $0x7, v3  }
0x19: {  	v3 =	vor.u32 v3, v4  }
0x1a: {  	v4 =	vperm.xlane v3, v0  }
0x1b: {  	v2 =	vld [tilespmem:$0x1FFF0]  }
0x1c: {  	v4 =	vadd.s32 v1, v4;
	_ =	sdelay $0x3  }
0x1d: {  	s18 =	simm.s32 $0x2080;
	v3 =	vperm.xlane v3, v2  }
0x1e: {  	[tilespmem:s18], [sflag:$0x1] =	stream.indirect_vreg.gather [hbm4b:s3+s2], $0x80, v4, vm0, $0xb8;
	[tilespmem:$0x1A080] =	vst v63  }
0x1f: {  	s21 =	simm.s32 $0x2880;
	v3 =	vadd.s32 v1, v3  }
0x20: {  	[tilespmem:s21], [sflag:$0x1] =	stream.indirect_vreg.gather [hbm4b:s5+s2], $0x80, v4, vm0, $0xb8;
	[tilespmem:$0x1A080] =	vst v63  }
0x21: {  	s22 =	simm.s32 $0x3080  }
0x22: {  	[tilespmem:s22], [sflag:$0x1] =	stream.indirect_vreg.gather [hbm4b:s6+s2], $0x80, v4, vm0, $0xb8;
	[tilespmem:$0x1A080] =	vst v63  }
0x23: {  	s23 =	simm.s32 $0x3880  }
0x24: {  	[tilespmem:s23], [sflag:$0x1] =	stream.indirect_vreg.gather [hbm4b:s3+s2], $0x80, v3, vm0, $0xb8;
	[tilespmem:$0x1A080] =	vst v63  }
0x25: {  	s19 =	simm.s32 $0x4080  }
0x26: {  	[tilespmem:s19], [sflag:$0x1] =	stream.indirect_vreg.gather [hbm4b:s5+s2], $0x80, v3, vm0, $0xb8;
	[tilespmem:$0x1A080] =	vst v63  }
0x27: {  	s20 =	simm.s32 $0x4880  }
0x28: {  	[tilespmem:s20], [sflag:$0x1] =	stream.indirect_vreg.gather [hbm4b:s6+s2], $0x80, v3, vm0, $0xb8;
	[tilespmem:$0x1A080] =	vst v63  }
0x29: {  	v3 =	vld [tilespmem:$0x10];
	_ =	sdelay $0x4  }
0x2a: {  	v54 =	vshrl.u32 v3, $0x3  }
0x2b: {  	v4 =	vmul.u32 $0x30, v54  }
0x2c: {  	v3 =	vand.u32 $0x7, v3  }
0x2d: {  	v3 =	vor.u32 v3, v4  }
0x2e: {  	v4 =	vperm.xlane v3, v0;
	_ =	sdelay $0x1  }
0x2f: {  	v4 =	vadd.s32 v1, v4;
	_ =	sdelay $0x3  }
0x30: {  	s21 =	simm.s32 $0x5080;
	v3 =	vperm.xlane v3, v2  }
0x31: {  	[tilespmem:s21], [sflag:$0x1] =	stream.indirect_vreg.gather [hbm4b:s3+s2], $0x80, v4, vm0, $0xb8;
	[tilespmem:$0x1A080] =	vst v63  }
0x32: {  	s22 =	simm.s32 $0x5880;
	v3 =	vadd.s32 v1, v3  }
0x33: {  	[tilespmem:s22], [sflag:$0x1] =	stream.indirect_vreg.gather [hbm4b:s5+s2], $0x80, v4, vm0, $0xb8;
	[tilespmem:$0x1A080] =	vst v63  }
0x34: {  	s23 =	simm.s32 $0x6080  }
0x35: {  	[tilespmem:s23], [sflag:$0x1] =	stream.indirect_vreg.gather [hbm4b:s6+s2], $0x80, v4, vm0, $0xb8;
	[tilespmem:$0x1A080] =	vst v63  }
0x36: {  	s19 =	simm.s32 $0x6880  }
0x37: {  	[tilespmem:s19], [sflag:$0x1] =	stream.indirect_vreg.gather [hbm4b:s3+s2], $0x80, v3, vm0, $0xb8;
	[tilespmem:$0x1A080] =	vst v63  }
0x38: {  	s20 =	simm.s32 $0x7080  }
0x39: {  	[tilespmem:s20], [sflag:$0x1] =	stream.indirect_vreg.gather [hbm4b:s5+s2], $0x80, v3, vm0, $0xb8;
	[tilespmem:$0x1A080] =	vst v63  }
0x3a: {  	s21 =	simm.s32 $0x7880  }
0x3b: {  	[tilespmem:s21], [sflag:$0x1] =	stream.indirect_vreg.gather [hbm4b:s6+s2], $0x80, v3, vm0, $0xb8;
	[tilespmem:$0x1A080] =	vst v63  }
0x3c: {  	v3 =	vld [tilespmem:$0x20];
	_ =	sdelay $0x4  }
0x3d: {  	v55 =	vshrl.u32 v3, $0x3  }
0x3e: {  	v4 =	vmul.u32 $0x30, v55  }
0x3f: {  	v3 =	vand.u32 $0x7, v3  }
0x40: {  	v3 =	vor.u32 v3, v4  }
0x41: {  	v4 =	vperm.xlane v3, v0;
	_ =	sdelay $0x1  }
0x42: {  	v4 =	vadd.s32 v1, v4;
	_ =	sdelay $0x3  }
0x43: {  	v3 =	vperm.xlane v3, v2  }
0x44: {  	[tilespmem:s24], [sflag:$0x1] =	stream.indirect_vreg.gather [hbm4b:s3+s2], $0x80, v4, vm0, $0xb8;
	[tilespmem:$0x1A080] =	vst v63  }
0x45: {  	v3 =	vadd.s32 v1, v3  }
0x46: {  	[tilespmem:s25], [sflag:$0x1] =	stream.indirect_vreg.gather [hbm4b:s5+s2], $0x80, v4, vm0, $0xb8;
	[tilespmem:$0x1A080] =	vst v63  }
0x47: {  	_ = 	snop  }
0x48: {  	[tilespmem:s26], [sflag:$0x1] =	stream.indirect_vreg.gather [hbm4b:s6+s2], $0x80, v4, vm0, $0xb8;
	[tilespmem:$0x1A080] =	vst v63  }
0x49: {  	_ = 	snop  }
0x4a: {  	[tilespmem:s28], [sflag:$0x1] =	stream.indirect_vreg.gather [hbm4b:s3+s2], $0x80, v3, vm0, $0xb8;
	[tilespmem:$0x1A080] =	vst v63  }
0x4b: {  	_ = 	snop  }
0x4c: {  	[tilespmem:s29], [sflag:$0x1] =	stream.indirect_vreg.gather [hbm4b:s5+s2], $0x80, v3, vm0, $0xb8;
	[tilespmem:$0x1A080] =	vst v63  }
0x4d: {  	_ = 	snop  }
0x4e: {  	[tilespmem:s30], [sflag:$0x1] =	stream.indirect_vreg.gather [hbm4b:s6+s2], $0x80, v3, vm0, $0xb8;
	[tilespmem:$0x1A080] =	vst v63  }
0x4f: {  	v3 =	vld [tilespmem:$0x30];
	_ =	sdelay $0x4  }
0x50: {  	v56 =	vshrl.u32 v3, $0x3  }
0x51: {  	v4 =	vmul.u32 $0x30, v56  }
0x52: {  	v3 =	vand.u32 $0x7, v3  }
0x53: {  	v3 =	vor.u32 v3, v4  }
0x54: {  	v4 =	vperm.xlane v3, v0;
	_ =	sdelay $0x1  }
0x55: {  	v4 =	vadd.s32 v1, v4;
	_ =	sdelay $0x3  }
0x56: {  	v3 =	vperm.xlane v3, v2  }
0x57: {  	[tilespmem:s31], [sflag:$0x1] =	stream.indirect_vreg.gather [hbm4b:s3+s2], $0x80, v4, vm0, $0xb8;
	[tilespmem:$0x1A080] =	vst v63  }
0x58: {  	v3 =	vadd.s32 v1, v3  }
0x59: {  	[tilespmem:s0], [sflag:$0x1] =	stream.indirect_vreg.gather [hbm4b:s5+s2], $0x80, v4, vm0, $0xb8;
	[tilespmem:$0x1A080] =	vst v63  }
0x5a: {  	_ = 	snop  }
0x5b: {  	[tilespmem:s1], [sflag:$0x1] =	stream.indirect_vreg.gather [hbm4b:s6+s2], $0x80, v4, vm0, $0xb8;
	[tilespmem:$0x1A080] =	vst v63  }
0x5c: {  	_ = 	snop  }
0x5d: {  	[tilespmem:s12], [sflag:$0x1] =	stream.indirect_vreg.gather [hbm4b:s3+s2], $0x80, v3, vm0, $0xb8;
	[tilespmem:$0x1A080] =	vst v63  }
0x5e: {  	_ = 	snop  }
0x5f: {  	[tilespmem:s13], [sflag:$0x1] =	stream.indirect_vreg.gather [hbm4b:s5+s2], $0x80, v3, vm0, $0xb8;
	[tilespmem:$0x1A080] =	vst v63  }
0x60: {  	_ = 	snop  }
0x61: {  	[tilespmem:s14], [sflag:$0x1] =	stream.indirect_vreg.gather [hbm4b:s6+s2], $0x80, v3, vm0, $0xb8;
	[tilespmem:$0x1A080] =	vst v63  }
0x62: {  	s19 =	simm.s32 $0x80  }
0x63: {  	[tilespmem:s19], [sflag:$0x2] =	stream.linear.gather [hbm4b:s7+s2], $0x2000, $0x38;
	[tilespmem:$0x1A080] =	vst v63  }
0x64: {  	_ =	swait.ge [sflag:s11], $0x2000  }
0x65: {  	[sflag:s11] =	ssyncset.done $0x0  }
0x66: {  	[sflag:s11] =	ssyncadd.s32 $0xFFFFE000  }
0x67: {  	[tilespmem:s15], [sflag:$0x2] =	stream.linear.gather [hbm4b:s8+s2], $0xC000, $0x38;
	[tilespmem:$0x1A080] =	vst v63  }
0x68: {  	_ =	swait.ge [sflag:s11], $0xC000  }
0x69: {  	[sflag:s11] =	ssyncset.done $0x0  }
0x6a: {  	s22 =	simm.s32 $0x0;
	[sflag:s11] =	ssyncadd.s32 $0xFFFF4000  }
0x6b: {  	s18 =	smul.u32 $0x1800, s22;
	_ =	swait.ge [sflag:s16], $0xC000  }
0x6c: {  	s20 =	sand.u32 $0x380, s2;
	[sflag:s16] =	ssyncset.done $0x0  }
0x6d: {  	s21 =	sor.u32 s20, s18;
	[sflag:s16] =	ssyncadd.s32 $0xFFFF4000  }
0x6e: {  	v23 =	vld [tilespmem:s21+$0x2080]  }
0x6f: {  	v24 =	vld [tilespmem:s21+$0x2090]  }
0x70: {  	v25 =	vld [tilespmem:s21+$0x20A0]  }
0x71: {  	v26 =	vld [tilespmem:s21+$0x20B0]  }
0x72: {  	v27 =	vld [tilespmem:s21+$0x20C0]  }
0x73: {  	v28 =	vld [tilespmem:s21+$0x20D0]  }
0x74: {  	v29 =	vld [tilespmem:s21+$0x20E0]  }
0x75: {  	v30 =	vld [tilespmem:s21+$0x20F0]  }
0x76: {  	v31 =	vld [tilespmem:s21+$0x2480]  }
0x77: {  	v32 =	vld [tilespmem:s21+$0x2490]  }
0x78: {  	v33 =	vld [tilespmem:s21+$0x24A0]  }
0x79: {  	v34 =	vld [tilespmem:s21+$0x24B0]  }
0x7a: {  	v35 =	vld [tilespmem:s21+$0x24C0]  }
0x7b: {  	v36 =	vld [tilespmem:s21+$0x24D0]  }
0x7c: {  	v37 =	vld [tilespmem:s21+$0x24E0]  }
0x7d: {  	v38 =	vld [tilespmem:s21+$0x24F0]  }
0x7e: {  	v39 =	vld [tilespmem:s21+$0x2880]  }
0x7f: {  	v40 =	vld [tilespmem:s21+$0x2890]  }
0x80: {  	v41 =	vld [tilespmem:s21+$0x28A0]  }
0x81: {  	v42 =	vld [tilespmem:s21+$0x28B0]  }
0x82: {  	v43 =	vld [tilespmem:s21+$0x28C0]  }
0x83: {  	v44 =	vld [tilespmem:s21+$0x28D0]  }
0x84: {  	v45 =	vld [tilespmem:s21+$0x28E0]  }
0x85: {  	v46 =	vld [tilespmem:s21+$0x28F0]  }
0x86: {  	v47 =	vld [tilespmem:s21+$0x2C80]  }
0x87: {  	v48 =	vld [tilespmem:s21+$0x2C90]  }
0x88: {  	v22 =	vld [tilespmem:s21+$0x2CA0]  }
0x89: {  	v21 =	vld [tilespmem:s21+$0x2CB0]  }
0x8a: {  	v20 =	vld [tilespmem:s21+$0x2CC0]  }
0x8b: {  	v19 =	vld [tilespmem:s21+$0x2CD0]  }
0x8c: {  	v18 =	vld [tilespmem:s21+$0x2CE0]  }
0x8d: {  	v17 =	vld [tilespmem:s21+$0x2CF0]  }
0x8e: {  	v16 =	vld [tilespmem:s21+$0x3080]  }
0x8f: {  	v15 =	vld [tilespmem:s21+$0x3090]  }
0x90: {  	v14 =	vld [tilespmem:s21+$0x30A0]  }
0x91: {  	v13 =	vld [tilespmem:s21+$0x30B0]  }
0x92: {  	v12 =	vld [tilespmem:s21+$0x30C0]  }
0x93: {  	v11 =	vld [tilespmem:s21+$0x30D0]  }
0x94: {  	v10 =	vld [tilespmem:s21+$0x30E0]  }
0x95: {  	v9 =	vld [tilespmem:s21+$0x30F0]  }
0x96: {  	v8 =	vld [tilespmem:s21+$0x3480]  }
0x97: {  	v7 =	vld [tilespmem:s21+$0x3490]  }
0x98: {  	v6 =	vld [tilespmem:s21+$0x34A0]  }
0x99: {  	v5 =	vld [tilespmem:s21+$0x34B0]  }
0x9a: {  	v3 =	vld [tilespmem:s19+$0x0]  }
0x9b: {  	v57 =	vld [tilespmem:s21+$0x34C0]  }
0x9c: {  	v49 =	vld [tilespmem:s21+$0xE080]  }
0x9d: {  	v50 =	vld [tilespmem:s21+$0xE090]  }
0x9e: {  	v51 =	vld [tilespmem:s21+$0xE0A0]  }
0x9f: {  	v52 =	vld [tilespmem:s21+$0xE0B0]  }
0xa0: {  	v53 =	vld [tilespmem:s21+$0xE0C0];
	v23 =	vmul.f32 v23, v3  }
0xa1: {  	v54 =	vld [tilespmem:s21+$0xE0D0];
	v24 =	vmul.f32 v24, v3  }
0xa2: {  	v58 =	vld [tilespmem:s21+$0xE0E0];
	v25 =	vmul.f32 v25, v3;
	v23 =	vadd.f32 v23, v49  }
0xa3: {  	v59 =	vld [tilespmem:s21+$0xE0F0];
	v26 =	vmul.f32 v26, v3;
	v24 =	vadd.f32 v24, v50  }
0xa4: {  	v60 =	vld [tilespmem:s21+$0xE4C0];
	v27 =	vmul.f32 v27, v3;
	v25 =	vadd.f32 v25, v51;
	[tilespmem:s21+$0xE080] =	vst v23  }
0xa5: {  	v28 =	vmul.f32 v28, v3;
	v26 =	vadd.f32 v26, v52;
	v23 =	vld [tilespmem:s21+$0xE480];
	[tilespmem:s21+$0xE090] =	vst v24  }
0xa6: {  	v29 =	vmul.f32 v29, v3;
	v27 =	vadd.f32 v27, v53;
	v24 =	vld [tilespmem:s21+$0xE490];
	[tilespmem:s21+$0xE0A0] =	vst v25  }
0xa7: {  	v30 =	vmul.f32 v30, v3;
	v28 =	vadd.f32 v28, v54;
	v25 =	vld [tilespmem:s21+$0xE4A0];
	[tilespmem:s21+$0xE0B0] =	vst v26  }
0xa8: {  	v31 =	vmul.f32 v31, v3;
	v29 =	vadd.f32 v29, v58;
	v26 =	vld [tilespmem:s21+$0xE4B0];
	[tilespmem:s21+$0xE0C0] =	vst v27  }
0xa9: {  	v62 =	vld [tilespmem:s21+$0xE8A0];
	v30 =	vadd.f32 v30, v59;
	v27 =	vmul.f32 v32, v3;
	[tilespmem:s21+$0xE0D0] =	vst v28  }
0xaa: {  	v33 =	vmul.f32 v33, v3;
	v28 =	vld [tilespmem:s21+$0xE4D0];
	[tilespmem:s21+$0xE0E0] =	vst v29;
	v23 =	vadd.f32 v31, v23  }
0xab: {  	v29 =	vld [tilespmem:s21+$0xE4E0];
	[tilespmem:s21+$0xE0F0] =	vst v30;
	v24 =	vadd.f32 v27, v24;
	v27 =	vmul.f32 v34, v3  }
0xac: {  	v30 =	vld [tilespmem:s21+$0xE4F0];
	v25 =	vadd.f32 v33, v25;
	v31 =	vmul.f32 v35, v3;
	[tilespmem:s21+$0xE480] =	vst v23  }
0xad: {  	v1 =	vld [tilespmem:s21+$0xEC80];
	v61 =	vmul.f32 v36, v3;
	v26 =	vadd.f32 v27, v26;
	[tilespmem:s21+$0xE490] =	vst v24  }
0xae: {  	v23 =	vld [tilespmem:s21+$0xE880];
	v27 =	vmul.f32 v37, v3;
	v31 =	vadd.f32 v31, v60;
	[tilespmem:s21+$0xE4A0] =	vst v25  }
0xaf: {  	v28 =	vadd.f32 v61, v28;
	v24 =	vld [tilespmem:s21+$0xE890];
	v25 =	vmul.f32 v38, v3;
	[tilespmem:s21+$0xE4B0] =	vst v26  }
0xb0: {  	v26 =	vld [tilespmem:s21+$0xE8B0];
	v27 =	vadd.f32 v27, v29;
	[tilespmem:s21+$0xE4C0] =	vst v31;
	v31 =	vmul.f32 v41, v3  }
0xb1: {  	v63 =	vmul.f32 v39, v3;
	[tilespmem:s21+$0xE4D0] =	vst v28;
	v29 =	vld [tilespmem:s21+$0xE8C0];
	v25 =	vadd.f32 v25, v30  }
0xb2: {  	v33 =	vld [tilespmem:s21+$0xF4E0];
	v30 =	vmul.f32 v40, v3;
	[tilespmem:s21+$0xE4E0] =	vst v27;
	v31 =	vadd.f32 v31, v62  }
0xb3: {  	v0 =	vmul.f32 v42, v3;
	v28 =	vld [tilespmem:s21+$0xE8D0];
	[tilespmem:s21+$0xE4F0] =	vst v25;
	v23 =	vadd.f32 v63, v23  }
0xb4: {  	v27 =	vld [tilespmem:s21+$0xE8E0];
	v24 =	vadd.f32 v30, v24;
	v30 =	vmul.f32 v43, v3;
	[tilespmem:s21+$0xE8A0] =	vst v31  }
0xb5: {  	v25 =	vld [tilespmem:s21+$0xE8F0];
	v31 =	vmul.f32 v47, v3;
	[tilespmem:s21+$0xE880] =	vst v23;
	v26 =	vadd.f32 v0, v26  }
0xb6: {  	v23 =	vmul.f32 v44, v3;
	[tilespmem:s21+$0xE890] =	vst v24;
	v24 =	vld [tilespmem:s21+$0x34D0];
	v29 =	vadd.f32 v30, v29  }
0xb7: {  	v2 =	vmul.f32 v45, v3;
	v30 =	vld [tilespmem:s21+$0xEC90];
	v31 =	vadd.f32 v31, v1;
	[tilespmem:s21+$0xE8B0] =	vst v26  }
0xb8: {  	v23 =	vadd.f32 v23, v28;
	v28 =	vmul.f32 v46, v3;
	v26 =	vld [tilespmem:s21+$0x34E0];
	[tilespmem:s21+$0xE8C0] =	vst v29  }
0xb9: {  	s23 =	simm.s32 $0x0;
	v27 =	vadd.f32 v2, v27;
	v29 =	vld [tilespmem:s21+$0xECA0];
	[tilespmem:s21+$0xEC80] =	vst v31  }
0xba: {  	s18 =	smul.u32 $0x1800, s23;
	s20 =	simm.s32 $0x80;
	v31 =	vld [tilespmem:s21+$0xECD0];
	v25 =	vadd.f32 v28, v25;
	[tilespmem:s21+$0xE8D0] =	vst v23;
	v28 =	vmul.f32 v48, v3  }
0xbb: {  	s22 =	sand.u32 $0x380, s20;
	[tilespmem:s21+$0xE8E0] =	vst v27;
	v27 =	vld [tilespmem:s21+$0xECB0]  }
0xbc: {  	s18 =	sor.u32 s22, s18;
	v22 =	vmul.f32 v22, v3;
	[tilespmem:s21+$0xE8F0] =	vst v25;
	v25 =	vld [tilespmem:s21+$0xECC0];
	v28 =	vadd.f32 v28, v30  }
0xbd: {  	v30 =	vld [tilespmem:s18+$0x2080]  }
0xbe: {  	v21 =	vmul.f32 v21, v3;
	v22 =	vadd.f32 v22, v29;
	[tilespmem:s21+$0xEC90] =	vst v28;
	v28 =	vld [tilespmem:s21+$0xECE0]  }
0xbf: {  	v32 =	vld [tilespmem:s18+$0x2090]  }
0xc0: {  	v20 =	vmul.f32 v20, v3;
	v21 =	vadd.f32 v21, v27;
	[tilespmem:s21+$0xECA0] =	vst v22;
	v22 =	vld [tilespmem:s21+$0xECF0]  }
0xc1: {  	v38 =	vld [tilespmem:s18+$0x20A0]  }
0xc2: {  	v19 =	vmul.f32 v19, v3;
	v20 =	vadd.f32 v20, v25;
	[tilespmem:s21+$0xECB0] =	vst v21;
	v21 =	vld [tilespmem:s21+$0xF080]  }
0xc3: {  	v53 =	vld [tilespmem:s18+$0x20B0]  }
0xc4: {  	v18 =	vmul.f32 v18, v3;
	v19 =	vadd.f32 v19, v31;
	[tilespmem:s21+$0xECC0] =	vst v20;
	v20 =	vld [tilespmem:s21+$0xF090]  }
0xc5: {  	v54 =	vld [tilespmem:s18+$0x20C0]  }
0xc6: {  	v17 =	vmul.f32 v17, v3;
	v18 =	vadd.f32 v18, v28;
	[tilespmem:s21+$0xECD0] =	vst v19;
	v19 =	vld [tilespmem:s21+$0xF0A0]  }
0xc7: {  	v51 =	vld [tilespmem:s18+$0x20D0]  }
0xc8: {  	v16 =	vmul.f32 v16, v3;
	v17 =	vadd.f32 v17, v22;
	[tilespmem:s21+$0xECE0] =	vst v18;
	v18 =	vld [tilespmem:s21+$0xF0B0]  }
0xc9: {  	v48 =	vld [tilespmem:s18+$0x20E0]  }
0xca: {  	v15 =	vmul.f32 v15, v3;
	v16 =	vadd.f32 v16, v21;
	[tilespmem:s21+$0xECF0] =	vst v17;
	v17 =	vld [tilespmem:s21+$0xF0C0]  }
0xcb: {  	v55 =	vld [tilespmem:s18+$0x20F0]  }
0xcc: {  	v14 =	vmul.f32 v14, v3;
	v15 =	vadd.f32 v15, v20;
	[tilespmem:s21+$0xF080] =	vst v16;
	v16 =	vld [tilespmem:s21+$0xF0D0]  }
0xcd: {  	v49 =	vld [tilespmem:s18+$0x2480]  }
0xce: {  	v13 =	vmul.f32 v13, v3;
	v14 =	vadd.f32 v14, v19;
	[tilespmem:s21+$0xF090] =	vst v15;
	v15 =	vld [tilespmem:s21+$0xF0E0]  }
0xcf: {  	v50 =	vld [tilespmem:s18+$0x2490]  }
0xd0: {  	v12 =	vmul.f32 v12, v3;
	v13 =	vadd.f32 v13, v18;
	[tilespmem:s21+$0xF0A0] =	vst v14;
	v14 =	vld [tilespmem:s21+$0xF0F0]  }
0xd1: {  	v44 =	vld [tilespmem:s18+$0x24A0]  }
0xd2: {  	v11 =	vmul.f32 v11, v3;
	v12 =	vadd.f32 v12, v17;
	[tilespmem:s21+$0xF0B0] =	vst v13;
	v13 =	vld [tilespmem:s21+$0xF480]  }
0xd3: {  	v39 =	vld [tilespmem:s18+$0x24B0]  }
0xd4: {  	v10 =	vmul.f32 v10, v3;
	v11 =	vadd.f32 v11, v16;
	[tilespmem:s21+$0xF0C0] =	vst v12;
	v12 =	vld [tilespmem:s21+$0xF490]  }
0xd5: {  	v35 =	vld [tilespmem:s18+$0x24C0]  }
0xd6: {  	v9 =	vmul.f32 v9, v3;
	v10 =	vadd.f32 v10, v15;
	[tilespmem:s21+$0xF0D0] =	vst v11;
	v11 =	vld [tilespmem:s21+$0xF4A0]  }
0xd7: {  	v41 =	vld [tilespmem:s18+$0x24D0]  }
0xd8: {  	v8 =	vmul.f32 v8, v3;
	v9 =	vadd.f32 v9, v14;
	[tilespmem:s21+$0xF0E0] =	vst v10;
	v10 =	vld [tilespmem:s21+$0xF4B0]  }
0xd9: {  	v40 =	vld [tilespmem:s18+$0x24E0]  }
0xda: {  	v8 =	vadd.f32 v8, v13;
	[tilespmem:s21+$0xF0F0] =	vst v9;
	v9 =	vld [tilespmem:s21+$0xF4C0]  }
0xdb: {  	v7 =	vmul.f32 v7, v3;
	v46 =	vld [tilespmem:s18+$0x24F0]  }
0xdc: {  	v6 =	vmul.f32 v6, v3;
	[tilespmem:s21+$0xF480] =	vst v8;
	v8 =	vld [tilespmem:s21+$0xF4D0]  }
0xdd: {  	v5 =	vmul.f32 v5, v3;
	v34 =	vld [tilespmem:s21+$0xF4F0];
	v7 =	vadd.f32 v7, v12  }
0xde: {  	v4 =	vmul.f32 v57, v3;
	v23 =	vld [tilespmem:s21+$0x34F0];
	v6 =	vadd.f32 v6, v11  }
0xdf: {  	v42 =	vld [tilespmem:s18+$0x2880];
	[tilespmem:s21+$0xF490] =	vst v7;
	v5 =	vadd.f32 v5, v10;
	v10 =	vmul.f32 v24, v3  }
0xe0: {  	v56 =	vmul.f32 v26, v3;
	v37 =	vld [tilespmem:s18+$0x2890];
	[tilespmem:s21+$0xF4A0] =	vst v6;
	v4 =	vadd.f32 v4, v9  }
0xe1: {  	v36 =	vld [tilespmem:s18+$0x28A0];
	[tilespmem:s21+$0xF4B0] =	vst v5;
	v8 =	vadd.f32 v10, v8  }
0xe2: {  	v57 =	vadd.f32 v56, v33;
	v47 =	vld [tilespmem:s18+$0x28B0];
	[tilespmem:s21+$0xF4C0] =	vst v4  }
0xe3: {  	v3 =	vmul.f32 v23, v3;
	v43 =	vld [tilespmem:s18+$0x28C0];
	[tilespmem:s21+$0xF4D0] =	vst v8  }
0xe4: {  	v52 =	vld [tilespmem:s18+$0x28D0];
	[tilespmem:s21+$0xF4E0] =	vst v57  }
0xe5: {  	v3 =	vadd.f32 v3, v34;
	v45 =	vld [tilespmem:s18+$0x28E0]  }
0xe6: {  	v10 =	vld [tilespmem:s18+$0xF4B0]  }
0xe7: {  	[tilespmem:s21+$0xF4F0] =	vst v3;
	v57 =	vld [tilespmem:s18+$0xECB0]  }
0xe8: {  	v33 =	vld [tilespmem:s18+$0x28F0]  }
0xe9: {  	v31 =	vld [tilespmem:s18+$0x2C80]  }
0xea: {  	v29 =	vld [tilespmem:s18+$0x2C90]  }
0xeb: {  	v28 =	vld [tilespmem:s18+$0x2CA0]  }
0xec: {  	v27 =	vld [tilespmem:s18+$0x2CB0]  }
0xed: {  	v26 =	vld [tilespmem:s18+$0x2CC0]  }
0xee: {  	v25 =	vld [tilespmem:s18+$0x2CD0]  }
0xef: {  	v23 =	vld [tilespmem:s18+$0x2CE0]  }
0xf0: {  	v22 =	vld [tilespmem:s18+$0x2CF0]  }
0xf1: {  	v21 =	vld [tilespmem:s18+$0x3080]  }
0xf2: {  	v20 =	vld [tilespmem:s18+$0x3090]  }
0xf3: {  	v19 =	vld [tilespmem:s18+$0x30A0]  }
0xf4: {  	v17 =	vld [tilespmem:s18+$0x30B0]  }
0xf5: {  	v16 =	vld [tilespmem:s18+$0x30C0]  }
0xf6: {  	v15 =	vld [tilespmem:s18+$0x30D0]  }
0xf7: {  	v14 =	vld [tilespmem:s18+$0x30E0]  }
0xf8: {  	v13 =	vld [tilespmem:s18+$0x30F0]  }
0xf9: {  	v12 =	vld [tilespmem:s18+$0x3480]  }
0xfa: {  	v11 =	vld [tilespmem:s18+$0x3490]  }
0xfb: {  	v9 =	vld [tilespmem:s18+$0x34A0]  }
0xfc: {  	v58 =	vld [tilespmem:s18+$0x34B0]  }
0xfd: {  	v59 =	vld [tilespmem:s18+$0x34C0]  }
0xfe: {  	v60 =	vld [tilespmem:s18+$0x34D0]  }
0xff: {  	v61 =	vld [tilespmem:s18+$0x34E0]  }
0x100: {  	v62 =	vld [tilespmem:s18+$0x34F0]  }
0x101: {  	v63 =	vld [tilespmem:s18+$0xF4D0]  }
0x102: {  	v18 =	vld [tilespmem:s18+$0xF0F0]  }
0x103: {  	v24 =	vld [tilespmem:s18+$0xF0D0]  }
0x104: {  	v34 =	vld [tilespmem:s18+$0xF090]  }
0x105: {  	v56 =	vld [tilespmem:s18+$0xECF0];
	[tilespmem:$0x1FF70] =	vst v58  }
0x106: {  	[tilespmem:$0x1FF80] =	vst v59;
	v58 =	vld [tilespmem:s18+$0xEC90]  }
0x107: {  	[tilespmem:$0x1FF90] =	vst v60;
	v59 =	vld [tilespmem:s18+$0xE8D0]  }
0x108: {  	[tilespmem:$0x1FFA0] =	vst v61;
	v60 =	vld [tilespmem:s18+$0xE8B0]  }
0x109: {  	[tilespmem:$0x1FFB0] =	vst v62;
	v62 =	vld [tilespmem:s18+$0xE4F0]  }
0x10a: {  	s21 =	simm.s32 $0x2;
	[tilespmem:$0x1FFC0] =	vst v63;
	v63 =	vld [tilespmem:s18+$0xE4D0]  }
.LBB2_2:
0x10b: {  	v0 =	vld [tilespmem:s18+$0xE490]  }
0x10c: {  	v2 =	vld [tilespmem:s18+$0xE0F0]  }
0x10d: {  	v1 =	vld [tilespmem:s18+$0xE0B0];
	s19 =	sadd.s32 $0x80, s19  }
0x10e: {  	v61 =	vld [tilespmem:s19+$0x0]  }
0x10f: {  	v3 =	vld [tilespmem:s18+$0xE090]  }
0x110: {  	v4 =	vld [tilespmem:s18+$0xE080]  }
0x111: {  	v5 =	vld [tilespmem:s18+$0xE0A0]  }
0x112: {  	v6 =	vld [tilespmem:s18+$0xE0C0]  }
0x113: {  	v7 =	vld [tilespmem:s18+$0xE0D0];
	v32 =	vmul.f32 v32, v61  }
0x114: {  	v8 =	vld [tilespmem:s18+$0xE0E0];
	v30 =	vmul.f32 v30, v61;
	v38 =	vmul.f32 v38, v61  }
0x115: {  	v53 =	vmul.f32 v53, v61;
	v13 =	vmul.f32 v13, v61;
	v3 =	vadd.f32 v32, v3;
	v32 =	vld [tilespmem:s18+$0xE480]  }
0x116: {  	v4 =	vadd.f32 v30, v4;
	v30 =	vmul.f32 v54, v61;
	v54 =	vmul.f32 v51, v61;
	v51 =	vld [tilespmem:s18+$0xE4A0]  }
0x117: {  	v1 =	vadd.f32 v53, v1;
	v53 =	vmul.f32 v48, v61;
	v48 =	vld [tilespmem:s18+$0xE4B0]  }
0x118: {  	v5 =	vadd.f32 v38, v5;
	v13 =	vadd.f32 v13, v18;
	v18 =	vld [tilespmem:s18+$0xF4F0]  }
0x119: {  	[tilespmem:s18+$0xE090] =	vst v3;
	v3 =	vadd.f32 v54, v7;
	v54 =	vmul.f32 v49, v61;
	v49 =	vld [tilespmem:s18+$0xE4C0]  }
0x11a: {  	[tilespmem:s18+$0xE0A0] =	vst v5;
	v5 =	vadd.f32 v53, v8;
	v8 =	vld [tilespmem:s18+$0xE4E0]  }
0x11b: {  	[tilespmem:s18+$0xE080] =	vst v4;
	v4 =	vadd.f32 v30, v6;
	v30 =	vmul.f32 v55, v61;
	v55 =	vmul.f32 v50, v61;
	v50 =	vld [tilespmem:s18+$0xE890]  }
0x11c: {  	v53 =	vmul.f32 v44, v61;
	[tilespmem:s18+$0xE0B0] =	vst v1;
	v44 =	vmul.f32 v41, v61;
	v41 =	vld [tilespmem:s18+$0xECE0]  }
0x11d: {  	v2 =	vadd.f32 v30, v2;
	v30 =	vld [tilespmem:s18+$0xE880];
	[tilespmem:s18+$0xE0C0] =	vst v4  }
0x11e: {  	[tilespmem:s18+$0xE0D0] =	vst v3;
	v6 =	vadd.f32 v44, v63;
	v63 =	vld [tilespmem:s18+$0xE8C0];
	v1 =	vadd.f32 v54, v32;
	v54 =	vmul.f32 v39, v61  }
0x11f: {  	v0 =	vadd.f32 v55, v0;
	v55 =	vmul.f32 v35, v61;
	[tilespmem:s18+$0xE0E0] =	vst v5;
	v44 =	vld [tilespmem:s18+$0xE8E0]  }
0x120: {  	v4 =	vadd.f32 v53, v51;
	v51 =	vmul.f32 v40, v61;
	[tilespmem:s18+$0xE0F0] =	vst v2;
	v3 =	vadd.f32 v54, v48;
	v54 =	vld [tilespmem:s18+$0xE8A0]  }
0x121: {  	v31 =	vmul.f32 v31, v61;
	v28 =	vmul.f32 v28, v61;
	[tilespmem:s18+$0xE490] =	vst v0;
	v5 =	vadd.f32 v55, v49;
	v49 =	vld [tilespmem:s18+$0xE8F0]  }
0x122: {  	[tilespmem:s18+$0xE4D0] =	vst v6;
	v55 =	vmul.f32 v42, v61;
	v42 =	vadd.f32 v51, v8;
	v51 =	vmul.f32 v52, v61;
	v52 =	vld [tilespmem:s18+$0xEC80]  }
0x123: {  	v53 =	vmul.f32 v46, v61;
	v8 =	vmul.f32 v37, v61;
	[tilespmem:s18+$0xE480] =	vst v1;
	v37 =	vld [tilespmem:s18+$0xECD0]  }
0x124: {  	v26 =	vmul.f32 v26, v61;
	v23 =	vmul.f32 v23, v61;
	[tilespmem:s18+$0xE4A0] =	vst v4;
	v46 =	vadd.f32 v55, v30;
	v55 =	vld [tilespmem:s18+$0xECA0]  }
0x125: {  	v25 =	vmul.f32 v25, v61;
	v7 =	vadd.f32 v53, v62;
	v62 =	vld [tilespmem:s18+$0xECC0];
	v30 =	vmul.f32 v36, v61;
	[tilespmem:s18+$0xE4B0] =	vst v3  }
0x126: {  	v48 =	vmul.f32 v47, v61;
	v50 =	vadd.f32 v8, v50;
	[tilespmem:s18+$0xE880] =	vst v46;
	v46 =	vadd.f32 v23, v41;
	v23 =	vld [tilespmem:s18+$0xF0E0]  }
0x127: {  	v8 =	vmul.f32 v43, v61;
	[tilespmem:s18+$0xE4E0] =	vst v42;
	v53 =	vadd.f32 v30, v54;
	v42 =	vadd.f32 v31, v52;
	v31 =	vld [tilespmem:s18+$0xF080]  }
0x128: {  	[tilespmem:s18+$0xE4C0] =	vst v5;
	v30 =	vadd.f32 v48, v60;
	v54 =	vmul.f32 v45, v61;
	v45 =	vadd.f32 v25, v37;
	v25 =	vld [tilespmem:s18+$0xF0C0]  }
0x129: {  	[tilespmem:s18+$0xE4F0] =	vst v7;
	v60 =	vadd.f32 v8, v63;
	v43 =	vadd.f32 v28, v55;
	v28 =	vld [tilespmem:s18+$0xF0A0]  }
0x12a: {  	v14 =	vmul.f32 v14, v61;
	[tilespmem:s18+$0xE890] =	vst v50;
	v63 =	vadd.f32 v54, v44;
	v44 =	vadd.f32 v26, v62;
	v26 =	vld [tilespmem:s18+$0xF0B0]  }
0x12b: {  	v33 =	vmul.f32 v33, v61;
	[tilespmem:s18+$0xE8B0] =	vst v30;
	v30 =	vld [tilespmem:s18+$0xF480]  }
0x12c: {  	v16 =	vmul.f32 v16, v61;
	v8 =	vadd.f32 v51, v59;
	[tilespmem:s18+$0xE8C0] =	vst v60;
	v60 =	vadd.f32 v14, v23;
	v14 =	vld [tilespmem:s18+$0xF4E0]  }
0x12d: {  	v19 =	vmul.f32 v19, v61;
	v40 =	vadd.f32 v33, v49;
	[tilespmem:s18+$0xE8A0] =	vst v53;
	v23 =	vld [tilespmem:$0x1FF90]  }
0x12e: {  	s22 =	sshrl.u32 s21, $0x3;
	v29 =	vmul.f32 v29, v61;
	v17 =	vmul.f32 v17, v61;
	[tilespmem:s18+$0xE8D0] =	vst v8;
	v59 =	vadd.f32 v16, v25;
	v16 =	vld [tilespmem:s18+$0xF4C0]  }
0x12f: {  	s20 =	sadd.s32 $0x80, s20;
	s22 =	smul.u32 $0x1800, s22;
	v12 =	vmul.f32 v12, v61;
	[tilespmem:s18+$0xE8F0] =	vst v40;
	v47 =	vadd.f32 v19, v28;
	v19 =	vld [tilespmem:s18+$0xF490]  }
0x130: {  	s23 =	sand.u32 $0x380, s20;
	v27 =	vmul.f32 v27, v61;
	v29 =	vadd.f32 v29, v58;
	[tilespmem:s18+$0xEC80] =	vst v42;
	v8 =	vadd.f32 v17, v26;
	v17 =	vld [tilespmem:s18+$0xF4A0]  }
0x131: {  	s22 =	sor.u32 s23, s22;
	[tilespmem:s18+$0xE8E0] =	vst v63;
	v62 =	vadd.f32 v12, v30;
	v12 =	vld [tilespmem:$0x1FF70]  }
0x132: {  	v27 =	vadd.f32 v27, v57;
	v30 =	vld [tilespmem:s22+$0x2080];
	[tilespmem:s18+$0xEC90] =	vst v29  }
0x133: {  	v32 =	vld [tilespmem:s22+$0x2090];
	[tilespmem:s18+$0xECA0] =	vst v43  }
0x134: {  	v38 =	vld [tilespmem:s22+$0x20A0];
	[tilespmem:s18+$0xECB0] =	vst v27  }
0x135: {  	v11 =	vmul.f32 v11, v61;
	v53 =	vld [tilespmem:s22+$0x20B0];
	[tilespmem:s18+$0xECC0] =	vst v44  }
0x136: {  	v9 =	vmul.f32 v9, v61;
	v54 =	vld [tilespmem:s22+$0x20C0]  }
0x137: {  	v22 =	vmul.f32 v22, v61;
	v11 =	vadd.f32 v11, v19;
	v19 =	vld [tilespmem:$0x1FF80]  }
0x138: {  	v21 =	vmul.f32 v21, v61;
	[tilespmem:s18+$0xECD0] =	vst v45;
	v63 =	vadd.f32 v9, v17;
	v17 =	vld [tilespmem:$0x1FFB0]  }
0x139: {  	v20 =	vmul.f32 v20, v61;
	v22 =	vadd.f32 v22, v56;
	v12 =	vmul.f32 v12, v61;
	v51 =	vld [tilespmem:s22+$0x20D0];
	[tilespmem:s18+$0xECE0] =	vst v46  }
0x13a: {  	v21 =	vadd.f32 v21, v31;
	v48 =	vld [tilespmem:s22+$0x20E0]  }
0x13b: {  	v20 =	vadd.f32 v20, v34;
	[tilespmem:s18+$0xECF0] =	vst v22;
	v9 =	vadd.f32 v12, v10;
	v10 =	vld [tilespmem:$0x1FFA0]  }
0x13c: {  	v55 =	vld [tilespmem:s22+$0x20F0];
	[tilespmem:s18+$0xF080] =	vst v21  }
0x13d: {  	v49 =	vld [tilespmem:s22+$0x2480];
	[tilespmem:s18+$0xF090] =	vst v20  }
0x13e: {  	v15 =	vmul.f32 v15, v61;
	v50 =	vld [tilespmem:s22+$0x2490];
	[tilespmem:s18+$0xF0A0] =	vst v47  }
0x13f: {  	v19 =	vmul.f32 v19, v61;
	v44 =	vld [tilespmem:s22+$0x24A0];
	[tilespmem:s18+$0xF0B0] =	vst v8  }
0x140: {  	v15 =	vadd.f32 v15, v24;
	v39 =	vld [tilespmem:s22+$0x24B0]  }
0x141: {  	[tilespmem:s18+$0xF0C0] =	vst v59;
	v12 =	vadd.f32 v19, v16;
	v16 =	vld [tilespmem:$0x1FFC0]  }
0x142: {  	v35 =	vld [tilespmem:s22+$0x24C0];
	[tilespmem:s18+$0xF0D0] =	vst v15  }
0x143: {  	v41 =	vld [tilespmem:s22+$0x24D0];
	[tilespmem:s18+$0xF0E0] =	vst v60  }
0x144: {  	v40 =	vld [tilespmem:s22+$0x24E0];
	[tilespmem:s18+$0xF0F0] =	vst v13  }
0x145: {  	v46 =	vld [tilespmem:s22+$0x24F0];
	[tilespmem:s18+$0xF480] =	vst v62  }
0x146: {  	v23 =	vmul.f32 v23, v61;
	v42 =	vld [tilespmem:s22+$0x2880];
	[tilespmem:s18+$0xF490] =	vst v11  }
0x147: {  	v10 =	vmul.f32 v10, v61;
	v37 =	vld [tilespmem:s22+$0x2890];
	[tilespmem:s18+$0xF4A0] =	vst v63  }
0x148: {  	v17 =	vmul.f32 v17, v61;
	v16 =	vadd.f32 v23, v16;
	v36 =	vld [tilespmem:s22+$0x28A0];
	[tilespmem:s18+$0xF4B0] =	vst v9  }
0x149: {  	v57 =	vadd.f32 v10, v14;
	v47 =	vld [tilespmem:s22+$0x28B0];
	[tilespmem:s18+$0xF4C0] =	vst v12  }
0x14a: {  	v58 =	vadd.f32 v17, v18;
	v43 =	vld [tilespmem:s22+$0x28C0];
	[tilespmem:s18+$0xF4D0] =	vst v16  }
0x14b: {  	v52 =	vld [tilespmem:s22+$0x28D0];
	[tilespmem:s18+$0xF4E0] =	vst v57  }
0x14c: {  	v45 =	vld [tilespmem:s22+$0x28E0];
	[tilespmem:s18+$0xF4F0] =	vst v58;
	s18 =	smov.u32 s22  }
0x14d: {  	v33 =	vld [tilespmem:s18+$0x28F0]  }
0x14e: {  	v31 =	vld [tilespmem:s18+$0x2C80]  }
0x14f: {  	v29 =	vld [tilespmem:s18+$0x2C90]  }
0x150: {  	v28 =	vld [tilespmem:s18+$0x2CA0]  }
0x151: {  	v27 =	vld [tilespmem:s18+$0x2CB0]  }
0x152: {  	v26 =	vld [tilespmem:s18+$0x2CC0]  }
0x153: {  	v25 =	vld [tilespmem:s18+$0x2CD0]  }
0x154: {  	v23 =	vld [tilespmem:s18+$0x2CE0]  }
0x155: {  	v22 =	vld [tilespmem:s18+$0x2CF0]  }
0x156: {  	v21 =	vld [tilespmem:s18+$0x3080]  }
0x157: {  	v20 =	vld [tilespmem:s18+$0x3090]  }
0x158: {  	v19 =	vld [tilespmem:s18+$0x30A0]  }
0x159: {  	v17 =	vld [tilespmem:s18+$0x30B0]  }
0x15a: {  	v16 =	vld [tilespmem:s18+$0x30C0]  }
0x15b: {  	v15 =	vld [tilespmem:s18+$0x30D0]  }
0x15c: {  	v14 =	vld [tilespmem:s18+$0x30E0]  }
0x15d: {  	v13 =	vld [tilespmem:s18+$0x30F0]  }
0x15e: {  	v12 =	vld [tilespmem:s18+$0x3480]  }
0x15f: {  	v11 =	vld [tilespmem:s18+$0x3490]  }
0x160: {  	v9 =	vld [tilespmem:s18+$0x34A0]  }
0x161: {  	v0 =	vld [tilespmem:s18+$0x34B0]  }
0x162: {  	v59 =	vld [tilespmem:s18+$0x34C0]  }
0x163: {  	v60 =	vld [tilespmem:s18+$0x34D0]  }
0x164: {  	v61 =	vld [tilespmem:s18+$0x34E0]  }
0x165: {  	v62 =	vld [tilespmem:s18+$0x34F0]  }
0x166: {  	v63 =	vld [tilespmem:s18+$0xF4D0]  }
0x167: {  	v10 =	vld [tilespmem:s18+$0xF4B0]  }
0x168: {  	v18 =	vld [tilespmem:s18+$0xF0F0]  }
0x169: {  	v24 =	vld [tilespmem:s18+$0xF0D0]  }
0x16a: {  	v34 =	vld [tilespmem:s18+$0xF090]  }
0x16b: {  	v56 =	vld [tilespmem:s18+$0xECF0]  }
0x16c: {  	p0 =	sne.s32 s21, $0x3F;
	v57 =	vld [tilespmem:s18+$0xECB0];
	[tilespmem:$0x1FF70] =	vst v0  }
.Ltmp0:
0x16d: {  	v58 =	vld [tilespmem:s18+$0xEC90];
	[tilespmem:$0x1FF80] =	vst v59;
	(pc) =	sbr.rel @p0 .LBB2_2-.Ltmp0, $4  }
0x16e: {  	[tilespmem:$0x1FF90] =	vst v60;
	v59 =	vld [tilespmem:s18+$0xE8D0]  }
0x16f: {  	[tilespmem:$0x1FFA0] =	vst v61;
	v60 =	vld [tilespmem:s18+$0xE8B0]  }
0x170: {  	[tilespmem:$0x1FFB0] =	vst v62;
	v62 =	vld [tilespmem:s18+$0xE4F0]  }
0x171: {  	s21 =	sadd.s32 $0x1, s21;
	[tilespmem:$0x1FFC0] =	vst v63;
	v63 =	vld [tilespmem:s18+$0xE4D0]  }
0x172: {  	s19 =	sadd.s32 $0x80, s19  }
0x173: {  	v61 =	vld [tilespmem:s19+$0x0];
	_ =	sdelay $0x1  }
0x174: {  	v0 =	vld [tilespmem:s18+$0xE080]  }
0x175: {  	v1 =	vld [tilespmem:s18+$0xE090]  }
0x176: {  	v2 =	vld [tilespmem:s18+$0xE0A0]  }
0x177: {  	v4 =	vld [tilespmem:s18+$0xE0B0];
	v3 =	vmul.f32 v30, v61  }
0x178: {  	v5 =	vmul.f32 v32, v61  }
0x179: {  	v6 =	vld [tilespmem:s18+$0xE0C0];
	v38 =	vmul.f32 v38, v61;
	v0 =	vadd.f32 v3, v0  }
0x17a: {  	v7 =	vld [tilespmem:s18+$0xE0D0];
	v53 =	vmul.f32 v53, v61;
	v1 =	vadd.f32 v5, v1  }
0x17b: {  	v8 =	vld [tilespmem:s18+$0xE0E0];
	v29 =	vmul.f32 v29, v61;
	v2 =	vadd.f32 v38, v2;
	[tilespmem:s18+$0xE080] =	vst v0  }
0x17c: {  	v30 =	vmul.f32 v54, v61;
	v32 =	vld [tilespmem:s18+$0xE0F0];
	v4 =	vadd.f32 v53, v4;
	[tilespmem:s18+$0xE090] =	vst v1  }
0x17d: {  	v54 =	vld [tilespmem:s18+$0xE4A0];
	v38 =	vmul.f32 v51, v61;
	v29 =	vadd.f32 v29, v58;
	[tilespmem:s18+$0xE0A0] =	vst v2  }
0x17e: {  	v51 =	vld [tilespmem:s18+$0xE480];
	v53 =	vmul.f32 v48, v61;
	v0 =	vadd.f32 v30, v6;
	[tilespmem:s18+$0xE0B0] =	vst v4  }
0x17f: {  	v3 =	vld [tilespmem:s18+$0xE490];
	v5 =	vadd.f32 v38, v7;
	v38 =	vmul.f32 v55, v61;
	[tilespmem:s18+$0xEC90] =	vst v29  }
0x180: {  	v6 =	vadd.f32 v53, v8;
	v53 =	vmul.f32 v44, v61;
	[tilespmem:s18+$0xE0C0] =	vst v0  }
0x181: {  	v48 =	vmul.f32 v49, v61;
	v49 =	vld [tilespmem:s18+$0xE4B0];
	[tilespmem:s18+$0xE0D0] =	vst v5;
	v1 =	vadd.f32 v38, v32  }
0x182: {  	v50 =	vmul.f32 v50, v61;
	[tilespmem:s18+$0xE0E0] =	vst v6;
	v4 =	vadd.f32 v53, v54  }
0x183: {  	v20 =	vmul.f32 v20, v61;
	v55 =	vld [tilespmem:s18+$0xE4E0];
	v2 =	vadd.f32 v48, v51;
	[tilespmem:s18+$0xE0F0] =	vst v1  }
0x184: {  	v7 =	vld [tilespmem:s18+$0xE8A0];
	v54 =	vmul.f32 v39, v61;
	v39 =	vmul.f32 v41, v61;
	v3 =	vadd.f32 v50, v3;
	[tilespmem:s18+$0xE4A0] =	vst v4  }
0x185: {  	v41 =	vmul.f32 v46, v61;
	v48 =	vmul.f32 v47, v61;
	v47 =	vadd.f32 v20, v34;
	[tilespmem:s18+$0xE480] =	vst v2  }
0x186: {  	v40 =	vmul.f32 v40, v61;
	v0 =	vld [tilespmem:s18+$0xE880];
	v8 =	vadd.f32 v54, v49;
	[tilespmem:s18+$0xE490] =	vst v3  }
0x187: {  	v36 =	vmul.f32 v36, v61;
	v5 =	vld [tilespmem:s18+$0xE890];
	v38 =	vadd.f32 v41, v62;
	[tilespmem:s18+$0xF090] =	vst v47  }
0x188: {  	v51 =	vld [tilespmem:s18+$0xE4C0];
	v50 =	vmul.f32 v52, v61;
	v32 =	vadd.f32 v40, v55;
	[tilespmem:s18+$0xE4B0] =	vst v8  }
0x189: {  	v44 =	vmul.f32 v42, v61;
	v7 =	vadd.f32 v36, v7;
	[tilespmem:s18+$0xE4F0] =	vst v38  }
0x18a: {  	v37 =	vmul.f32 v37, v61;
	v36 =	vadd.f32 v50, v59;
	[tilespmem:s18+$0xE4E0] =	vst v32  }
0x18b: {  	v35 =	vmul.f32 v35, v61;
	v6 =	vld [tilespmem:s18+$0xE8C0];
	v0 =	vadd.f32 v44, v0;
	[tilespmem:s18+$0xE8A0] =	vst v7  }
0x18c: {  	v1 =	vld [tilespmem:s18+$0xE8E0];
	v5 =	vadd.f32 v37, v5;
	[tilespmem:s18+$0xE8D0] =	vst v36  }
0x18d: {  	v2 =	vld [tilespmem:s18+$0xE8F0];
	v30 =	vadd.f32 v35, v51;
	[tilespmem:s18+$0xE880] =	vst v0  }
0x18e: {  	v49 =	vmul.f32 v43, v61;
	v3 =	vld [tilespmem:s18+$0xEC80];
	v35 =	vadd.f32 v39, v63;
	[tilespmem:s18+$0xE890] =	vst v5  }
0x18f: {  	v52 =	vmul.f32 v45, v61;
	v8 =	vld [tilespmem:s18+$0xECC0];
	v0 =	vadd.f32 v48, v60;
	[tilespmem:s18+$0xE4C0] =	vst v30  }
0x190: {  	v4 =	vld [tilespmem:s18+$0xECA0];
	v55 =	vmul.f32 v33, v61;
	v5 =	vadd.f32 v49, v6;
	[tilespmem:s18+$0xE4D0] =	vst v35  }
0x191: {  	v31 =	vmul.f32 v31, v61;
	v58 =	vld [tilespmem:$0x1FF90];
	v54 =	vadd.f32 v52, v1;
	[tilespmem:s18+$0xE8B0] =	vst v0  }
0x192: {  	v26 =	vmul.f32 v26, v61;
	v46 =	vld [tilespmem:s18+$0xF080];
	v1 =	vadd.f32 v55, v2;
	[tilespmem:s18+$0xE8C0] =	vst v5  }
0x193: {  	v53 =	vld [tilespmem:s18+$0xF0E0];
	v33 =	vmul.f32 v28, v61;
	v3 =	vadd.f32 v31, v3;
	[tilespmem:s18+$0xE8E0] =	vst v54  }
0x194: {  	v40 =	vmul.f32 v27, v61;
	v60 =	vld [tilespmem:s18+$0xF490];
	v8 =	vadd.f32 v26, v8;
	[tilespmem:s18+$0xE8F0] =	vst v1  }
0x195: {  	v45 =	vmul.f32 v21, v61;
	v35 =	vld [tilespmem:s18+$0xECE0];
	[tilespmem:s18+$0xEC80] =	vst v3;
	v1 =	vadd.f32 v33, v4  }
0x196: {  	v44 =	vmul.f32 v22, v61;
	v30 =	vld [tilespmem:s18+$0xECD0];
	v3 =	vadd.f32 v40, v57;
	[tilespmem:s18+$0xECC0] =	vst v8  }
0x197: {  	v38 =	vld [tilespmem:s18+$0xF0A0];
	v54 =	vmul.f32 v11, v61;
	v8 =	vadd.f32 v45, v46;
	[tilespmem:s18+$0xECA0] =	vst v1  }
0x198: {  	v42 =	vmul.f32 v23, v61;
	v51 =	vld [tilespmem:s18+$0xF0C0];
	[tilespmem:s18+$0xECB0] =	vst v3;
	v3 =	vadd.f32 v44, v56  }
0x199: {  	v25 =	vmul.f32 v25, v61;
	v37 =	vld [tilespmem:s18+$0xF0B0];
	v6 =	vadd.f32 v54, v60;
	[tilespmem:s18+$0xF080] =	vst v8  }
0x19a: {  	v62 =	vld [tilespmem:s18+$0xF4A0];
	v46 =	vmul.f32 v19, v61;
	v1 =	vadd.f32 v42, v35;
	[tilespmem:s18+$0xECF0] =	vst v3  }
0x19b: {  	v59 =	vld [tilespmem:s18+$0xF480];
	v49 =	vmul.f32 v16, v61;
	v43 =	vadd.f32 v25, v30;
	[tilespmem:s18+$0xF490] =	vst v6  }
0x19c: {  	v50 =	vmul.f32 v14, v61;
	v63 =	vld [tilespmem:s18+$0xF4C0];
	v48 =	vmul.f32 v17, v61;
	[tilespmem:s18+$0xECE0] =	vst v1;
	v1 =	vadd.f32 v46, v38  }
0x19d: {  	v15 =	vmul.f32 v15, v61;
	v57 =	vld [tilespmem:$0x1FF80];
	v8 =	vadd.f32 v49, v51;
	[tilespmem:s18+$0xECD0] =	vst v43  }
0x19e: {  	v56 =	vld [tilespmem:$0x1FF70];
	v3 =	vadd.f32 v48, v37;
	[tilespmem:s18+$0xF0A0] =	vst v1;
	v1 =	vadd.f32 v50, v53;
	v53 =	vmul.f32 v12, v61  }
0x19f: {  	v52 =	vmul.f32 v13, v61;
	v55 =	vmul.f32 v9, v61;
	v60 =	vld [tilespmem:$0x1FFC0];
	[tilespmem:s18+$0xF0C0] =	vst v8  }
0x1a0: {  	v51 =	vadd.f32 v15, v24;
	[tilespmem:s18+$0xF0B0] =	vst v3;
	v5 =	vadd.f32 v53, v59;
	v59 =	vld [tilespmem:$0x1FFA0]  }
0x1a1: {  	v3 =	vadd.f32 v52, v18;
	[tilespmem:s18+$0xF0E0] =	vst v1;
	v1 =	vadd.f32 v55, v62;
	v62 =	vld [tilespmem:$0x1FFB0]  }
0x1a2: {  	v36 =	vld [tilespmem:s18+$0xF4E0];
	[tilespmem:s18+$0xF0D0] =	vst v51;
	v2 =	vmul.f32 v57, v61  }
0x1a3: {  	v41 =	vld [tilespmem:s18+$0xF4F0];
	[tilespmem:s18+$0xF0F0] =	vst v3;
	v3 =	vmul.f32 v56, v61  }
0x1a4: {  	v0 =	vadd.f32 v2, v63;
	[tilespmem:s18+$0xF480] =	vst v5;
	v5 =	vmul.f32 v58, v61  }
0x1a5: {  	v3 =	vadd.f32 v3, v10;
	[tilespmem:s18+$0xF4A0] =	vst v1;
	v1 =	vmul.f32 v59, v61  }
0x1a6: {  	[tilespmem:s18+$0xF4C0] =	vst v0;
	v2 =	vadd.f32 v5, v60;
	v5 =	vmul.f32 v62, v61  }
0x1a7: {  	[tilespmem:s18+$0xF4B0] =	vst v3;
	v1 =	vadd.f32 v1, v36  }
0x1a8: {  	s17 =	sadd.s32 $0x1, s17;
	[tilespmem:s18+$0xF4D0] =	vst v2;
	v63 =	vadd.f32 v5, v41  }
0x1a9: {  	p0 =	sne.s32 s17, s10;
	[tilespmem:s18+$0xF4E0] =	vst v1  }
.Ltmp1:
0x1aa: {  	[tilespmem:s18+$0xF4F0] =	vst v63;
	(pc) =	sbr.rel @p0 .LBB2_1-.Ltmp1, $4  }
0x1ab: {  	[hbm4b:s9+s2] =	stream.linear.scatter [tilespmem:s15], [sflag:$0x2], $0xC000, $0x38;
	[tilespmem:$0x1A080] =	vst v63  }
0x1ac: {  	_ =	swait.ge [sflag:s11], $0xC000  }
0x1ad: {  	[sflag:s11] =	ssyncset.done $0x0  }
0x1ae: {  	[sflag:s11] =	ssyncadd.s32 $0xFFFF4000  }
0x1af: {  	_ =	sfence.sel $0x180000  }
0x1b0: {  	[bflag:$0x0] =	sbarrier.arrive $0xFFFF  }
0x1b1: {  	_ =	strace $0x9000004A  }
0x1b2: {  	s0 =	stileid.u32;
	[bflag:$0x2] =	sbarrier.arrive $0xFFFF  }
0x1b3: {  	p0 =	sne.s32 s0, $0x0;
	s0 =	rddreg [dreg:$0x2]  }
0x1b4: {  	s0 =	sadd.s32 @!p0 $0x100000, s0  }
0x1b5: {  	[sflag:s0] =	ssyncadd.tile.s32 @!p0 $0x1;
	_ =	shalt  }
.Lfunc_end2:
_tile_overlayer_lowered:
.L_overlay_start_2:
0x1b6: {  	(tag) =	ssettag $0x2  }
0x1b7: {  	s0 =	rddreg [dreg:$0x0];
	s2 =	stileid.u32  }
0x1b8: {  	s1 =	rddreg [dreg:$0x1];
	p0 =	sne.s32 s2, $0x0  }
0x1b9: {  	s3 =	rddreg [dreg:$0x2];
	[bflag:$0x3] =	sbarrier.arrive $0xFFFF;
	s2 =	simm.s32 @!p0 $0x1C02  }
0x1ba: {  	[timem:s3], [sflag:s2] =	dma.local @!p0 [hbm:s0], s1  }
0x1bb: {  	s0 =	simm.s32 @!p0 $0x2  }
0x1bc: {  	_ =	swait.ge @!p0 [sflag:s0], s1  }
0x1bd: {  	s1 =	ssub.s32 @!p0 $0x0, s1;
	[sflag:s0] =	ssyncset.done @!p0 $0x0  }
0x1be: {  	[sflag:s0] =	ssyncadd.s32 @!p0 s1  }
0x1bf: {  	[bflag:$0x3] =	sbarrier.arrive $0xFFFF  }
0x1c0: {  	_ =	shalt  }

</sc_bundles>
